<compile_context>
chip_gen: v7x
topology: tpu7x:2x2x1
jax: 0.10.2.dev20260603
libtpu: 0.0.44.dev20260713+nightly
codegen_flags: <defaults>
</compile_context>

<pallas_src>
import functools

import jax
import jax.numpy as jnp
from jax import lax
from jax.experimental import pallas as pl
from jax.experimental.pallas import tpu as pltpu
from jax.experimental.pallas import tpu_sc as plsc

B, N, M, K, D, C = 4, 8192, 1024, 32, 3, 32
CIN = D + C
CPAD = 48
CO = 64
QT = 128
RT = QT * K

SC_CORES = 2
SC_SUBCORES = 16
NW = SC_CORES * SC_SUBCORES
ROWS = B * M * K
ROWS_PER_W = ROWS // NW
GCHUNK = 128
NCHUNK = ROWS_PER_W // GCHUNK


SEG = 64
LN = 128
R = 5
INF = float("inf")
BIG = 2**30


def _topk_body(locT_ref, q_ref, idx_ref, d_ref, cv_ref, ci_ref):
    b = pl.program_id(0)
    p = locT_ref[0]
    px, py, pz = p[0], p[1], p[2]
    q = q_ref[0]
    qx = q[:, 0:1].reshape(QT, 1, 1)
    qy = q[:, 1:2].reshape(QT, 1, 1)
    qz = q[:, 2:3].reshape(QT, 1, 1)
    p2 = (px * px + py * py + pz * pz)[None]
    q2 = qx * qx + qy * qy + qz * qz
    bf = lambda x: x.astype(jnp.bfloat16).astype(jnp.float32)
    cross = bf(qx) * bf(px)[None] + bf(qy) * bf(py)[None] + bf(qz) * bf(pz)[None]
    d2 = jnp.maximum(q2 + p2 - 2.0 * cross, 0.0)

    s_iota = lax.broadcasted_iota(jnp.int32, (1, SEG, LN), 1)
    n_iota = s_iota * LN + lax.broadcasted_iota(jnp.int32, (1, SEG, LN), 2)
    l_iota = lax.broadcasted_iota(jnp.int32, (1, LN), 1)
    iota_k = lax.broadcasted_iota(jnp.int32, (1, K), 1)

    def lane_min_arg(d):
        s = jnp.min(d, axis=1)
        a = jnp.min(jnp.where(d == s[:, None, :], s_iota, BIG), axis=1)
        return s, a

    d_ref[...] = d2
    s_min, a_min = lane_min_arg(d2)
    for r in range(R):
        cv_ref[:, r, :] = s_min
        ci_ref[:, r, :] = a_min * LN + l_iota
        d = d_ref[...]
        kn = jnp.where(s_iota == a_min[:, None, :], INF, d)
        d_ref[...] = kn
        s_min, a_min = lane_min_arg(kn)

    m_rem = jnp.min(s_min, axis=1)
    cnt = jnp.sum((cv_ref[...] < m_rem[:, None, None]).astype(jnp.int32),
                  axis=(1, 2))
    ok = jnp.all(cnt >= K)

    def fast(_):
        def body(i, carry):
            v, acc = carry
            m = jnp.min(jnp.min(v, axis=1), axis=1)[:, None, None]
            n = jnp.min(jnp.min(jnp.where(v == m, ci_ref[...], BIG), axis=1),
                        axis=1)
            v = jnp.where(ci_ref[...] == n[:, None, None], INF, v)
            acc = jnp.where(iota_k == i, n[:, None], acc)
            return v, acc
        _, acc = lax.fori_loop(0, K, body,
                               (cv_ref[...], jnp.zeros((QT, K), jnp.int32)))
        return acc

    def slow(_):
        d_ref[...] = d2

        def body(i, acc):
            d = d_ref[...]
            m = jnp.min(jnp.min(d, axis=1), axis=1)[:, None, None]
            n = jnp.min(jnp.min(jnp.where(d == m, n_iota, BIG), axis=1),
                        axis=1)
            d_ref[...] = jnp.where(n_iota == n[:, None, None], INF, d)
            return jnp.where(iota_k == i, n[:, None], acc)

        return lax.fori_loop(0, K, body, jnp.zeros((QT, K), jnp.int32))

    acc = lax.cond(ok, fast, slow, 0)
    idx_ref[0] = acc + b * N


def _topk_call(locT, new_loc):
    return pl.pallas_call(
        _topk_body,
        grid=(B, M // QT),
        in_specs=[
            pl.BlockSpec((1, D, SEG, LN), lambda b, j: (b, 0, 0, 0)),
            pl.BlockSpec((1, QT, D), lambda b, j: (b, j, 0)),
        ],
        out_specs=pl.BlockSpec((1, QT, K), lambda b, j: (b, j, 0)),
        out_shape=jax.ShapeDtypeStruct((B, M, K), jnp.int32),
        scratch_shapes=[
            pltpu.VMEM((QT, SEG, LN), jnp.float32),
            pltpu.VMEM((QT, R, LN), jnp.float32),
            pltpu.VMEM((QT, R, LN), jnp.int32),
        ],
    )(locT, new_loc)


def _gather_kernel(idx_hbm, table_hbm, out_hbm, idx_v, rows_v, sem):
    wid = lax.axis_index("s") * SC_CORES + lax.axis_index("c")
    base = wid * ROWS_PER_W
    pltpu.sync_copy(idx_hbm.at[wid], idx_v)
    for cidx in range(NCHUNK):
        pltpu.async_copy(table_hbm.at[idx_v.at[cidx]], rows_v, sem).wait()
        pltpu.sync_copy(rows_v, out_hbm.at[pl.ds(base + cidx * GCHUNK, GCHUNK)])


def _gather_call(idx_flat, table):
    mesh = plsc.VectorSubcoreMesh(core_axis_name="c", subcore_axis_name="s")
    f = pl.kernel(
        _gather_kernel,
        out_type=jax.ShapeDtypeStruct((ROWS, CPAD), jnp.float32),
        mesh=mesh,
        compiler_params=pltpu.CompilerParams(use_tc_tiling_on_sc=False),
        scratch_types=[
            pltpu.VMEM((NCHUNK, GCHUNK), jnp.int32),
            pltpu.VMEM((GCHUNK, CPAD), jnp.float32),
            pltpu.SemaphoreType.DMA,
        ],
    )
    return f(idx_flat.reshape(NW, NCHUNK, GCHUNK), table)


def _mlp_body(g_ref, w_ref, q_ref, maxo_ref, mino_ref, stats_ref):
    t = pl.program_id(0)
    w = w_ref[...].astype(jnp.bfloat16)
    qpad = jnp.concatenate(
        [q_ref[...], jnp.zeros((QT, CPAD - D), jnp.float32)], axis=1)
    h = g_ref[...].reshape(QT, K, CPAD) - qpad[:, None, :]
    hb = h.reshape(RT, CPAD).astype(jnp.bfloat16)
    y = jnp.dot(hb, w, preferred_element_type=jnp.float32)
    y3 = y.reshape(QT, K, CO)
    maxo_ref[...] = jnp.max(y3, axis=1)
    mino_ref[...] = jnp.min(y3, axis=1)
    s = jnp.sum(y3, axis=(0, 1)).reshape(1, CO)
    s2 = jnp.sum(y3 * y3, axis=(0, 1)).reshape(1, CO)

    @pl.when(t == 0)
    def _():
        stats_ref[...] = jnp.zeros((8, CO), jnp.float32)

    stats_ref[0:1, :] += s
    stats_ref[1:2, :] += s2


def _mlp_call(g, w1p, q_flat):
    return pl.pallas_call(
        _mlp_body,
        grid=(ROWS // RT,),
        in_specs=[
            pl.BlockSpec((RT, CPAD), lambda t: (t, 0)),
            pl.BlockSpec((CPAD, CO), lambda t: (0, 0)),
            pl.BlockSpec((QT, D), lambda t: (t, 0)),
        ],
        out_specs=[
            pl.BlockSpec((QT, CO), lambda t: (t, 0)),
            pl.BlockSpec((QT, CO), lambda t: (t, 0)),
            pl.BlockSpec((8, CO), lambda t: (0, 0)),
        ],
        out_shape=[
            jax.ShapeDtypeStruct((B * M, CO), jnp.float32),
            jax.ShapeDtypeStruct((B * M, CO), jnp.float32),
            jax.ShapeDtypeStruct((8, CO), jnp.float32),
        ],
    )(g, w1p, q_flat)


def _fin_body(maxo_ref, mino_ref, stats_ref, g_ref, b_ref, out_ref):
    cnt = jnp.float32(ROWS)
    mean = stats_ref[0:1, :] / cnt
    var = stats_ref[1:2, :] / cnt - mean * mean
    scale = g_ref[...] * lax.rsqrt(var + 1e-5)
    y = jnp.where(scale > 0.0, maxo_ref[...], mino_ref[...])
    out_ref[...] = jnp.maximum((y - mean) * scale + b_ref[...], 0.0)


def _fin_call(maxo, mino, stats, gamma, beta):
    return pl.pallas_call(
        _fin_body,
        out_shape=jax.ShapeDtypeStruct((B * M, CO), jnp.float32),
    )(maxo, mino, stats, gamma, beta)


def kernel(loc, new_loc, features, W1, gamma1, beta1):
    locT = jnp.transpose(loc, (0, 2, 1)).reshape(B, D, SEG, LN)
    idx = _topk_call(locT, new_loc)
    featT = jnp.transpose(features, (0, 2, 1))
    table = jnp.concatenate(
        [loc.reshape(B * N, D), featT.reshape(B * N, C),
         jnp.zeros((B * N, CPAD - CIN), jnp.float32)], axis=1)
    g = _gather_call(idx.reshape(-1), table)
    w1p = jnp.zeros((CPAD, CO), jnp.float32).at[:CIN, :].set(W1.T)
    maxo, mino, stats = _mlp_call(g, w1p, new_loc.reshape(B * M, D))
    out = _fin_call(maxo, mino, stats, gamma1.reshape(1, CO),
                    beta1.reshape(1, CO))
    return jnp.transpose(out.reshape(B, M, CO), (0, 2, 1))

# --- scband reference (transcript-rebuilt; emitter-appended) ---
"""Pipeline reference for scband-point-net-layer-37718402793769 (READ-ONLY COPY).

The authoritative reference and input builder live on the scoring server;
editing this copy changes nothing except your own understanding.
"""

import jax, jax.numpy as jnp
import numpy as np


def setup_inputs(seed: int = 0) -> dict:
    key = jax.random.key(seed)
    k1, k2, k3, k4 = jax.random.split(key, 4)
    loc = jax.random.normal(k1, (4, 8192, 3), dtype=jnp.float32)
    new_loc = jax.random.normal(k2, (4, 1024, 3), dtype=jnp.float32)
    features = jax.random.normal(k3, (4, 32, 8192), dtype=jnp.float32)
    # mlp_spec [32, 64] with use_xyz -> conv in_channels = 32 + 3 = 35
    W1 = jax.random.normal(k4, (64, 35), dtype=jnp.float32) * (2.0 / 35.0) ** 0.5
    gamma1 = jnp.ones((64,), dtype=jnp.float32)
    beta1 = jnp.zeros((64,), dtype=jnp.float32)
    return {"loc": loc, "new_loc": new_loc, "features": features,
            "W1": W1, "gamma1": gamma1, "beta1": beta1}


def reference(loc, new_loc, features, W1, gamma1, beta1):
    k = 32
    # cdist(new_loc, loc): squared distances via ||a||^2 + ||b||^2 - 2ab (same top-k ordering as sqrt)
    d2 = (jnp.sum(new_loc ** 2, axis=-1)[:, :, None]
          + jnp.sum(loc ** 2, axis=-1)[:, None, :]
          - 2.0 * jnp.einsum('bmd,bnd->bmn', new_loc, loc))
    d2 = jnp.maximum(d2, 0.0)
    # topk(largest=False) -> top_k on negated distances
    _, idx = jax.lax.top_k(-d2, k)  # [B, M, k]
    # index_at(loc, idx): gather neighbor coordinates -> [B, M, k, 3]
    knn_loc = jax.vmap(lambda l, i: jnp.take(l, i, axis=0))(loc, idx)
    # subtract query location (relative coordinates)
    rel = knn_loc - new_loc[:, :, None, :]
    # index_at(features.transpose(1,2), idx) -> [B, M, k, C]
    featT = jnp.transpose(features, (0, 2, 1))  # [B, N, C]
    knn_feat = jax.vmap(lambda f, i: jnp.take(f, i, axis=0))(featT, idx)
    # use_xyz: concat relative xyz with gathered features -> [B, M, k, 3 + C]
    h = jnp.concatenate([rel, knn_feat], axis=-1)
    # Conv2d 1x1 (no bias, since bn=True)
    y = jnp.einsum('bmkc,oc->bmko', h, W1)  # [B, M, k, 64]
    # BatchNorm2d in training mode: batch statistics over (B, M, k), biased variance
    mean = jnp.mean(y, axis=(0, 1, 2))
    var = jnp.mean((y - mean) ** 2, axis=(0, 1, 2))
    y = (y - mean) / jnp.sqrt(var + 1e-5)
    y = y * gamma1 + beta1
    y = jnp.maximum(y, 0.0)  # ReLU
    # max over the k (neighbor) dimension
    out = jnp.max(y, axis=2)  # [B, M, 64]
    return jnp.transpose(out, (0, 2, 1))  # [B, 64, M]

if __name__ == "__main__":
    import jax
    _d = setup_inputs()
    print(jax.jit(kernel)(*tuple(_d.values())))

</pallas_src>

<mosaic_0001>
#map = affine_map<(d0, d1) -> (0, 0, 0)>
#map1 = affine_map<(d0, d1) -> (0, 0)>
module attributes {stable_mosaic.version = 14 : i64} {
  func.func @_gather_kernel(%arg0: i32, %arg1: i32, %arg2: memref<32x32x128xi32, #tpu.memory_space<hbm>>, %arg3: memref<32768x48xf32, #tpu.memory_space<hbm>>, %arg4: memref<131072x48xf32, #tpu.memory_space<hbm>>, %arg5: memref<32x128xi32, #tpu.memory_space<vmem>>, %arg6: memref<128x48xf32, #tpu.memory_space<vmem>>, %arg7: memref<!tpu.dma_semaphore, #tpu.memory_space<semaphore_mem>>) attributes {dimension_semantics = [#tpu.dimension_semantics<core_parallel>, #tpu.dimension_semantics<subcore_parallel>], iteration_bounds = array<i64: 2, 16>, scalar_prefetch = 0 : i64, scratch_operands = 3 : i64, tpu.core_type = #tpu.core_type<sc_vector_subcore>, window_params = [{transform_indices = #map}, {transform_indices = #map1}, {transform_indices = #map1}]} {
    %mul3A = arith.constant 2 : i32
    %mul3A_0 = arith.muli %arg1, %mul3A : i32
    %add3A = arith.addi %mul3A_0, %arg0 : i32
    %mul3A_1 = arith.constant 4096 : i32
    %mul3A_2 = arith.muli %add3A, %mul3A_1 : i32
    "tpu.region"() ({
      %run_scoped3A = tpu.sem_alloc : memref<!tpu.dma_semaphore, #tpu.memory_space<semaphore_mem>>
      %dma_start3A_513 = arith.constant 0 : i32
      %dma_start3A_514 = arith.constant 0 : i32
      %dma_start3A_515 = tpu.memref_slice %arg2[%add3A, %dma_start3A_513, %dma_start3A_514] : memref<32x32x128xi32, #tpu.memory_space<hbm>> -> memref<1x32x128xi32, #tpu.memory_space<hbm>>
      %dma_start3A_516 = tpu.memref_squeeze %dma_start3A_515 : memref<1x32x128xi32, #tpu.memory_space<hbm>> -> memref<32x128xi32, #tpu.memory_space<hbm>>
      %dma_start3A_517 = arith.constant 0 : i32
      %dma_start3A_518 = arith.constant 0 : i32
      %dma_start3A_519 = tpu.memref_slice %arg2[%add3A, %dma_start3A_517, %dma_start3A_518] : memref<32x32x128xi32, #tpu.memory_space<hbm>> -> memref<1x32x128xi32, #tpu.memory_space<hbm>>
      %dma_start3A_520 = tpu.memref_squeeze %dma_start3A_519 : memref<1x32x128xi32, #tpu.memory_space<hbm>> -> memref<32x128xi32, #tpu.memory_space<hbm>>
      tpu.enqueue_dma source(%dma_start3A_520 : memref<32x128xi32, #tpu.memory_space<hbm>>) target(%arg5 : memref<32x128xi32, #tpu.memory_space<vmem>>) target_semaphore(%run_scoped3A : memref<!tpu.dma_semaphore, #tpu.memory_space<semaphore_mem>>)
      %dma_wait3A_521 = arith.constant 0 : i32
      %dma_wait3A_522 = arith.constant 0 : i32
      %dma_wait3A_523 = tpu.memref_slice %arg2[%add3A, %dma_wait3A_521, %dma_wait3A_522] : memref<32x32x128xi32, #tpu.memory_space<hbm>> -> memref<1x32x128xi32, #tpu.memory_space<hbm>>
      %dma_wait3A_524 = tpu.memref_squeeze %dma_wait3A_523 : memref<1x32x128xi32, #tpu.memory_space<hbm>> -> memref<32x128xi32, #tpu.memory_space<hbm>>
      %dma_wait3A_525 = arith.constant 0 : i32
      %dma_wait3A_526 = arith.constant 0 : i32
      %dma_wait3A_527 = tpu.memref_slice %arg2[%add3A, %dma_wait3A_525, %dma_wait3A_526] : memref<32x32x128xi32, #tpu.memory_space<hbm>> -> memref<1x32x128xi32, #tpu.memory_space<hbm>>
      %dma_wait3A_528 = tpu.memref_squeeze %dma_wait3A_527 : memref<1x32x128xi32, #tpu.memory_space<hbm>> -> memref<32x128xi32, #tpu.memory_space<hbm>>
      tpu.wait_dma2 semaphore(%run_scoped3A : memref<!tpu.dma_semaphore, #tpu.memory_space<semaphore_mem>>) src(%dma_wait3A_528 : memref<32x128xi32, #tpu.memory_space<hbm>>) dst(%arg5 : memref<32x128xi32, #tpu.memory_space<vmem>>)
      tpu.yield
    }) : () -> ()
    %dma_start3A = arith.constant 0 : i32
    %dma_start3A_3 = arith.constant 0 : i32
    %dma_start3A_4 = tpu.memref_slice %arg5[%dma_start3A, %dma_start3A_3] : memref<32x128xi32, #tpu.memory_space<vmem>> -> memref<1x128xi32, #tpu.memory_space<vmem>>
    %dma_start3A_5 = tpu.memref_squeeze %dma_start3A_4 : memref<1x128xi32, #tpu.memory_space<vmem>> -> memref<128xi32, #tpu.memory_space<vmem>>
    %dma_start3A_6 = arith.constant 0 : i32
    %dma_start3A_7 = arith.constant 0 : i32
    %dma_start3A_8 = tpu.memref_slice %arg3[%dma_start3A_6, %dma_start3A_7] : memref<32768x48xf32, #tpu.memory_space<hbm>> -> memref<32768x48xf32, #tpu.memory_space<hbm>>
    tpu.enqueue_indirect_dma source(%dma_start3A_8 : memref<32768x48xf32, #tpu.memory_space<hbm>>) target(%arg6 : memref<128x48xf32, #tpu.memory_space<vmem>>) offsets(%dma_start3A_5 : memref<128xi32, #tpu.memory_space<vmem>>) semaphore(%arg7 : memref<!tpu.dma_semaphore, #tpu.memory_space<semaphore_mem>>)
    %dma_wait3A = arith.constant 0 : i32
    %dma_wait3A_9 = arith.constant 0 : i32
    %dma_wait3A_10 = tpu.memref_slice %arg5[%dma_wait3A, %dma_wait3A_9] : memref<32x128xi32, #tpu.memory_space<vmem>> -> memref<1x128xi32, #tpu.memory_space<vmem>>
    %dma_wait3A_11 = tpu.memref_squeeze %dma_wait3A_10 : memref<1x128xi32, #tpu.memory_space<vmem>> -> memref<128xi32, #tpu.memory_space<vmem>>
    %dma_wait3A_12 = arith.constant 0 : i32
    %dma_wait3A_13 = arith.constant 0 : i32
    %dma_wait3A_14 = tpu.memref_slice %arg3[%dma_wait3A_12, %dma_wait3A_13] : memref<32768x48xf32, #tpu.memory_space<hbm>> -> memref<32768x48xf32, #tpu.memory_space<hbm>>
    tpu.wait_indirect_dma semaphore(%arg7 : memref<!tpu.dma_semaphore, #tpu.memory_space<semaphore_mem>>) src(%dma_wait3A_14 : memref<32768x48xf32, #tpu.memory_space<hbm>>) dst(%arg6 : memref<128x48xf32, #tpu.memory_space<vmem>>)
    %add3A_15 = arith.constant 0 : i32
    %add3A_16 = arith.addi %mul3A_2, %add3A_15 : i32
    "tpu.region"() ({
      %run_scoped3A = tpu.sem_alloc : memref<!tpu.dma_semaphore, #tpu.memory_space<semaphore_mem>>
      %dma_start3A_513 = arith.constant 0 : i32
      %dma_start3A_514 = tpu.memref_slice %arg4[%add3A_16, %dma_start3A_513] : memref<131072x48xf32, #tpu.memory_space<hbm>> -> memref<128x48xf32, #tpu.memory_space<hbm>>
      %dma_start3A_515 = arith.constant 0 : i32
      %dma_start3A_516 = tpu.memref_slice %arg4[%add3A_16, %dma_start3A_515] : memref<131072x48xf32, #tpu.memory_space<hbm>> -> memref<128x48xf32, #tpu.memory_space<hbm>>
      tpu.enqueue_dma source(%arg6 : memref<128x48xf32, #tpu.memory_space<vmem>>) target(%dma_start3A_516 : memref<128x48xf32, #tpu.memory_space<hbm>>) target_semaphore(%run_scoped3A : memref<!tpu.dma_semaphore, #tpu.memory_space<semaphore_mem>>)
      %dma_wait3A_517 = arith.constant 0 : i32
      %dma_wait3A_518 = tpu.memref_slice %arg4[%add3A_16, %dma_wait3A_517] : memref<131072x48xf32, #tpu.memory_space<hbm>> -> memref<128x48xf32, #tpu.memory_space<hbm>>
      %dma_wait3A_519 = arith.constant 0 : i32
      %dma_wait3A_520 = tpu.memref_slice %arg4[%add3A_16, %dma_wait3A_519] : memref<131072x48xf32, #tpu.memory_space<hbm>> -> memref<128x48xf32, #tpu.memory_space<hbm>>
      tpu.wait_dma2 semaphore(%run_scoped3A : memref<!tpu.dma_semaphore, #tpu.memory_space<semaphore_mem>>) src(%arg6 : memref<128x48xf32, #tpu.memory_space<vmem>>) dst(%dma_wait3A_520 : memref<128x48xf32, #tpu.memory_space<hbm>>)
      tpu.yield
    }) : () -> ()
    %dma_start3A_17 = arith.constant 1 : i32
    %dma_start3A_18 = arith.constant 0 : i32
    %dma_start3A_19 = tpu.memref_slice %arg5[%dma_start3A_17, %dma_start3A_18] : memref<32x128xi32, #tpu.memory_space<vmem>> -> memref<1x128xi32, #tpu.memory_space<vmem>>
    %dma_start3A_20 = tpu.memref_squeeze %dma_start3A_19 : memref<1x128xi32, #tpu.memory_space<vmem>> -> memref<128xi32, #tpu.memory_space<vmem>>
    %dma_start3A_21 = arith.constant 0 : i32
    %dma_start3A_22 = arith.constant 0 : i32
    %dma_start3A_23 = tpu.memref_slice %arg3[%dma_start3A_21, %dma_start3A_22] : memref<32768x48xf32, #tpu.memory_space<hbm>> -> memref<32768x48xf32, #tpu.memory_space<hbm>>
    tpu.enqueue_indirect_dma source(%dma_start3A_23 : memref<32768x48xf32, #tpu.memory_space<hbm>>) target(%arg6 : memref<128x48xf32, #tpu.memory_space<vmem>>) offsets(%dma_start3A_20 : memref<128xi32, #tpu.memory_space<vmem>>) semaphore(%arg7 : memref<!tpu.dma_semaphore, #tpu.memory_space<semaphore_mem>>)
    %dma_wait3A_24 = arith.constant 1 : i32
    %dma_wait3A_25 = arith.constant 0 : i32
    %dma_wait3A_26 = tpu.memref_slice %arg5[%dma_wait3A_24, %dma_wait3A_25] : memref<32x128xi32, #tpu.memory_space<vmem>> -> memref<1x128xi32, #tpu.memory_space<vmem>>
    %dma_wait3A_27 = tpu.memref_squeeze %dma_wait3A_26 : memref<1x128xi32, #tpu.memory_space<vmem>> -> memref<128xi32, #tpu.memory_space<vmem>>
    %dma_wait3A_28 = arith.constant 0 : i32
    %dma_wait3A_29 = arith.constant 0 : i32
    %dma_wait3A_30 = tpu.memref_slice %arg3[%dma_wait3A_28, %dma_wait3A_29] : memref<32768x48xf32, #tpu.memory_space<hbm>> -> memref<32768x48xf32, #tpu.memory_space<hbm>>
    tpu.wait_indirect_dma semaphore(%arg7 : memref<!tpu.dma_semaphore, #tpu.memory_space<semaphore_mem>>) src(%dma_wait3A_30 : memref<32768x48xf32, #tpu.memory_space<hbm>>) dst(%arg6 : memref<128x48xf32, #tpu.memory_space<vmem>>)
    %add3A_31 = arith.constant 128 : i32
    %add3A_32 = arith.addi %mul3A_2, %add3A_31 : i32
    "tpu.region"() ({
      %run_scoped3A = tpu.sem_alloc : memref<!tpu.dma_semaphore, #tpu.memory_space<semaphore_mem>>
      %dma_start3A_513 = arith.constant 0 : i32
      %dma_start3A_514 = tpu.memref_slice %arg4[%add3A_32, %dma_start3A_513] : memref<131072x48xf32, #tpu.memory_space<hbm>> -> memref<128x48xf32, #tpu.memory_space<hbm>>
      %dma_start3A_515 = arith.constant 0 : i32
      %dma_start3A_516 = tpu.memref_slice %arg4[%add3A_32, %dma_start3A_515] : memref<131072x48xf32, #tpu.memory_space<hbm>> -> memref<128x48xf32, #tpu.memory_space<hbm>>
      tpu.enqueue_dma source(%arg6 : memref<128x48xf32, #tpu.memory_space<vmem>>) target(%dma_start3A_516 : memref<128x48xf32, #tpu.memory_space<hbm>>) target_semaphore(%run_scoped3A : memref<!tpu.dma_semaphore, #tpu.memory_space<semaphore_mem>>)
      %dma_wait3A_517 = arith.constant 0 : i32
      %dma_wait3A_518 = tpu.memref_slice %arg4[%add3A_32, %dma_wait3A_517] : memref<131072x48xf32, #tpu.memory_space<hbm>> -> memref<128x48xf32, #tpu.memory_space<hbm>>
      %dma_wait3A_519 = arith.constant 0 : i32
      %dma_wait3A_520 = tpu.memref_slice %arg4[%add3A_32, %dma_wait3A_519] : memref<131072x48xf32, #tpu.memory_space<hbm>> -> memref<128x48xf32, #tpu.memory_space<hbm>>
      tpu.wait_dma2 semaphore(%run_scoped3A : memref<!tpu.dma_semaphore, #tpu.memory_space<semaphore_mem>>) src(%arg6 : memref<128x48xf32, #tpu.memory_space<vmem>>) dst(%dma_wait3A_520 : memref<128x48xf32, #tpu.memory_space<hbm>>)
      tpu.yield
    }) : () -> ()
    %dma_start3A_33 = arith.constant 2 : i32
    %dma_start3A_34 = arith.constant 0 : i32
    %dma_start3A_35 = tpu.memref_slice %arg5[%dma_start3A_33, %dma_start3A_34] : memref<32x128xi32, #tpu.memory_space<vmem>> -> memref<1x128xi32, #tpu.memory_space<vmem>>
    %dma_start3A_36 = tpu.memref_squeeze %dma_start3A_35 : memref<1x128xi32, #tpu.memory_space<vmem>> -> memref<128xi32, #tpu.memory_space<vmem>>
    %dma_start3A_37 = arith.constant 0 : i32
    %dma_start3A_38 = arith.constant 0 : i32
    %dma_start3A_39 = tpu.memref_slice %arg3[%dma_start3A_37, %dma_start3A_38] : memref<32768x48xf32, #tpu.memory_space<hbm>> -> memref<32768x48xf32, #tpu.memory_space<hbm>>
    tpu.enqueue_indirect_dma source(%dma_start3A_39 : memref<32768x48xf32, #tpu.memory_space<hbm>>) target(%arg6 : memref<128x48xf32, #tpu.memory_space<vmem>>) offsets(%dma_start3A_36 : memref<128xi32, #tpu.memory_space<vmem>>) semaphore(%arg7 : memref<!tpu.dma_semaphore, #tpu.memory_space<semaphore_mem>>)
    %dma_wait3A_40 = arith.constant 2 : i32
    %dma_wait3A_41 = arith.constant 0 : i32
    %dma_wait3A_42 = tpu.memref_slice %arg5[%dma_wait3A_40, %dma_wait3A_41] : memref<32x128xi32, #tpu.memory_space<vmem>> -> memref<1x128xi32, #tpu.memory_space<vmem>>
    %dma_wait3A_43 = tpu.memref_squeeze %dma_wait3A_42 : memref<1x128xi32, #tpu.memory_space<vmem>> -> memref<128xi32, #tpu.memory_space<vmem>>
    %dma_wait3A_44 = arith.constant 0 : i32
    %dma_wait3A_45 = arith.constant 0 : i32
    %dma_wait3A_46 = tpu.memref_slice %arg3[%dma_wait3A_44, %dma_wait3A_45] : memref<32768x48xf32, #tpu.memory_space<hbm>> -> memref<32768x48xf32, #tpu.memory_space<hbm>>
    tpu.wait_indirect_dma semaphore(%arg7 : memref<!tpu.dma_semaphore, #tpu.memory_space<semaphore_mem>>) src(%dma_wait3A_46 : memref<32768x48xf32, #tpu.memory_space<hbm>>) dst(%arg6 : memref<128x48xf32, #tpu.memory_space<vmem>>)
    %add3A_47 = arith.constant 256 : i32
    %add3A_48 = arith.addi %mul3A_2, %add3A_47 : i32
    "tpu.region"() ({
      %run_scoped3A = tpu.sem_alloc : memref<!tpu.dma_semaphore, #tpu.memory_space<semaphore_mem>>
      %dma_start3A_513 = arith.constant 0 : i32
      %dma_start3A_514 = tpu.memref_slice %arg4[%add3A_48, %dma_start3A_513] : memref<131072x48xf32, #tpu.memory_space<hbm>> -> memref<128x48xf32, #tpu.memory_space<hbm>>
      %dma_start3A_515 = arith.constant 0 : i32
      %dma_start3A_516 = tpu.memref_slice %arg4[%add3A_48, %dma_start3A_515] : memref<131072x48xf32, #tpu.memory_space<hbm>> -> memref<128x48xf32, #tpu.memory_space<hbm>>
      tpu.enqueue_dma source(%arg6 : memref<128x48xf32, #tpu.memory_space<vmem>>) target(%dma_start3A_516 : memref<128x48xf32, #tpu.memory_space<hbm>>) target_semaphore(%run_scoped3A : memref<!tpu.dma_semaphore, #tpu.memory_space<semaphore_mem>>)
      %dma_wait3A_517 = arith.constant 0 : i32
      %dma_wait3A_518 = tpu.memref_slice %arg4[%add3A_48, %dma_wait3A_517] : memref<131072x48xf32, #tpu.memory_space<hbm>> -> memref<128x48xf32, #tpu.memory_space<hbm>>
      %dma_wait3A_519 = arith.constant 0 : i32
      %dma_wait3A_520 = tpu.memref_slice %arg4[%add3A_48, %dma_wait3A_519] : memref<131072x48xf32, #tpu.memory_space<hbm>> -> memref<128x48xf32, #tpu.memory_space<hbm>>
      tpu.wait_dma2 semaphore(%run_scoped3A : memref<!tpu.dma_semaphore, #tpu.memory_space<semaphore_mem>>) src(%arg6 : memref<128x48xf32, #tpu.memory_space<vmem>>) dst(%dma_wait3A_520 : memref<128x48xf32, #tpu.memory_space<hbm>>)
      tpu.yield
    }) : () -> ()
    %dma_start3A_49 = arith.constant 3 : i32
    %dma_start3A_50 = arith.constant 0 : i32
    %dma_start3A_51 = tpu.memref_slice %arg5[%dma_start3A_49, %dma_start3A_50] : memref<32x128xi32, #tpu.memory_space<vmem>> -> memref<1x128xi32, #tpu.memory_space<vmem>>
    %dma_start3A_52 = tpu.memref_squeeze %dma_start3A_51 : memref<1x128xi32, #tpu.memory_space<vmem>> -> memref<128xi32, #tpu.memory_space<vmem>>
    %dma_start3A_53 = arith.constant 0 : i32
    %dma_start3A_54 = arith.constant 0 : i32
    %dma_start3A_55 = tpu.memref_slice %arg3[%dma_start3A_53, %dma_start3A_54] : memref<32768x48xf32, #tpu.memory_space<hbm>> -> memref<32768x48xf32, #tpu.memory_space<hbm>>
    tpu.enqueue_indirect_dma source(%dma_start3A_55 : memref<32768x48xf32, #tpu.memory_space<hbm>>) target(%arg6 : memref<128x48xf32, #tpu.memory_space<vmem>>) offsets(%dma_start3A_52 : memref<128xi32, #tpu.memory_space<vmem>>) semaphore(%arg7 : memref<!tpu.dma_semaphore, #tpu.memory_space<semaphore_mem>>)
    %dma_wait3A_56 = arith.constant 3 : i32
    %dma_wait3A_57 = arith.constant 0 : i32
    %dma_wait3A_58 = tpu.memref_slice %arg5[%dma_wait3A_56, %dma_wait3A_57] : memref<32x128xi32, #tpu.memory_space<vmem>> -> memref<1x128xi32, #tpu.memory_space<vmem>>
    %dma_wait3A_59 = tpu.memref_squeeze %dma_wait3A_58 : memref<1x128xi32, #tpu.memory_space<vmem>> -> memref<128xi32, #tpu.memory_space<vmem>>
    %dma_wait3A_60 = arith.constant 0 : i32
    %dma_wait3A_61 = arith.constant 0 : i32
    %dma_wait3A_62 = tpu.memref_slice %arg3[%dma_wait3A_60, %dma_wait3A_61] : memref<32768x48xf32, #tpu.memory_space<hbm>> -> memref<32768x48xf32, #tpu.memory_space<hbm>>
    tpu.wait_indirect_dma semaphore(%arg7 : memref<!tpu.dma_semaphore, #tpu.memory_space<semaphore_mem>>) src(%dma_wait3A_62 : memref<32768x48xf32, #tpu.memory_space<hbm>>) dst(%arg6 : memref<128x48xf32, #tpu.memory_space<vmem>>)
    %add3A_63 = arith.constant 384 : i32
    %add3A_64 = arith.addi %mul3A_2, %add3A_63 : i32
    "tpu.region"() ({
      %run_scoped3A = tpu.sem_alloc : memref<!tpu.dma_semaphore, #tpu.memory_space<semaphore_mem>>
      %dma_start3A_513 = arith.constant 0 : i32
      %dma_start3A_514 = tpu.memref_slice %arg4[%add3A_64, %dma_start3A_513] : memref<131072x48xf32, #tpu.memory_space<hbm>> -> memref<128x48xf32, #tpu.memory_space<hbm>>
      %dma_start3A_515 = arith.constant 0 : i32
      %dma_start3A_516 = tpu.memref_slice %arg4[%add3A_64, %dma_start3A_515] : memref<131072x48xf32, #tpu.memory_space<hbm>> -> memref<128x48xf32, #tpu.memory_space<hbm>>
      tpu.enqueue_dma source(%arg6 : memref<128x48xf32, #tpu.memory_space<vmem>>) target(%dma_start3A_516 : memref<128x48xf32, #tpu.memory_space<hbm>>) target_semaphore(%run_scoped3A : memref<!tpu.dma_semaphore, #tpu.memory_space<semaphore_mem>>)
      %dma_wait3A_517 = arith.constant 0 : i32
      %dma_wait3A_518 = tpu.memref_slice %arg4[%add3A_64, %dma_wait3A_517] : memref<131072x48xf32, #tpu.memory_space<hbm>> -> memref<128x48xf32, #tpu.memory_space<hbm>>
      %dma_wait3A_519 = arith.constant 0 : i32
      %dma_wait3A_520 = tpu.memref_slice %arg4[%add3A_64, %dma_wait3A_519] : memref<131072x48xf32, #tpu.memory_space<hbm>> -> memref<128x48xf32, #tpu.memory_space<hbm>>
      tpu.wait_dma2 semaphore(%run_scoped3A : memref<!tpu.dma_semaphore, #tpu.memory_space<semaphore_mem>>) src(%arg6 : memref<128x48xf32, #tpu.memory_space<vmem>>) dst(%dma_wait3A_520 : memref<128x48xf32, #tpu.memory_space<hbm>>)
      tpu.yield
    }) : () -> ()
    %dma_start3A_65 = arith.constant 4 : i32
    %dma_start3A_66 = arith.constant 0 : i32
    %dma_start3A_67 = tpu.memref_slice %arg5[%dma_start3A_65, %dma_start3A_66] : memref<32x128xi32, #tpu.memory_space<vmem>> -> memref<1x128xi32, #tpu.memory_space<vmem>>
    %dma_start3A_68 = tpu.memref_squeeze %dma_start3A_67 : memref<1x128xi32, #tpu.memory_space<vmem>> -> memref<128xi32, #tpu.memory_space<vmem>>
    %dma_start3A_69 = arith.constant 0 : i32
    %dma_start3A_70 = arith.constant 0 : i32
    %dma_start3A_71 = tpu.memref_slice %arg3[%dma_start3A_69, %dma_start3A_70] : memref<32768x48xf32, #tpu.memory_space<hbm>> -> memref<32768x48xf32, #tpu.memory_space<hbm>>
    tpu.enqueue_indirect_dma source(%dma_start3A_71 : memref<32768x48xf32, #tpu.memory_space<hbm>>) target(%arg6 : memref<128x48xf32, #tpu.memory_space<vmem>>) offsets(%dma_start3A_68 : memref<128xi32, #tpu.memory_space<vmem>>) semaphore(%arg7 : memref<!tpu.dma_semaphore, #tpu.memory_space<semaphore_mem>>)
    %dma_wait3A_72 = arith.constant 4 : i32
    %dma_wait3A_73 = arith.constant 0 : i32
    %dma_wait3A_74 = tpu.memref_slice %arg5[%dma_wait3A_72, %dma_wait3A_73] : memref<32x128xi32, #tpu.memory_space<vmem>> -> memref<1x128xi32, #tpu.memory_space<vmem>>
    %dma_wait3A_75 = tpu.memref_squeeze %dma_wait3A_74 : memref<1x128xi32, #tpu.memory_space<vmem>> -> memref<128xi32, #tpu.memory_space<vmem>>
    %dma_wait3A_76 = arith.constant 0 : i32
    %dma_wait3A_77 = arith.constant 0 : i32
    %dma_wait3A_78 = tpu.memref_slice %arg3[%dma_wait3A_76, %dma_wait3A_77] : memref<32768x48xf32, #tpu.memory_space<hbm>> -> memref<32768x48xf32, #tpu.memory_space<hbm>>
    tpu.wait_indirect_dma semaphore(%arg7 : memref<!tpu.dma_semaphore, #tpu.memory_space<semaphore_mem>>) src(%dma_wait3A_78 : memref<32768x48xf32, #tpu.memory_space<hbm>>) dst(%arg6 : memref<128x48xf32, #tpu.memory_space<vmem>>)
    %add3A_79 = arith.constant 512 : i32
    %add3A_80 = arith.addi %mul3A_2, %add3A_79 : i32
    "tpu.region"() ({
      %run_scoped3A = tpu.sem_alloc : memref<!tpu.dma_semaphore, #tpu.memory_space<semaphore_mem>>
      %dma_start3A_513 = arith.constant 0 : i32
      %dma_start3A_514 = tpu.memref_slice %arg4[%add3A_80, %dma_start3A_513] : memref<131072x48xf32, #tpu.memory_space<hbm>> -> memref<128x48xf32, #tpu.memory_space<hbm>>
      %dma_start3A_515 = arith.constant 0 : i32
      %dma_start3A_516 = tpu.memref_slice %arg4[%add3A_80, %dma_start3A_515] : memref<131072x48xf32, #tpu.memory_space<hbm>> -> memref<128x48xf32, #tpu.memory_space<hbm>>
      tpu.enqueue_dma source(%arg6 : memref<128x48xf32, #tpu.memory_space<vmem>>) target(%dma_start3A_516 : memref<128x48xf32, #tpu.memory_space<hbm>>) target_semaphore(%run_scoped3A : memref<!tpu.dma_semaphore, #tpu.memory_space<semaphore_mem>>)
      %dma_wait3A_517 = arith.constant 0 : i32
      %dma_wait3A_518 = tpu.memref_slice %arg4[%add3A_80, %dma_wait3A_517] : memref<131072x48xf32, #tpu.memory_space<hbm>> -> memref<128x48xf32, #tpu.memory_space<hbm>>
      %dma_wait3A_519 = arith.constant 0 : i32
      %dma_wait3A_520 = tpu.memref_slice %arg4[%add3A_80, %dma_wait3A_519] : memref<131072x48xf32, #tpu.memory_space<hbm>> -> memref<128x48xf32, #tpu.memory_space<hbm>>
      tpu.wait_dma2 semaphore(%run_scoped3A : memref<!tpu.dma_semaphore, #tpu.memory_space<semaphore_mem>>) src(%arg6 : memref<128x48xf32, #tpu.memory_space<vmem>>) dst(%dma_wait3A_520 : memref<128x48xf32, #tpu.memory_space<hbm>>)
      tpu.yield
    }) : () -> ()
    %dma_start3A_81 = arith.constant 5 : i32
    %dma_start3A_82 = arith.constant 0 : i32
    %dma_start3A_83 = tpu.memref_slice %arg5[%dma_start3A_81, %dma_start3A_82] : memref<32x128xi32, #tpu.memory_space<vmem>> -> memref<1x128xi32, #tpu.memory_space<vmem>>
    %dma_start3A_84 = tpu.memref_squeeze %dma_start3A_83 : memref<1x128xi32, #tpu.memory_space<vmem>> -> memref<128xi32, #tpu.memory_space<vmem>>
    %dma_start3A_85 = arith.constant 0 : i32
    %dma_start3A_86 = arith.constant 0 : i32
    %dma_start3A_87 = tpu.memref_slice %arg3[%dma_start3A_85, %dma_start3A_86] : memref<32768x48xf32, #tpu.memory_space<hbm>> -> memref<32768x48xf32, #tpu.memory_space<hbm>>
    tpu.enqueue_indirect_dma source(%dma_start3A_87 : memref<32768x48xf32, #tpu.memory_space<hbm>>) target(%arg6 : memref<128x48xf32, #tpu.memory_space<vmem>>) offsets(%dma_start3A_84 : memref<128xi32, #tpu.memory_space<vmem>>) semaphore(%arg7 : memref<!tpu.dma_semaphore, #tpu.memory_space<semaphore_mem>>)
    %dma_wait3A_88 = arith.constant 5 : i32
    %dma_wait3A_89 = arith.constant 0 : i32
    %dma_wait3A_90 = tpu.memref_slice %arg5[%dma_wait3A_88, %dma_wait3A_89] : memref<32x128xi32, #tpu.memory_space<vmem>> -> memref<1x128xi32, #tpu.memory_space<vmem>>
    %dma_wait3A_91 = tpu.memref_squeeze %dma_wait3A_90 : memref<1x128xi32, #tpu.memory_space<vmem>> -> memref<128xi32, #tpu.memory_space<vmem>>
    %dma_wait3A_92 = arith.constant 0 : i32
    %dma_wait3A_93 = arith.constant 0 : i32
    %dma_wait3A_94 = tpu.memref_slice %arg3[%dma_wait3A_92, %dma_wait3A_93] : memref<32768x48xf32, #tpu.memory_space<hbm>> -> memref<32768x48xf32, #tpu.memory_space<hbm>>
    tpu.wait_indirect_dma semaphore(%arg7 : memref<!tpu.dma_semaphore, #tpu.memory_space<semaphore_mem>>) src(%dma_wait3A_94 : memref<32768x48xf32, #tpu.memory_space<hbm>>) dst(%arg6 : memref<128x48xf32, #tpu.memory_space<vmem>>)
    %add3A_95 = arith.constant 640 : i32
    %add3A_96 = arith.addi %mul3A_2, %add3A_95 : i32
    "tpu.region"() ({
      %run_scoped3A = tpu.sem_alloc : memref<!tpu.dma_semaphore, #tpu.memory_space<semaphore_mem>>
      %dma_start3A_513 = arith.constant 0 : i32
      %dma_start3A_514 = tpu.memref_slice %arg4[%add3A_96, %dma_start3A_513] : memref<131072x48xf32, #tpu.memory_space<hbm>> -> memref<128x48xf32, #tpu.memory_space<hbm>>
      %dma_start3A_515 = arith.constant 0 : i32
      %dma_start3A_516 = tpu.memref_slice %arg4[%add3A_96, %dma_start3A_515] : memref<131072x48xf32, #tpu.memory_space<hbm>> -> memref<128x48xf32, #tpu.memory_space<hbm>>
      tpu.enqueue_dma source(%arg6 : memref<128x48xf32, #tpu.memory_space<vmem>>) target(%dma_start3A_516 : memref<128x48xf32, #tpu.memory_space<hbm>>) target_semaphore(%run_scoped3A : memref<!tpu.dma_semaphore, #tpu.memory_space<semaphore_mem>>)
      %dma_wait3A_517 = arith.constant 0 : i32
      %dma_wait3A_518 = tpu.memref_slice %arg4[%add3A_96, %dma_wait3A_517] : memref<131072x48xf32, #tpu.memory_space<hbm>> -> memref<128x48xf32, #tpu.memory_space<hbm>>
      %dma_wait3A_519 = arith.constant 0 : i32
      %dma_wait3A_520 = tpu.memref_slice %arg4[%add3A_96, %dma_wait3A_519] : memref<131072x48xf32, #tpu.memory_space<hbm>> -> memref<128x48xf32, #tpu.memory_space<hbm>>
      tpu.wait_dma2 semaphore(%run_scoped3A : memref<!tpu.dma_semaphore, #tpu.memory_space<semaphore_mem>>) src(%arg6 : memref<128x48xf32, #tpu.memory_space<vmem>>) dst(%dma_wait3A_520 : memref<128x48xf32, #tpu.memory_space<hbm>>)
      tpu.yield
    }) : () -> ()
    %dma_start3A_97 = arith.constant 6 : i32
    %dma_start3A_98 = arith.constant 0 : i32
    %dma_start3A_99 = tpu.memref_slice %arg5[%dma_start3A_97, %dma_start3A_98] : memref<32x128xi32, #tpu.memory_space<vmem>> -> memref<1x128xi32, #tpu.memory_space<vmem>>
    %dma_start3A_100 = tpu.memref_squeeze %dma_start3A_99 : memref<1x128xi32, #tpu.memory_space<vmem>> -> memref<128xi32, #tpu.memory_space<vmem>>
    %dma_start3A_101 = arith.constant 0 : i32
    %dma_start3A_102 = arith.constant 0 : i32
    %dma_start3A_103 = tpu.memref_slice %arg3[%dma_start3A_101, %dma_start3A_102] : memref<32768x48xf32, #tpu.memory_space<hbm>> -> memref<32768x48xf32, #tpu.memory_space<hbm>>
    tpu.enqueue_indirect_dma source(%dma_start3A_103 : memref<32768x48xf32, #tpu.memory_space<hbm>>) target(%arg6 : memref<128x48xf32, #tpu.memory_space<vmem>>) offsets(%dma_start3A_100 : memref<128xi32, #tpu.memory_space<vmem>>) semaphore(%arg7 : memref<!tpu.dma_semaphore, #tpu.memory_space<semaphore_mem>>)
    %dma_wait3A_104 = arith.constant 6 : i32
    %dma_wait3A_105 = arith.constant 0 : i32
    %dma_wait3A_106 = tpu.memref_slice %arg5[%dma_wait3A_104, %dma_wait3A_105] : memref<32x128xi32, #tpu.memory_space<vmem>> -> memref<1x128xi32, #tpu.memory_space<vmem>>
    %dma_wait3A_107 = tpu.memref_squeeze %dma_wait3A_106 : memref<1x128xi32, #tpu.memory_space<vmem>> -> memref<128xi32, #tpu.memory_space<vmem>>
    %dma_wait3A_108 = arith.constant 0 : i32
    %dma_wait3A_109 = arith.constant 0 : i32
    %dma_wait3A_110 = tpu.memref_slice %arg3[%dma_wait3A_108, %dma_wait3A_109] : memref<32768x48xf32, #tpu.memory_space<hbm>> -> memref<32768x48xf32, #tpu.memory_space<hbm>>
    tpu.wait_indirect_dma semaphore(%arg7 : memref<!tpu.dma_semaphore, #tpu.memory_space<semaphore_mem>>) src(%dma_wait3A_110 : memref<32768x48xf32, #tpu.memory_space<hbm>>) dst(%arg6 : memref<128x48xf32, #tpu.memory_space<vmem>>)
    %add3A_111 = arith.constant 768 : i32
    %add3A_112 = arith.addi %mul3A_2, %add3A_111 : i32
    "tpu.region"() ({
      %run_scoped3A = tpu.sem_alloc : memref<!tpu.dma_semaphore, #tpu.memory_space<semaphore_mem>>
      %dma_start3A_513 = arith.constant 0 : i32
      %dma_start3A_514 = tpu.memref_slice %arg4[%add3A_112, %dma_start3A_513] : memref<131072x48xf32, #tpu.memory_space<hbm>> -> memref<128x48xf32, #tpu.memory_space<hbm>>
      %dma_start3A_515 = arith.constant 0 : i32
      %dma_start3A_516 = tpu.memref_slice %arg4[%add3A_112, %dma_start3A_515] : memref<131072x48xf32, #tpu.memory_space<hbm>> -> memref<128x48xf32, #tpu.memory_space<hbm>>
      tpu.enqueue_dma source(%arg6 : memref<128x48xf32, #tpu.memory_space<vmem>>) target(%dma_start3A_516 : memref<128x48xf32, #tpu.memory_space<hbm>>) target_semaphore(%run_scoped3A : memref<!tpu.dma_semaphore, #tpu.memory_space<semaphore_mem>>)
      %dma_wait3A_517 = arith.constant 0 : i32
      %dma_wait3A_518 = tpu.memref_slice %arg4[%add3A_112, %dma_wait3A_517] : memref<131072x48xf32, #tpu.memory_space<hbm>> -> memref<128x48xf32, #tpu.memory_space<hbm>>
      %dma_wait3A_519 = arith.constant 0 : i32
      %dma_wait3A_520 = tpu.memref_slice %arg4[%add3A_112, %dma_wait3A_519] : memref<131072x48xf32, #tpu.memory_space<hbm>> -> memref<128x48xf32, #tpu.memory_space<hbm>>
      tpu.wait_dma2 semaphore(%run_scoped3A : memref<!tpu.dma_semaphore, #tpu.memory_space<semaphore_mem>>) src(%arg6 : memref<128x48xf32, #tpu.memory_space<vmem>>) dst(%dma_wait3A_520 : memref<128x48xf32, #tpu.memory_space<hbm>>)
      tpu.yield
    }) : () -> ()
    %dma_start3A_113 = arith.constant 7 : i32
    %dma_start3A_114 = arith.constant 0 : i32
    %dma_start3A_115 = tpu.memref_slice %arg5[%dma_start3A_113, %dma_start3A_114] : memref<32x128xi32, #tpu.memory_space<vmem>> -> memref<1x128xi32, #tpu.memory_space<vmem>>
    %dma_start3A_116 = tpu.memref_squeeze %dma_start3A_115 : memref<1x128xi32, #tpu.memory_space<vmem>> -> memref<128xi32, #tpu.memory_space<vmem>>
    %dma_start3A_117 = arith.constant 0 : i32
    %dma_start3A_118 = arith.constant 0 : i32
    %dma_start3A_119 = tpu.memref_slice %arg3[%dma_start3A_117, %dma_start3A_118] : memref<32768x48xf32, #tpu.memory_space<hbm>> -> memref<32768x48xf32, #tpu.memory_space<hbm>>
    tpu.enqueue_indirect_dma source(%dma_start3A_119 : memref<32768x48xf32, #tpu.memory_space<hbm>>) target(%arg6 : memref<128x48xf32, #tpu.memory_space<vmem>>) offsets(%dma_start3A_116 : memref<128xi32, #tpu.memory_space<vmem>>) semaphore(%arg7 : memref<!tpu.dma_semaphore, #tpu.memory_space<semaphore_mem>>)
    %dma_wait3A_120 = arith.constant 7 : i32
    %dma_wait3A_121 = arith.constant 0 : i32
    %dma_wait3A_122 = tpu.memref_slice %arg5[%dma_wait3A_120, %dma_wait3A_121] : memref<32x128xi32, #tpu.memory_space<vmem>> -> memref<1x128xi32, #tpu.memory_space<vmem>>
    %dma_wait3A_123 = tpu.memref_squeeze %dma_wait3A_122 : memref<1x128xi32, #tpu.memory_space<vmem>> -> memref<128xi32, #tpu.memory_space<vmem>>
    %dma_wait3A_124 = arith.constant 0 : i32
    %dma_wait3A_125 = arith.constant 0 : i32
    %dma_wait3A_126 = tpu.memref_slice %arg3[%dma_wait3A_124, %dma_wait3A_125] : memref<32768x48xf32, #tpu.memory_space<hbm>> -> memref<32768x48xf32, #tpu.memory_space<hbm>>
    tpu.wait_indirect_dma semaphore(%arg7 : memref<!tpu.dma_semaphore, #tpu.memory_space<semaphore_mem>>) src(%dma_wait3A_126 : memref<32768x48xf32, #tpu.memory_space<hbm>>) dst(%arg6 : memref<128x48xf32, #tpu.memory_space<vmem>>)
    %add3A_127 = arith.constant 896 : i32
    %add3A_128 = arith.addi %mul3A_2, %add3A_127 : i32
    "tpu.region"() ({
      %run_scoped3A = tpu.sem_alloc : memref<!tpu.dma_semaphore, #tpu.memory_space<semaphore_mem>>
      %dma_start3A_513 = arith.constant 0 : i32
      %dma_start3A_514 = tpu.memref_slice %arg4[%add3A_128, %dma_start3A_513] : memref<131072x48xf32, #tpu.memory_space<hbm>> -> memref<128x48xf32, #tpu.memory_space<hbm>>
      %dma_start3A_515 = arith.constant 0 : i32
      %dma_start3A_516 = tpu.memref_slice %arg4[%add3A_128, %dma_start3A_515] : memref<131072x48xf32, #tpu.memory_space<hbm>> -> memref<128x48xf32, #tpu.memory_space<hbm>>
      tpu.enqueue_dma source(%arg6 : memref<128x48xf32, #tpu.memory_space<vmem>>) target(%dma_start3A_516 : memref<128x48xf32, #tpu.memory_space<hbm>>) target_semaphore(%run_scoped3A : memref<!tpu.dma_semaphore, #tpu.memory_space<semaphore_mem>>)
      %dma_wait3A_517 = arith.constant 0 : i32
      %dma_wait3A_518 = tpu.memref_slice %arg4[%add3A_128, %dma_wait3A_517] : memref<131072x48xf32, #tpu.memory_space<hbm>> -> memref<128x48xf32, #tpu.memory_space<hbm>>
      %dma_wait3A_519 = arith.constant 0 : i32
      %dma_wait3A_520 = tpu.memref_slice %arg4[%add3A_128, %dma_wait3A_519] : memref<131072x48xf32, #tpu.memory_space<hbm>> -> memref<128x48xf32, #tpu.memory_space<hbm>>
      tpu.wait_dma2 semaphore(%run_scoped3A : memref<!tpu.dma_semaphore, #tpu.memory_space<semaphore_mem>>) src(%arg6 : memref<128x48xf32, #tpu.memory_space<vmem>>) dst(%dma_wait3A_520 : memref<128x48xf32, #tpu.memory_space<hbm>>)
      tpu.yield
    }) : () -> ()
    %dma_start3A_129 = arith.constant 8 : i32
    %dma_start3A_130 = arith.constant 0 : i32
    %dma_start3A_131 = tpu.memref_slice %arg5[%dma_start3A_129, %dma_start3A_130] : memref<32x128xi32, #tpu.memory_space<vmem>> -> memref<1x128xi32, #tpu.memory_space<vmem>>
    %dma_start3A_132 = tpu.memref_squeeze %dma_start3A_131 : memref<1x128xi32, #tpu.memory_space<vmem>> -> memref<128xi32, #tpu.memory_space<vmem>>
    %dma_start3A_133 = arith.constant 0 : i32
    %dma_start3A_134 = arith.constant 0 : i32
    %dma_start3A_135 = tpu.memref_slice %arg3[%dma_start3A_133, %dma_start3A_134] : memref<32768x48xf32, #tpu.memory_space<hbm>> -> memref<32768x48xf32, #tpu.memory_space<hbm>>
    tpu.enqueue_indirect_dma source(%dma_start3A_135 : memref<32768x48xf32, #tpu.memory_space<hbm>>) target(%arg6 : memref<128x48xf32, #tpu.memory_space<vmem>>) offsets(%dma_start3A_132 : memref<128xi32, #tpu.memory_space<vmem>>) semaphore(%arg7 : memref<!tpu.dma_semaphore, #tpu.memory_space<semaphore_mem>>)
    %dma_wait3A_136 = arith.constant 8 : i32
    %dma_wait3A_137 = arith.constant 0 : i32
    %dma_wait3A_138 = tpu.memref_slice %arg5[%dma_wait3A_136, %dma_wait3A_137] : memref<32x128xi32, #tpu.memory_space<vmem>> -> memref<1x128xi32, #tpu.memory_space<vmem>>
    %dma_wait3A_139 = tpu.memref_squeeze %dma_wait3A_138 : memref<1x128xi32, #tpu.memory_space<vmem>> -> memref<128xi32, #tpu.memory_space<vmem>>
    %dma_wait3A_140 = arith.constant 0 : i32
    %dma_wait3A_141 = arith.constant 0 : i32
    %dma_wait3A_142 = tpu.memref_slice %arg3[%dma_wait3A_140, %dma_wait3A_141] : memref<32768x48xf32, #tpu.memory_space<hbm>> -> memref<32768x48xf32, #tpu.memory_space<hbm>>
    tpu.wait_indirect_dma semaphore(%arg7 : memref<!tpu.dma_semaphore, #tpu.memory_space<semaphore_mem>>) src(%dma_wait3A_142 : memref<32768x48xf32, #tpu.memory_space<hbm>>) dst(%arg6 : memref<128x48xf32, #tpu.memory_space<vmem>>)
    %add3A_143 = arith.constant 1024 : i32
    %add3A_144 = arith.addi %mul3A_2, %add3A_143 : i32
    "tpu.region"() ({
      %run_scoped3A = tpu.sem_alloc : memref<!tpu.dma_semaphore, #tpu.memory_space<semaphore_mem>>
      %dma_start3A_513 = arith.constant 0 : i32
      %dma_start3A_514 = tpu.memref_slice %arg4[%add3A_144, %dma_start3A_513] : memref<131072x48xf32, #tpu.memory_space<hbm>> -> memref<128x48xf32, #tpu.memory_space<hbm>>
      %dma_start3A_515 = arith.constant 0 : i32
      %dma_start3A_516 = tpu.memref_slice %arg4[%add3A_144, %dma_start3A_515] : memref<131072x48xf32, #tpu.memory_space<hbm>> -> memref<128x48xf32, #tpu.memory_space<hbm>>
      tpu.enqueue_dma source(%arg6 : memref<128x48xf32, #tpu.memory_space<vmem>>) target(%dma_start3A_516 : memref<128x48xf32, #tpu.memory_space<hbm>>) target_semaphore(%run_scoped3A : memref<!tpu.dma_semaphore, #tpu.memory_space<semaphore_mem>>)
      %dma_wait3A_517 = arith.constant 0 : i32
      %dma_wait3A_518 = tpu.memref_slice %arg4[%add3A_144, %dma_wait3A_517] : memref<131072x48xf32, #tpu.memory_space<hbm>> -> memref<128x48xf32, #tpu.memory_space<hbm>>
      %dma_wait3A_519 = arith.constant 0 : i32
      %dma_wait3A_520 = tpu.memref_slice %arg4[%add3A_144, %dma_wait3A_519] : memref<131072x48xf32, #tpu.memory_space<hbm>> -> memref<128x48xf32, #tpu.memory_space<hbm>>
      tpu.wait_dma2 semaphore(%run_scoped3A : memref<!tpu.dma_semaphore, #tpu.memory_space<semaphore_mem>>) src(%arg6 : memref<128x48xf32, #tpu.memory_space<vmem>>) dst(%dma_wait3A_520 : memref<128x48xf32, #tpu.memory_space<hbm>>)
      tpu.yield
    }) : () -> ()
    %dma_start3A_145 = arith.constant 9 : i32
    %dma_start3A_146 = arith.constant 0 : i32
    %dma_start3A_147 = tpu.memref_slice %arg5[%dma_start3A_145, %dma_start3A_146] : memref<32x128xi32, #tpu.memory_space<vmem>> -> memref<1x128xi32, #tpu.memory_space<vmem>>
    %dma_start3A_148 = tpu.memref_squeeze %dma_start3A_147 : memref<1x128xi32, #tpu.memory_space<vmem>> -> memref<128xi32, #tpu.memory_space<vmem>>
    %dma_start3A_149 = arith.constant 0 : i32
    %dma_start3A_150 = arith.constant 0 : i32
    %dma_start3A_151 = tpu.memref_slice %arg3[%dma_start3A_149, %dma_start3A_150] : memref<32768x48xf32, #tpu.memory_space<hbm>> -> memref<32768x48xf32, #tpu.memory_space<hbm>>
    tpu.enqueue_indirect_dma source(%dma_start3A_151 : memref<32768x48xf32, #tpu.memory_space<hbm>>) target(%arg6 : memref<128x48xf32, #tpu.memory_space<vmem>>) offsets(%dma_start3A_148 : memref<128xi32, #tpu.memory_space<vmem>>) semaphore(%arg7 : memref<!tpu.dma_semaphore, #tpu.memory_space<semaphore_mem>>)
    %dma_wait3A_152 = arith.constant 9 : i32
    %dma_wait3A_153 = arith.constant 0 : i32
    %dma_wait3A_154 = tpu.memref_slice %arg5[%dma_wait3A_152, %dma_wait3A_153] : memref<32x128xi32, #tpu.memory_space<vmem>> -> memref<1x128xi32, #tpu.memory_space<vmem>>
    %dma_wait3A_155 = tpu.memref_squeeze %dma_wait3A_154 : memref<1x128xi32, #tpu.memory_space<vmem>> -> memref<128xi32, #tpu.memory_space<vmem>>
    %dma_wait3A_156 = arith.constant 0 : i32
    %dma_wait3A_157 = arith.constant 0 : i32
    %dma_wait3A_158 = tpu.memref_slice %arg3[%dma_wait3A_156, %dma_wait3A_157] : memref<32768x48xf32, #tpu.memory_space<hbm>> -> memref<32768x48xf32, #tpu.memory_space<hbm>>
    tpu.wait_indirect_dma semaphore(%arg7 : memref<!tpu.dma_semaphore, #tpu.memory_space<semaphore_mem>>) src(%dma_wait3A_158 : memref<32768x48xf32, #tpu.memory_space<hbm>>) dst(%arg6 : memref<128x48xf32, #tpu.memory_space<vmem>>)
    %add3A_159 = arith.constant 1152 : i32
    %add3A_160 = arith.addi %mul3A_2, %add3A_159 : i32
    "tpu.region"() ({
      %run_scoped3A = tpu.sem_alloc : memref<!tpu.dma_semaphore, #tpu.memory_space<semaphore_mem>>
      %dma_start3A_513 = arith.constant 0 : i32
      %dma_start3A_514 = tpu.memref_slice %arg4[%add3A_160, %dma_start3A_513] : memref<131072x48xf32, #tpu.memory_space<hbm>> -> memref<128x48xf32, #tpu.memory_space<hbm>>
      %dma_start3A_515 = arith.constant 0 : i32
      %dma_start3A_516 = tpu.memref_slice %arg4[%add3A_160, %dma_start3A_515] : memref<131072x48xf32, #tpu.memory_space<hbm>> -> memref<128x48xf32, #tpu.memory_space<hbm>>
      tpu.enqueue_dma source(%arg6 : memref<128x48xf32, #tpu.memory_space<vmem>>) target(%dma_start3A_516 : memref<128x48xf32, #tpu.memory_space<hbm>>) target_semaphore(%run_scoped3A : memref<!tpu.dma_semaphore, #tpu.memory_space<semaphore_mem>>)
      %dma_wait3A_517 = arith.constant 0 : i32
      %dma_wait3A_518 = tpu.memref_slice %arg4[%add3A_160, %dma_wait3A_517] : memref<131072x48xf32, #tpu.memory_space<hbm>> -> memref<128x48xf32, #tpu.memory_space<hbm>>
      %dma_wait3A_519 = arith.constant 0 : i32
      %dma_wait3A_520 = tpu.memref_slice %arg4[%add3A_160, %dma_wait3A_519] : memref<131072x48xf32, #tpu.memory_space<hbm>> -> memref<128x48xf32, #tpu.memory_space<hbm>>
      tpu.wait_dma2 semaphore(%run_scoped3A : memref<!tpu.dma_semaphore, #tpu.memory_space<semaphore_mem>>) src(%arg6 : memref<128x48xf32, #tpu.memory_space<vmem>>) dst(%dma_wait3A_520 : memref<128x48xf32, #tpu.memory_space<hbm>>)
      tpu.yield
    }) : () -> ()
    %dma_start3A_161 = arith.constant 10 : i32
    %dma_start3A_162 = arith.constant 0 : i32
    %dma_start3A_163 = tpu.memref_slice %arg5[%dma_start3A_161, %dma_start3A_162] : memref<32x128xi32, #tpu.memory_space<vmem>> -> memref<1x128xi32, #tpu.memory_space<vmem>>
    %dma_start3A_164 = tpu.memref_squeeze %dma_start3A_163 : memref<1x128xi32, #tpu.memory_space<vmem>> -> memref<128xi32, #tpu.memory_space<vmem>>
    %dma_start3A_165 = arith.constant 0 : i32
    %dma_start3A_166 = arith.constant 0 : i32
    %dma_start3A_167 = tpu.memref_slice %arg3[%dma_start3A_165, %dma_start3A_166] : memref<32768x48xf32, #tpu.memory_space<hbm>> -> memref<32768x48xf32, #tpu.memory_space<hbm>>
    tpu.enqueue_indirect_dma source(%dma_start3A_167 : memref<32768x48xf32, #tpu.memory_space<hbm>>) target(%arg6 : memref<128x48xf32, #tpu.memory_space<vmem>>) offsets(%dma_start3A_164 : memref<128xi32, #tpu.memory_space<vmem>>) semaphore(%arg7 : memref<!tpu.dma_semaphore, #tpu.memory_space<semaphore_mem>>)
    %dma_wait3A_168 = arith.constant 10 : i32
    %dma_wait3A_169 = arith.constant 0 : i32
    %dma_wait3A_170 = tpu.memref_slice %arg5[%dma_wait3A_168, %dma_wait3A_169] : memref<32x128xi32, #tpu.memory_space<vmem>> -> memref<1x128xi32, #tpu.memory_space<vmem>>
    %dma_wait3A_171 = tpu.memref_squeeze %dma_wait3A_170 : memref<1x128xi32, #tpu.memory_space<vmem>> -> memref<128xi32, #tpu.memory_space<vmem>>
    %dma_wait3A_172 = arith.constant 0 : i32
    %dma_wait3A_173 = arith.constant 0 : i32
    %dma_wait3A_174 = tpu.memref_slice %arg3[%dma_wait3A_172, %dma_wait3A_173] : memref<32768x48xf32, #tpu.memory_space<hbm>> -> memref<32768x48xf32, #tpu.memory_space<hbm>>
    tpu.wait_indirect_dma semaphore(%arg7 : memref<!tpu.dma_semaphore, #tpu.memory_space<semaphore_mem>>) src(%dma_wait3A_174 : memref<32768x48xf32, #tpu.memory_space<hbm>>) dst(%arg6 : memref<128x48xf32, #tpu.memory_space<vmem>>)
    %add3A_175 = arith.constant 1280 : i32
    %add3A_176 = arith.addi %mul3A_2, %add3A_175 : i32
    "tpu.region"() ({
      %run_scoped3A = tpu.sem_alloc : memref<!tpu.dma_semaphore, #tpu.memory_space<semaphore_mem>>
      %dma_start3A_513 = arith.constant 0 : i32
      %dma_start3A_514 = tpu.memref_slice %arg4[%add3A_176, %dma_start3A_513] : memref<131072x48xf32, #tpu.memory_space<hbm>> -> memref<128x48xf32, #tpu.memory_space<hbm>>
      %dma_start3A_515 = arith.constant 0 : i32
      %dma_start3A_516 = tpu.memref_slice %arg4[%add3A_176, %dma_start3A_515] : memref<131072x48xf32, #tpu.memory_space<hbm>> -> memref<128x48xf32, #tpu.memory_space<hbm>>
      tpu.enqueue_dma source(%arg6 : memref<128x48xf32, #tpu.memory_space<vmem>>) target(%dma_start3A_516 : memref<128x48xf32, #tpu.memory_space<hbm>>) target_semaphore(%run_scoped3A : memref<!tpu.dma_semaphore, #tpu.memory_space<semaphore_mem>>)
      %dma_wait3A_517 = arith.constant 0 : i32
      %dma_wait3A_518 = tpu.memref_slice %arg4[%add3A_176, %dma_wait3A_517] : memref<131072x48xf32, #tpu.memory_space<hbm>> -> memref<128x48xf32, #tpu.memory_space<hbm>>
      %dma_wait3A_519 = arith.constant 0 : i32
      %dma_wait3A_520 = tpu.memref_slice %arg4[%add3A_176, %dma_wait3A_519] : memref<131072x48xf32, #tpu.memory_space<hbm>> -> memref<128x48xf32, #tpu.memory_space<hbm>>
      tpu.wait_dma2 semaphore(%run_scoped3A : memref<!tpu.dma_semaphore, #tpu.memory_space<semaphore_mem>>) src(%arg6 : memref<128x48xf32, #tpu.memory_space<vmem>>) dst(%dma_wait3A_520 : memref<128x48xf32, #tpu.memory_space<hbm>>)
      tpu.yield
    }) : () -> ()
    %dma_start3A_177 = arith.constant 11 : i32
    %dma_start3A_178 = arith.constant 0 : i32
    %dma_start3A_179 = tpu.memref_slice %arg5[%dma_start3A_177, %dma_start3A_178] : memref<32x128xi32, #tpu.memory_space<vmem>> -> memref<1x128xi32, #tpu.memory_space<vmem>>
    %dma_start3A_180 = tpu.memref_squeeze %dma_start3A_179 : memref<1x128xi32, #tpu.memory_space<vmem>> -> memref<128xi32, #tpu.memory_space<vmem>>
    %dma_start3A_181 = arith.constant 0 : i32
    %dma_start3A_182 = arith.constant 0 : i32
    %dma_start3A_183 = tpu.memref_slice %arg3[%dma_start3A_181, %dma_start3A_182] : memref<32768x48xf32, #tpu.memory_space<hbm>> -> memref<32768x48xf32, #tpu.memory_space<hbm>>
    tpu.enqueue_indirect_dma source(%dma_start3A_183 : memref<32768x48xf32, #tpu.memory_space<hbm>>) target(%arg6 : memref<128x48xf32, #tpu.memory_space<vmem>>) offsets(%dma_start3A_180 : memref<128xi32, #tpu.memory_space<vmem>>) semaphore(%arg7 : memref<!tpu.dma_semaphore, #tpu.memory_space<semaphore_mem>>)
    %dma_wait3A_184 = arith.constant 11 : i32
    %dma_wait3A_185 = arith.constant 0 : i32
    %dma_wait3A_186 = tpu.memref_slice %arg5[%dma_wait3A_184, %dma_wait3A_185] : memref<32x128xi32, #tpu.memory_space<vmem>> -> memref<1x128xi32, #tpu.memory_space<vmem>>
    %dma_wait3A_187 = tpu.memref_squeeze %dma_wait3A_186 : memref<1x128xi32, #tpu.memory_space<vmem>> -> memref<128xi32, #tpu.memory_space<vmem>>
    %dma_wait3A_188 = arith.constant 0 : i32
    %dma_wait3A_189 = arith.constant 0 : i32
    %dma_wait3A_190 = tpu.memref_slice %arg3[%dma_wait3A_188, %dma_wait3A_189] : memref<32768x48xf32, #tpu.memory_space<hbm>> -> memref<32768x48xf32, #tpu.memory_space<hbm>>
    tpu.wait_indirect_dma semaphore(%arg7 : memref<!tpu.dma_semaphore, #tpu.memory_space<semaphore_mem>>) src(%dma_wait3A_190 : memref<32768x48xf32, #tpu.memory_space<hbm>>) dst(%arg6 : memref<128x48xf32, #tpu.memory_space<vmem>>)
    %add3A_191 = arith.constant 1408 : i32
    %add3A_192 = arith.addi %mul3A_2, %add3A_191 : i32
    "tpu.region"() ({
      %run_scoped3A = tpu.sem_alloc : memref<!tpu.dma_semaphore, #tpu.memory_space<semaphore_mem>>
      %dma_start3A_513 = arith.constant 0 : i32
      %dma_start3A_514 = tpu.memref_slice %arg4[%add3A_192, %dma_start3A_513] : memref<131072x48xf32, #tpu.memory_space<hbm>> -> memref<128x48xf32, #tpu.memory_space<hbm>>
      %dma_start3A_515 = arith.constant 0 : i32
      %dma_start3A_516 = tpu.memref_slice %arg4[%add3A_192, %dma_start3A_515] : memref<131072x48xf32, #tpu.memory_space<hbm>> -> memref<128x48xf32, #tpu.memory_space<hbm>>
      tpu.enqueue_dma source(%arg6 : memref<128x48xf32, #tpu.memory_space<vmem>>) target(%dma_start3A_516 : memref<128x48xf32, #tpu.memory_space<hbm>>) target_semaphore(%run_scoped3A : memref<!tpu.dma_semaphore, #tpu.memory_space<semaphore_mem>>)
      %dma_wait3A_517 = arith.constant 0 : i32
      %dma_wait3A_518 = tpu.memref_slice %arg4[%add3A_192, %dma_wait3A_517] : memref<131072x48xf32, #tpu.memory_space<hbm>> -> memref<128x48xf32, #tpu.memory_space<hbm>>
      %dma_wait3A_519 = arith.constant 0 : i32
      %dma_wait3A_520 = tpu.memref_slice %arg4[%add3A_192, %dma_wait3A_519] : memref<131072x48xf32, #tpu.memory_space<hbm>> -> memref<128x48xf32, #tpu.memory_space<hbm>>
      tpu.wait_dma2 semaphore(%run_scoped3A : memref<!tpu.dma_semaphore, #tpu.memory_space<semaphore_mem>>) src(%arg6 : memref<128x48xf32, #tpu.memory_space<vmem>>) dst(%dma_wait3A_520 : memref<128x48xf32, #tpu.memory_space<hbm>>)
      tpu.yield
    }) : () -> ()
    %dma_start3A_193 = arith.constant 12 : i32
    %dma_start3A_194 = arith.constant 0 : i32
    %dma_start3A_195 = tpu.memref_slice %arg5[%dma_start3A_193, %dma_start3A_194] : memref<32x128xi32, #tpu.memory_space<vmem>> -> memref<1x128xi32, #tpu.memory_space<vmem>>
    %dma_start3A_196 = tpu.memref_squeeze %dma_start3A_195 : memref<1x128xi32, #tpu.memory_space<vmem>> -> memref<128xi32, #tpu.memory_space<vmem>>
    %dma_start3A_197 = arith.constant 0 : i32
    %dma_start3A_198 = arith.constant 0 : i32
    %dma_start3A_199 = tpu.memref_slice %arg3[%dma_start3A_197, %dma_start3A_198] : memref<32768x48xf32, #tpu.memory_space<hbm>> -> memref<32768x48xf32, #tpu.memory_space<hbm>>
    tpu.enqueue_indirect_dma source(%dma_start3A_199 : memref<32768x48xf32, #tpu.memory_space<hbm>>) target(%arg6 : memref<128x48xf32, #tpu.memory_space<vmem>>) offsets(%dma_start3A_196 : memref<128xi32, #tpu.memory_space<vmem>>) semaphore(%arg7 : memref<!tpu.dma_semaphore, #tpu.memory_space<semaphore_mem>>)
    %dma_wait3A_200 = arith.constant 12 : i32
    %dma_wait3A_201 = arith.constant 0 : i32
    %dma_wait3A_202 = tpu.memref_slice %arg5[%dma_wait3A_200, %dma_wait3A_201] : memref<32x128xi32, #tpu.memory_space<vmem>> -> memref<1x128xi32, #tpu.memory_space<vmem>>
    %dma_wait3A_203 = tpu.memref_squeeze %dma_wait3A_202 : memref<1x128xi32, #tpu.memory_space<vmem>> -> memref<128xi32, #tpu.memory_space<vmem>>
    %dma_wait3A_204 = arith.constant 0 : i32
    %dma_wait3A_205 = arith.constant 0 : i32
    %dma_wait3A_206 = tpu.memref_slice %arg3[%dma_wait3A_204, %dma_wait3A_205] : memref<32768x48xf32, #tpu.memory_space<hbm>> -> memref<32768x48xf32, #tpu.memory_space<hbm>>
    tpu.wait_indirect_dma semaphore(%arg7 : memref<!tpu.dma_semaphore, #tpu.memory_space<semaphore_mem>>) src(%dma_wait3A_206 : memref<32768x48xf32, #tpu.memory_space<hbm>>) dst(%arg6 : memref<128x48xf32, #tpu.memory_space<vmem>>)
    %add3A_207 = arith.constant 1536 : i32
    %add3A_208 = arith.addi %mul3A_2, %add3A_207 : i32
    "tpu.region"() ({
      %run_scoped3A = tpu.sem_alloc : memref<!tpu.dma_semaphore, #tpu.memory_space<semaphore_mem>>
      %dma_start3A_513 = arith.constant 0 : i32
      %dma_start3A_514 = tpu.memref_slice %arg4[%add3A_208, %dma_start3A_513] : memref<131072x48xf32, #tpu.memory_space<hbm>> -> memref<128x48xf32, #tpu.memory_space<hbm>>
      %dma_start3A_515 = arith.constant 0 : i32
      %dma_start3A_516 = tpu.memref_slice %arg4[%add3A_208, %dma_start3A_515] : memref<131072x48xf32, #tpu.memory_space<hbm>> -> memref<128x48xf32, #tpu.memory_space<hbm>>
      tpu.enqueue_dma source(%arg6 : memref<128x48xf32, #tpu.memory_space<vmem>>) target(%dma_start3A_516 : memref<128x48xf32, #tpu.memory_space<hbm>>) target_semaphore(%run_scoped3A : memref<!tpu.dma_semaphore, #tpu.memory_space<semaphore_mem>>)
      %dma_wait3A_517 = arith.constant 0 : i32
      %dma_wait3A_518 = tpu.memref_slice %arg4[%add3A_208, %dma_wait3A_517] : memref<131072x48xf32, #tpu.memory_space<hbm>> -> memref<128x48xf32, #tpu.memory_space<hbm>>
      %dma_wait3A_519 = arith.constant 0 : i32
      %dma_wait3A_520 = tpu.memref_slice %arg4[%add3A_208, %dma_wait3A_519] : memref<131072x48xf32, #tpu.memory_space<hbm>> -> memref<128x48xf32, #tpu.memory_space<hbm>>
      tpu.wait_dma2 semaphore(%run_scoped3A : memref<!tpu.dma_semaphore, #tpu.memory_space<semaphore_mem>>) src(%arg6 : memref<128x48xf32, #tpu.memory_space<vmem>>) dst(%dma_wait3A_520 : memref<128x48xf32, #tpu.memory_space<hbm>>)
      tpu.yield
    }) : () -> ()
    %dma_start3A_209 = arith.constant 13 : i32
    %dma_start3A_210 = arith.constant 0 : i32
    %dma_start3A_211 = tpu.memref_slice %arg5[%dma_start3A_209, %dma_start3A_210] : memref<32x128xi32, #tpu.memory_space<vmem>> -> memref<1x128xi32, #tpu.memory_space<vmem>>
    %dma_start3A_212 = tpu.memref_squeeze %dma_start3A_211 : memref<1x128xi32, #tpu.memory_space<vmem>> -> memref<128xi32, #tpu.memory_space<vmem>>
    %dma_start3A_213 = arith.constant 0 : i32
    %dma_start3A_214 = arith.constant 0 : i32
    %dma_start3A_215 = tpu.memref_slice %arg3[%dma_start3A_213, %dma_start3A_214] : memref<32768x48xf32, #tpu.memory_space<hbm>> -> memref<32768x48xf32, #tpu.memory_space<hbm>>
    tpu.enqueue_indirect_dma source(%dma_start3A_215 : memref<32768x48xf32, #tpu.memory_space<hbm>>) target(%arg6 : memref<128x48xf32, #tpu.memory_space<vmem>>) offsets(%dma_start3A_212 : memref<128xi32, #tpu.memory_space<vmem>>) semaphore(%arg7 : memref<!tpu.dma_semaphore, #tpu.memory_space<semaphore_mem>>)
    %dma_wait3A_216 = arith.constant 13 : i32
    %dma_wait3A_217 = arith.constant 0 : i32
    %dma_wait3A_218 = tpu.memref_slice %arg5[%dma_wait3A_216, %dma_wait3A_217] : memref<32x128xi32, #tpu.memory_space<vmem>> -> memref<1x128xi32, #tpu.memory_space<vmem>>
    %dma_wait3A_219 = tpu.memref_squeeze %dma_wait3A_218 : memref<1x128xi32, #tpu.memory_space<vmem>> -> memref<128xi32, #tpu.memory_space<vmem>>
    %dma_wait3A_220 = arith.constant 0 : i32
    %dma_wait3A_221 = arith.constant 0 : i32
    %dma_wait3A_222 = tpu.memref_slice %arg3[%dma_wait3A_220, %dma_wait3A_221] : memref<32768x48xf32, #tpu.memory_space<hbm>> -> memref<32768x48xf32, #tpu.memory_space<hbm>>
    tpu.wait_indirect_dma semaphore(%arg7 : memref<!tpu.dma_semaphore, #tpu.memory_space<semaphore_mem>>) src(%dma_wait3A_222 : memref<32768x48xf32, #tpu.memory_space<hbm>>) dst(%arg6 : memref<128x48xf32, #tpu.memory_space<vmem>>)
    %add3A_223 = arith.constant 1664 : i32
    %add3A_224 = arith.addi %mul3A_2, %add3A_223 : i32
    "tpu.region"() ({
      %run_scoped3A = tpu.sem_alloc : memref<!tpu.dma_semaphore, #tpu.memory_space<semaphore_mem>>
      %dma_start3A_513 = arith.constant 0 : i32
      %dma_start3A_514 = tpu.memref_slice %arg4[%add3A_224, %dma_start3A_513] : memref<131072x48xf32, #tpu.memory_space<hbm>> -> memref<128x48xf32, #tpu.memory_space<hbm>>
      %dma_start3A_515 = arith.constant 0 : i32
      %dma_start3A_516 = tpu.memref_slice %arg4[%add3A_224, %dma_start3A_515] : memref<131072x48xf32, #tpu.memory_space<hbm>> -> memref<128x48xf32, #tpu.memory_space<hbm>>
      tpu.enqueue_dma source(%arg6 : memref<128x48xf32, #tpu.memory_space<vmem>>) target(%dma_start3A_516 : memref<128x48xf32, #tpu.memory_space<hbm>>) target_semaphore(%run_scoped3A : memref<!tpu.dma_semaphore, #tpu.memory_space<semaphore_mem>>)
      %dma_wait3A_517 = arith.constant 0 : i32
      %dma_wait3A_518 = tpu.memref_slice %arg4[%add3A_224, %dma_wait3A_517] : memref<131072x48xf32, #tpu.memory_space<hbm>> -> memref<128x48xf32, #tpu.memory_space<hbm>>
      %dma_wait3A_519 = arith.constant 0 : i32
      %dma_wait3A_520 = tpu.memref_slice %arg4[%add3A_224, %dma_wait3A_519] : memref<131072x48xf32, #tpu.memory_space<hbm>> -> memref<128x48xf32, #tpu.memory_space<hbm>>
      tpu.wait_dma2 semaphore(%run_scoped3A : memref<!tpu.dma_semaphore, #tpu.memory_space<semaphore_mem>>) src(%arg6 : memref<128x48xf32, #tpu.memory_space<vmem>>) dst(%dma_wait3A_520 : memref<128x48xf32, #tpu.memory_space<hbm>>)
      tpu.yield
    }) : () -> ()
    %dma_start3A_225 = arith.constant 14 : i32
    %dma_start3A_226 = arith.constant 0 : i32
    %dma_start3A_227 = tpu.memref_slice %arg5[%dma_start3A_225, %dma_start3A_226] : memref<32x128xi32, #tpu.memory_space<vmem>> -> memref<1x128xi32, #tpu.memory_space<vmem>>
    %dma_start3A_228 = tpu.memref_squeeze %dma_start3A_227 : memref<1x128xi32, #tpu.memory_space<vmem>> -> memref<128xi32, #tpu.memory_space<vmem>>
    %dma_start3A_229 = arith.constant 0 : i32
    %dma_start3A_230 = arith.constant 0 : i32
    %dma_start3A_231 = tpu.memref_slice %arg3[%dma_start3A_229, %dma_start3A_230] : memref<32768x48xf32, #tpu.memory_space<hbm>> -> memref<32768x48xf32, #tpu.memory_space<hbm>>
    tpu.enqueue_indirect_dma source(%dma_start3A_231 : memref<32768x48xf32, #tpu.memory_space<hbm>>) target(%arg6 : memref<128x48xf32, #tpu.memory_space<vmem>>) offsets(%dma_start3A_228 : memref<128xi32, #tpu.memory_space<vmem>>) semaphore(%arg7 : memref<!tpu.dma_semaphore, #tpu.memory_space<semaphore_mem>>)
    %dma_wait3A_232 = arith.constant 14 : i32
    %dma_wait3A_233 = arith.constant 0 : i32
    %dma_wait3A_234 = tpu.memref_slice %arg5[%dma_wait3A_232, %dma_wait3A_233] : memref<32x128xi32, #tpu.memory_space<vmem>> -> memref<1x128xi32, #tpu.memory_space<vmem>>
    %dma_wait3A_235 = tpu.memref_squeeze %dma_wait3A_234 : memref<1x128xi32, #tpu.memory_space<vmem>> -> memref<128xi32, #tpu.memory_space<vmem>>
    %dma_wait3A_236 = arith.constant 0 : i32
    %dma_wait3A_237 = arith.constant 0 : i32
    %dma_wait3A_238 = tpu.memref_slice %arg3[%dma_wait3A_236, %dma_wait3A_237] : memref<32768x48xf32, #tpu.memory_space<hbm>> -> memref<32768x48xf32, #tpu.memory_space<hbm>>
    tpu.wait_indirect_dma semaphore(%arg7 : memref<!tpu.dma_semaphore, #tpu.memory_space<semaphore_mem>>) src(%dma_wait3A_238 : memref<32768x48xf32, #tpu.memory_space<hbm>>) dst(%arg6 : memref<128x48xf32, #tpu.memory_space<vmem>>)
    %add3A_239 = arith.constant 1792 : i32
    %add3A_240 = arith.addi %mul3A_2, %add3A_239 : i32
    "tpu.region"() ({
      %run_scoped3A = tpu.sem_alloc : memref<!tpu.dma_semaphore, #tpu.memory_space<semaphore_mem>>
      %dma_start3A_513 = arith.constant 0 : i32
      %dma_start3A_514 = tpu.memref_slice %arg4[%add3A_240, %dma_start3A_513] : memref<131072x48xf32, #tpu.memory_space<hbm>> -> memref<128x48xf32, #tpu.memory_space<hbm>>
      %dma_start3A_515 = arith.constant 0 : i32
      %dma_start3A_516 = tpu.memref_slice %arg4[%add3A_240, %dma_start3A_515] : memref<131072x48xf32, #tpu.memory_space<hbm>> -> memref<128x48xf32, #tpu.memory_space<hbm>>
      tpu.enqueue_dma source(%arg6 : memref<128x48xf32, #tpu.memory_space<vmem>>) target(%dma_start3A_516 : memref<128x48xf32, #tpu.memory_space<hbm>>) target_semaphore(%run_scoped3A : memref<!tpu.dma_semaphore, #tpu.memory_space<semaphore_mem>>)
      %dma_wait3A_517 = arith.constant 0 : i32
      %dma_wait3A_518 = tpu.memref_slice %arg4[%add3A_240, %dma_wait3A_517] : memref<131072x48xf32, #tpu.memory_space<hbm>> -> memref<128x48xf32, #tpu.memory_space<hbm>>
      %dma_wait3A_519 = arith.constant 0 : i32
      %dma_wait3A_520 = tpu.memref_slice %arg4[%add3A_240, %dma_wait3A_519] : memref<131072x48xf32, #tpu.memory_space<hbm>> -> memref<128x48xf32, #tpu.memory_space<hbm>>
      tpu.wait_dma2 semaphore(%run_scoped3A : memref<!tpu.dma_semaphore, #tpu.memory_space<semaphore_mem>>) src(%arg6 : memref<128x48xf32, #tpu.memory_space<vmem>>) dst(%dma_wait3A_520 : memref<128x48xf32, #tpu.memory_space<hbm>>)
      tpu.yield
    }) : () -> ()
    %dma_start3A_241 = arith.constant 15 : i32
    %dma_start3A_242 = arith.constant 0 : i32
    %dma_start3A_243 = tpu.memref_slice %arg5[%dma_start3A_241, %dma_start3A_242] : memref<32x128xi32, #tpu.memory_space<vmem>> -> memref<1x128xi32, #tpu.memory_space<vmem>>
    %dma_start3A_244 = tpu.memref_squeeze %dma_start3A_243 : memref<1x128xi32, #tpu.memory_space<vmem>> -> memref<128xi32, #tpu.memory_space<vmem>>
    %dma_start3A_245 = arith.constant 0 : i32
    %dma_start3A_246 = arith.constant 0 : i32
    %dma_start3A_247 = tpu.memref_slice %arg3[%dma_start3A_245, %dma_start3A_246] : memref<32768x48xf32, #tpu.memory_space<hbm>> -> memref<32768x48xf32, #tpu.memory_space<hbm>>
    tpu.enqueue_indirect_dma source(%dma_start3A_247 : memref<32768x48xf32, #tpu.memory_space<hbm>>) target(%arg6 : memref<128x48xf32, #tpu.memory_space<vmem>>) offsets(%dma_start3A_244 : memref<128xi32, #tpu.memory_space<vmem>>) semaphore(%arg7 : memref<!tpu.dma_semaphore, #tpu.memory_space<semaphore_mem>>)
    %dma_wait3A_248 = arith.constant 15 : i32
    %dma_wait3A_249 = arith.constant 0 : i32
    %dma_wait3A_250 = tpu.memref_slice %arg5[%dma_wait3A_248, %dma_wait3A_249] : memref<32x128xi32, #tpu.memory_space<vmem>> -> memref<1x128xi32, #tpu.memory_space<vmem>>
    %dma_wait3A_251 = tpu.memref_squeeze %dma_wait3A_250 : memref<1x128xi32, #tpu.memory_space<vmem>> -> memref<128xi32, #tpu.memory_space<vmem>>
    %dma_wait3A_252 = arith.constant 0 : i32
    %dma_wait3A_253 = arith.constant 0 : i32
    %dma_wait3A_254 = tpu.memref_slice %arg3[%dma_wait3A_252, %dma_wait3A_253] : memref<32768x48xf32, #tpu.memory_space<hbm>> -> memref<32768x48xf32, #tpu.memory_space<hbm>>
    tpu.wait_indirect_dma semaphore(%arg7 : memref<!tpu.dma_semaphore, #tpu.memory_space<semaphore_mem>>) src(%dma_wait3A_254 : memref<32768x48xf32, #tpu.memory_space<hbm>>) dst(%arg6 : memref<128x48xf32, #tpu.memory_space<vmem>>)
    %add3A_255 = arith.constant 1920 : i32
    %add3A_256 = arith.addi %mul3A_2, %add3A_255 : i32
    "tpu.region"() ({
      %run_scoped3A = tpu.sem_alloc : memref<!tpu.dma_semaphore, #tpu.memory_space<semaphore_mem>>
      %dma_start3A_513 = arith.constant 0 : i32
      %dma_start3A_514 = tpu.memref_slice %arg4[%add3A_256, %dma_start3A_513] : memref<131072x48xf32, #tpu.memory_space<hbm>> -> memref<128x48xf32, #tpu.memory_space<hbm>>
      %dma_start3A_515 = arith.constant 0 : i32
      %dma_start3A_516 = tpu.memref_slice %arg4[%add3A_256, %dma_start3A_515] : memref<131072x48xf32, #tpu.memory_space<hbm>> -> memref<128x48xf32, #tpu.memory_space<hbm>>
      tpu.enqueue_dma source(%arg6 : memref<128x48xf32, #tpu.memory_space<vmem>>) target(%dma_start3A_516 : memref<128x48xf32, #tpu.memory_space<hbm>>) target_semaphore(%run_scoped3A : memref<!tpu.dma_semaphore, #tpu.memory_space<semaphore_mem>>)
      %dma_wait3A_517 = arith.constant 0 : i32
      %dma_wait3A_518 = tpu.memref_slice %arg4[%add3A_256, %dma_wait3A_517] : memref<131072x48xf32, #tpu.memory_space<hbm>> -> memref<128x48xf32, #tpu.memory_space<hbm>>
      %dma_wait3A_519 = arith.constant 0 : i32
      %dma_wait3A_520 = tpu.memref_slice %arg4[%add3A_256, %dma_wait3A_519] : memref<131072x48xf32, #tpu.memory_space<hbm>> -> memref<128x48xf32, #tpu.memory_space<hbm>>
      tpu.wait_dma2 semaphore(%run_scoped3A : memref<!tpu.dma_semaphore, #tpu.memory_space<semaphore_mem>>) src(%arg6 : memref<128x48xf32, #tpu.memory_space<vmem>>) dst(%dma_wait3A_520 : memref<128x48xf32, #tpu.memory_space<hbm>>)
      tpu.yield
    }) : () -> ()
    %dma_start3A_257 = arith.constant 16 : i32
    %dma_start3A_258 = arith.constant 0 : i32
    %dma_start3A_259 = tpu.memref_slice %arg5[%dma_start3A_257, %dma_start3A_258] : memref<32x128xi32, #tpu.memory_space<vmem>> -> memref<1x128xi32, #tpu.memory_space<vmem>>
    %dma_start3A_260 = tpu.memref_squeeze %dma_start3A_259 : memref<1x128xi32, #tpu.memory_space<vmem>> -> memref<128xi32, #tpu.memory_space<vmem>>
    %dma_start3A_261 = arith.constant 0 : i32
    %dma_start3A_262 = arith.constant 0 : i32
    %dma_start3A_263 = tpu.memref_slice %arg3[%dma_start3A_261, %dma_start3A_262] : memref<32768x48xf32, #tpu.memory_space<hbm>> -> memref<32768x48xf32, #tpu.memory_space<hbm>>
    tpu.enqueue_indirect_dma source(%dma_start3A_263 : memref<32768x48xf32, #tpu.memory_space<hbm>>) target(%arg6 : memref<128x48xf32, #tpu.memory_space<vmem>>) offsets(%dma_start3A_260 : memref<128xi32, #tpu.memory_space<vmem>>) semaphore(%arg7 : memref<!tpu.dma_semaphore, #tpu.memory_space<semaphore_mem>>)
    %dma_wait3A_264 = arith.constant 16 : i32
    %dma_wait3A_265 = arith.constant 0 : i32
    %dma_wait3A_266 = tpu.memref_slice %arg5[%dma_wait3A_264, %dma_wait3A_265] : memref<32x128xi32, #tpu.memory_space<vmem>> -> memref<1x128xi32, #tpu.memory_space<vmem>>
    %dma_wait3A_267 = tpu.memref_squeeze %dma_wait3A_266 : memref<1x128xi32, #tpu.memory_space<vmem>> -> memref<128xi32, #tpu.memory_space<vmem>>
    %dma_wait3A_268 = arith.constant 0 : i32
    %dma_wait3A_269 = arith.constant 0 : i32
    %dma_wait3A_270 = tpu.memref_slice %arg3[%dma_wait3A_268, %dma_wait3A_269] : memref<32768x48xf32, #tpu.memory_space<hbm>> -> memref<32768x48xf32, #tpu.memory_space<hbm>>
    tpu.wait_indirect_dma semaphore(%arg7 : memref<!tpu.dma_semaphore, #tpu.memory_space<semaphore_mem>>) src(%dma_wait3A_270 : memref<32768x48xf32, #tpu.memory_space<hbm>>) dst(%arg6 : memref<128x48xf32, #tpu.memory_space<vmem>>)
    %add3A_271 = arith.constant 2048 : i32
    %add3A_272 = arith.addi %mul3A_2, %add3A_271 : i32
    "tpu.region"() ({
      %run_scoped3A = tpu.sem_alloc : memref<!tpu.dma_semaphore, #tpu.memory_space<semaphore_mem>>
      %dma_start3A_513 = arith.constant 0 : i32
      %dma_start3A_514 = tpu.memref_slice %arg4[%add3A_272, %dma_start3A_513] : memref<131072x48xf32, #tpu.memory_space<hbm>> -> memref<128x48xf32, #tpu.memory_space<hbm>>
      %dma_start3A_515 = arith.constant 0 : i32
      %dma_start3A_516 = tpu.memref_slice %arg4[%add3A_272, %dma_start3A_515] : memref<131072x48xf32, #tpu.memory_space<hbm>> -> memref<128x48xf32, #tpu.memory_space<hbm>>
      tpu.enqueue_dma source(%arg6 : memref<128x48xf32, #tpu.memory_space<vmem>>) target(%dma_start3A_516 : memref<128x48xf32, #tpu.memory_space<hbm>>) target_semaphore(%run_scoped3A : memref<!tpu.dma_semaphore, #tpu.memory_space<semaphore_mem>>)
      %dma_wait3A_517 = arith.constant 0 : i32
      %dma_wait3A_518 = tpu.memref_slice %arg4[%add3A_272, %dma_wait3A_517] : memref<131072x48xf32, #tpu.memory_space<hbm>> -> memref<128x48xf32, #tpu.memory_space<hbm>>
      %dma_wait3A_519 = arith.constant 0 : i32
      %dma_wait3A_520 = tpu.memref_slice %arg4[%add3A_272, %dma_wait3A_519] : memref<131072x48xf32, #tpu.memory_space<hbm>> -> memref<128x48xf32, #tpu.memory_space<hbm>>
      tpu.wait_dma2 semaphore(%run_scoped3A : memref<!tpu.dma_semaphore, #tpu.memory_space<semaphore_mem>>) src(%arg6 : memref<128x48xf32, #tpu.memory_space<vmem>>) dst(%dma_wait3A_520 : memref<128x48xf32, #tpu.memory_space<hbm>>)
      tpu.yield
    }) : () -> ()
    %dma_start3A_273 = arith.constant 17 : i32
    %dma_start3A_274 = arith.constant 0 : i32
    %dma_start3A_275 = tpu.memref_slice %arg5[%dma_start3A_273, %dma_start3A_274] : memref<32x128xi32, #tpu.memory_space<vmem>> -> memref<1x128xi32, #tpu.memory_space<vmem>>
    %dma_start3A_276 = tpu.memref_squeeze %dma_start3A_275 : memref<1x128xi32, #tpu.memory_space<vmem>> -> memref<128xi32, #tpu.memory_space<vmem>>
    %dma_start3A_277 = arith.constant 0 : i32
    %dma_start3A_278 = arith.constant 0 : i32
    %dma_start3A_279 = tpu.memref_slice %arg3[%dma_start3A_277, %dma_start3A_278] : memref<32768x48xf32, #tpu.memory_space<hbm>> -> memref<32768x48xf32, #tpu.memory_space<hbm>>
    tpu.enqueue_indirect_dma source(%dma_start3A_279 : memref<32768x48xf32, #tpu.memory_space<hbm>>) target(%arg6 : memref<128x48xf32, #tpu.memory_space<vmem>>) offsets(%dma_start3A_276 : memref<128xi32, #tpu.memory_space<vmem>>) semaphore(%arg7 : memref<!tpu.dma_semaphore, #tpu.memory_space<semaphore_mem>>)
    %dma_wait3A_280 = arith.constant 17 : i32
    %dma_wait3A_281 = arith.constant 0 : i32
    %dma_wait3A_282 = tpu.memref_slice %arg5[%dma_wait3A_280, %dma_wait3A_281] : memref<32x128xi32, #tpu.memory_space<vmem>> -> memref<1x128xi32, #tpu.memory_space<vmem>>
    %dma_wait3A_283 = tpu.memref_squeeze %dma_wait3A_282 : memref<1x128xi32, #tpu.memory_space<vmem>> -> memref<128xi32, #tpu.memory_space<vmem>>
    %dma_wait3A_284 = arith.constant 0 : i32
    %dma_wait3A_285 = arith.constant 0 : i32
    %dma_wait3A_286 = tpu.memref_slice %arg3[%dma_wait3A_284, %dma_wait3A_285] : memref<32768x48xf32, #tpu.memory_space<hbm>> -> memref<32768x48xf32, #tpu.memory_space<hbm>>
    tpu.wait_indirect_dma semaphore(%arg7 : memref<!tpu.dma_semaphore, #tpu.memory_space<semaphore_mem>>) src(%dma_wait3A_286 : memref<32768x48xf32, #tpu.memory_space<hbm>>) dst(%arg6 : memref<128x48xf32, #tpu.memory_space<vmem>>)
    %add3A_287 = arith.constant 2176 : i32
    %add3A_288 = arith.addi %mul3A_2, %add3A_287 : i32
    "tpu.region"() ({
      %run_scoped3A = tpu.sem_alloc : memref<!tpu.dma_semaphore, #tpu.memory_space<semaphore_mem>>
      %dma_start3A_513 = arith.constant 0 : i32
      %dma_start3A_514 = tpu.memref_slice %arg4[%add3A_288, %dma_start3A_513] : memref<131072x48xf32, #tpu.memory_space<hbm>> -> memref<128x48xf32, #tpu.memory_space<hbm>>
      %dma_start3A_515 = arith.constant 0 : i32
      %dma_start3A_516 = tpu.memref_slice %arg4[%add3A_288, %dma_start3A_515] : memref<131072x48xf32, #tpu.memory_space<hbm>> -> memref<128x48xf32, #tpu.memory_space<hbm>>
      tpu.enqueue_dma source(%arg6 : memref<128x48xf32, #tpu.memory_space<vmem>>) target(%dma_start3A_516 : memref<128x48xf32, #tpu.memory_space<hbm>>) target_semaphore(%run_scoped3A : memref<!tpu.dma_semaphore, #tpu.memory_space<semaphore_mem>>)
      %dma_wait3A_517 = arith.constant 0 : i32
      %dma_wait3A_518 = tpu.memref_slice %arg4[%add3A_288, %dma_wait3A_517] : memref<131072x48xf32, #tpu.memory_space<hbm>> -> memref<128x48xf32, #tpu.memory_space<hbm>>
      %dma_wait3A_519 = arith.constant 0 : i32
      %dma_wait3A_520 = tpu.memref_slice %arg4[%add3A_288, %dma_wait3A_519] : memref<131072x48xf32, #tpu.memory_space<hbm>> -> memref<128x48xf32, #tpu.memory_space<hbm>>
      tpu.wait_dma2 semaphore(%run_scoped3A : memref<!tpu.dma_semaphore, #tpu.memory_space<semaphore_mem>>) src(%arg6 : memref<128x48xf32, #tpu.memory_space<vmem>>) dst(%dma_wait3A_520 : memref<128x48xf32, #tpu.memory_space<hbm>>)
      tpu.yield
    }) : () -> ()
    %dma_start3A_289 = arith.constant 18 : i32
    %dma_start3A_290 = arith.constant 0 : i32
    %dma_start3A_291 = tpu.memref_slice %arg5[%dma_start3A_289, %dma_start3A_290] : memref<32x128xi32, #tpu.memory_space<vmem>> -> memref<1x128xi32, #tpu.memory_space<vmem>>
    %dma_start3A_292 = tpu.memref_squeeze %dma_start3A_291 : memref<1x128xi32, #tpu.memory_space<vmem>> -> memref<128xi32, #tpu.memory_space<vmem>>
    %dma_start3A_293 = arith.constant 0 : i32
    %dma_start3A_294 = arith.constant 0 : i32
    %dma_start3A_295 = tpu.memref_slice %arg3[%dma_start3A_293, %dma_start3A_294] : memref<32768x48xf32, #tpu.memory_space<hbm>> -> memref<32768x48xf32, #tpu.memory_space<hbm>>
    tpu.enqueue_indirect_dma source(%dma_start3A_295 : memref<32768x48xf32, #tpu.memory_space<hbm>>) target(%arg6 : memref<128x48xf32, #tpu.memory_space<vmem>>) offsets(%dma_start3A_292 : memref<128xi32, #tpu.memory_space<vmem>>) semaphore(%arg7 : memref<!tpu.dma_semaphore, #tpu.memory_space<semaphore_mem>>)
    %dma_wait3A_296 = arith.constant 18 : i32
    %dma_wait3A_297 = arith.constant 0 : i32
    %dma_wait3A_298 = tpu.memref_slice %arg5[%dma_wait3A_296, %dma_wait3A_297] : memref<32x128xi32, #tpu.memory_space<vmem>> -> memref<1x128xi32, #tpu.memory_space<vmem>>
    %dma_wait3A_299 = tpu.memref_squeeze %dma_wait3A_298 : memref<1x128xi32, #tpu.memory_space<vmem>> -> memref<128xi32, #tpu.memory_space<vmem>>
    %dma_wait3A_300 = arith.constant 0 : i32
    %dma_wait3A_301 = arith.constant 0 : i32
    %dma_wait3A_302 = tpu.memref_slice %arg3[%dma_wait3A_300, %dma_wait3A_301] : memref<32768x48xf32, #tpu.memory_space<hbm>> -> memref<32768x48xf32, #tpu.memory_space<hbm>>
    tpu.wait_indirect_dma semaphore(%arg7 : memref<!tpu.dma_semaphore, #tpu.memory_space<semaphore_mem>>) src(%dma_wait3A_302 : memref<32768x48xf32, #tpu.memory_space<hbm>>) dst(%arg6 : memref<128x48xf32, #tpu.memory_space<vmem>>)
    %add3A_303 = arith.constant 2304 : i32
    %add3A_304 = arith.addi %mul3A_2, %add3A_303 : i32
    "tpu.region"() ({
      %run_scoped3A = tpu.sem_alloc : memref<!tpu.dma_semaphore, #tpu.memory_space<semaphore_mem>>
      %dma_start3A_513 = arith.constant 0 : i32
      %dma_start3A_514 = tpu.memref_slice %arg4[%add3A_304, %dma_start3A_513] : memref<131072x48xf32, #tpu.memory_space<hbm>> -> memref<128x48xf32, #tpu.memory_space<hbm>>
      %dma_start3A_515 = arith.constant 0 : i32
      %dma_start3A_516 = tpu.memref_slice %arg4[%add3A_304, %dma_start3A_515] : memref<131072x48xf32, #tpu.memory_space<hbm>> -> memref<128x48xf32, #tpu.memory_space<hbm>>
      tpu.enqueue_dma source(%arg6 : memref<128x48xf32, #tpu.memory_space<vmem>>) target(%dma_start3A_516 : memref<128x48xf32, #tpu.memory_space<hbm>>) target_semaphore(%run_scoped3A : memref<!tpu.dma_semaphore, #tpu.memory_space<semaphore_mem>>)
      %dma_wait3A_517 = arith.constant 0 : i32
      %dma_wait3A_518 = tpu.memref_slice %arg4[%add3A_304, %dma_wait3A_517] : memref<131072x48xf32, #tpu.memory_space<hbm>> -> memref<128x48xf32, #tpu.memory_space<hbm>>
      %dma_wait3A_519 = arith.constant 0 : i32
      %dma_wait3A_520 = tpu.memref_slice %arg4[%add3A_304, %dma_wait3A_519] : memref<131072x48xf32, #tpu.memory_space<hbm>> -> memref<128x48xf32, #tpu.memory_space<hbm>>
      tpu.wait_dma2 semaphore(%run_scoped3A : memref<!tpu.dma_semaphore, #tpu.memory_space<semaphore_mem>>) src(%arg6 : memref<128x48xf32, #tpu.memory_space<vmem>>) dst(%dma_wait3A_520 : memref<128x48xf32, #tpu.memory_space<hbm>>)
      tpu.yield
    }) : () -> ()
    %dma_start3A_305 = arith.constant 19 : i32
    %dma_start3A_306 = arith.constant 0 : i32
    %dma_start3A_307 = tpu.memref_slice %arg5[%dma_start3A_305, %dma_start3A_306] : memref<32x128xi32, #tpu.memory_space<vmem>> -> memref<1x128xi32, #tpu.memory_space<vmem>>
    %dma_start3A_308 = tpu.memref_squeeze %dma_start3A_307 : memref<1x128xi32, #tpu.memory_space<vmem>> -> memref<128xi32, #tpu.memory_space<vmem>>
    %dma_start3A_309 = arith.constant 0 : i32
    %dma_start3A_310 = arith.constant 0 : i32
    %dma_start3A_311 = tpu.memref_slice %arg3[%dma_start3A_309, %dma_start3A_310] : memref<32768x48xf32, #tpu.memory_space<hbm>> -> memref<32768x48xf32, #tpu.memory_space<hbm>>
    tpu.enqueue_indirect_dma source(%dma_start3A_311 : memref<32768x48xf32, #tpu.memory_space<hbm>>) target(%arg6 : memref<128x48xf32, #tpu.memory_space<vmem>>) offsets(%dma_start3A_308 : memref<128xi32, #tpu.memory_space<vmem>>) semaphore(%arg7 : memref<!tpu.dma_semaphore, #tpu.memory_space<semaphore_mem>>)
    %dma_wait3A_312 = arith.constant 19 : i32
    %dma_wait3A_313 = arith.constant 0 : i32
    %dma_wait3A_314 = tpu.memref_slice %arg5[%dma_wait3A_312, %dma_wait3A_313] : memref<32x128xi32, #tpu.memory_space<vmem>> -> memref<1x128xi32, #tpu.memory_space<vmem>>
    %dma_wait3A_315 = tpu.memref_squeeze %dma_wait3A_314 : memref<1x128xi32, #tpu.memory_space<vmem>> -> memref<128xi32, #tpu.memory_space<vmem>>
    %dma_wait3A_316 = arith.constant 0 : i32
    %dma_wait3A_317 = arith.constant 0 : i32
    %dma_wait3A_318 = tpu.memref_slice %arg3[%dma_wait3A_316, %dma_wait3A_317] : memref<32768x48xf32, #tpu.memory_space<hbm>> -> memref<32768x48xf32, #tpu.memory_space<hbm>>
    tpu.wait_indirect_dma semaphore(%arg7 : memref<!tpu.dma_semaphore, #tpu.memory_space<semaphore_mem>>) src(%dma_wait3A_318 : memref<32768x48xf32, #tpu.memory_space<hbm>>) dst(%arg6 : memref<128x48xf32, #tpu.memory_space<vmem>>)
    %add3A_319 = arith.constant 2432 : i32
    %add3A_320 = arith.addi %mul3A_2, %add3A_319 : i32
    "tpu.region"() ({
      %run_scoped3A = tpu.sem_alloc : memref<!tpu.dma_semaphore, #tpu.memory_space<semaphore_mem>>
      %dma_start3A_513 = arith.constant 0 : i32
      %dma_start3A_514 = tpu.memref_slice %arg4[%add3A_320, %dma_start3A_513] : memref<131072x48xf32, #tpu.memory_space<hbm>> -> memref<128x48xf32, #tpu.memory_space<hbm>>
      %dma_start3A_515 = arith.constant 0 : i32
      %dma_start3A_516 = tpu.memref_slice %arg4[%add3A_320, %dma_start3A_515] : memref<131072x48xf32, #tpu.memory_space<hbm>> -> memref<128x48xf32, #tpu.memory_space<hbm>>
      tpu.enqueue_dma source(%arg6 : memref<128x48xf32, #tpu.memory_space<vmem>>) target(%dma_start3A_516 : memref<128x48xf32, #tpu.memory_space<hbm>>) target_semaphore(%run_scoped3A : memref<!tpu.dma_semaphore, #tpu.memory_space<semaphore_mem>>)
      %dma_wait3A_517 = arith.constant 0 : i32
      %dma_wait3A_518 = tpu.memref_slice %arg4[%add3A_320, %dma_wait3A_517] : memref<131072x48xf32, #tpu.memory_space<hbm>> -> memref<128x48xf32, #tpu.memory_space<hbm>>
      %dma_wait3A_519 = arith.constant 0 : i32
      %dma_wait3A_520 = tpu.memref_slice %arg4[%add3A_320, %dma_wait3A_519] : memref<131072x48xf32, #tpu.memory_space<hbm>> -> memref<128x48xf32, #tpu.memory_space<hbm>>
      tpu.wait_dma2 semaphore(%run_scoped3A : memref<!tpu.dma_semaphore, #tpu.memory_space<semaphore_mem>>) src(%arg6 : memref<128x48xf32, #tpu.memory_space<vmem>>) dst(%dma_wait3A_520 : memref<128x48xf32, #tpu.memory_space<hbm>>)
      tpu.yield
    }) : () -> ()
    %dma_start3A_321 = arith.constant 20 : i32
    %dma_start3A_322 = arith.constant 0 : i32
    %dma_start3A_323 = tpu.memref_slice %arg5[%dma_start3A_321, %dma_start3A_322] : memref<32x128xi32, #tpu.memory_space<vmem>> -> memref<1x128xi32, #tpu.memory_space<vmem>>
    %dma_start3A_324 = tpu.memref_squeeze %dma_start3A_323 : memref<1x128xi32, #tpu.memory_space<vmem>> -> memref<128xi32, #tpu.memory_space<vmem>>
    %dma_start3A_325 = arith.constant 0 : i32
    %dma_start3A_326 = arith.constant 0 : i32
    %dma_start3A_327 = tpu.memref_slice %arg3[%dma_start3A_325, %dma_start3A_326] : memref<32768x48xf32, #tpu.memory_space<hbm>> -> memref<32768x48xf32, #tpu.memory_space<hbm>>
    tpu.enqueue_indirect_dma source(%dma_start3A_327 : memref<32768x48xf32, #tpu.memory_space<hbm>>) target(%arg6 : memref<128x48xf32, #tpu.memory_space<vmem>>) offsets(%dma_start3A_324 : memref<128xi32, #tpu.memory_space<vmem>>) semaphore(%arg7 : memref<!tpu.dma_semaphore, #tpu.memory_space<semaphore_mem>>)
    %dma_wait3A_328 = arith.constant 20 : i32
    %dma_wait3A_329 = arith.constant 0 : i32
    %dma_wait3A_330 = tpu.memref_slice %arg5[%dma_wait3A_328, %dma_wait3A_329] : memref<32x128xi32, #tpu.memory_space<vmem>> -> memref<1x128xi32, #tpu.memory_space<vmem>>
    %dma_wait3A_331 = tpu.memref_squeeze %dma_wait3A_330 : memref<1x128xi32, #tpu.memory_space<vmem>> -> memref<128xi32, #tpu.memory_space<vmem>>
    %dma_wait3A_332 = arith.constant 0 : i32
    %dma_wait3A_333 = arith.constant 0 : i32
    %dma_wait3A_334 = tpu.memref_slice %arg3[%dma_wait3A_332, %dma_wait3A_333] : memref<32768x48xf32, #tpu.memory_space<hbm>> -> memref<32768x48xf32, #tpu.memory_space<hbm>>
    tpu.wait_indirect_dma semaphore(%arg7 : memref<!tpu.dma_semaphore, #tpu.memory_space<semaphore_mem>>) src(%dma_wait3A_334 : memref<32768x48xf32, #tpu.memory_space<hbm>>) dst(%arg6 : memref<128x48xf32, #tpu.memory_space<vmem>>)
    %add3A_335 = arith.constant 2560 : i32
    %add3A_336 = arith.addi %mul3A_2, %add3A_335 : i32
    "tpu.region"() ({
      %run_scoped3A = tpu.sem_alloc : memref<!tpu.dma_semaphore, #tpu.memory_space<semaphore_mem>>
      %dma_start3A_513 = arith.constant 0 : i32
      %dma_start3A_514 = tpu.memref_slice %arg4[%add3A_336, %dma_start3A_513] : memref<131072x48xf32, #tpu.memory_space<hbm>> -> memref<128x48xf32, #tpu.memory_space<hbm>>
      %dma_start3A_515 = arith.constant 0 : i32
      %dma_start3A_516 = tpu.memref_slice %arg4[%add3A_336, %dma_start3A_515] : memref<131072x48xf32, #tpu.memory_space<hbm>> -> memref<128x48xf32, #tpu.memory_space<hbm>>
      tpu.enqueue_dma source(%arg6 : memref<128x48xf32, #tpu.memory_space<vmem>>) target(%dma_start3A_516 : memref<128x48xf32, #tpu.memory_space<hbm>>) target_semaphore(%run_scoped3A : memref<!tpu.dma_semaphore, #tpu.memory_space<semaphore_mem>>)
      %dma_wait3A_517 = arith.constant 0 : i32
      %dma_wait3A_518 = tpu.memref_slice %arg4[%add3A_336, %dma_wait3A_517] : memref<131072x48xf32, #tpu.memory_space<hbm>> -> memref<128x48xf32, #tpu.memory_space<hbm>>
      %dma_wait3A_519 = arith.constant 0 : i32
      %dma_wait3A_520 = tpu.memref_slice %arg4[%add3A_336, %dma_wait3A_519] : memref<131072x48xf32, #tpu.memory_space<hbm>> -> memref<128x48xf32, #tpu.memory_space<hbm>>
      tpu.wait_dma2 semaphore(%run_scoped3A : memref<!tpu.dma_semaphore, #tpu.memory_space<semaphore_mem>>) src(%arg6 : memref<128x48xf32, #tpu.memory_space<vmem>>) dst(%dma_wait3A_520 : memref<128x48xf32, #tpu.memory_space<hbm>>)
      tpu.yield
    }) : () -> ()
    %dma_start3A_337 = arith.constant 21 : i32
    %dma_start3A_338 = arith.constant 0 : i32
    %dma_start3A_339 = tpu.memref_slice %arg5[%dma_start3A_337, %dma_start3A_338] : memref<32x128xi32, #tpu.memory_space<vmem>> -> memref<1x128xi32, #tpu.memory_space<vmem>>
    %dma_start3A_340 = tpu.memref_squeeze %dma_start3A_339 : memref<1x128xi32, #tpu.memory_space<vmem>> -> memref<128xi32, #tpu.memory_space<vmem>>
    %dma_start3A_341 = arith.constant 0 : i32
    %dma_start3A_342 = arith.constant 0 : i32
    %dma_start3A_343 = tpu.memref_slice %arg3[%dma_start3A_341, %dma_start3A_342] : memref<32768x48xf32, #tpu.memory_space<hbm>> -> memref<32768x48xf32, #tpu.memory_space<hbm>>
    tpu.enqueue_indirect_dma source(%dma_start3A_343 : memref<32768x48xf32, #tpu.memory_space<hbm>>) target(%arg6 : memref<128x48xf32, #tpu.memory_space<vmem>>) offsets(%dma_start3A_340 : memref<128xi32, #tpu.memory_space<vmem>>) semaphore(%arg7 : memref<!tpu.dma_semaphore, #tpu.memory_space<semaphore_mem>>)
    %dma_wait3A_344 = arith.constant 21 : i32
    %dma_wait3A_345 = arith.constant 0 : i32
    %dma_wait3A_346 = tpu.memref_slice %arg5[%dma_wait3A_344, %dma_wait3A_345] : memref<32x128xi32, #tpu.memory_space<vmem>> -> memref<1x128xi32, #tpu.memory_space<vmem>>
    %dma_wait3A_347 = tpu.memref_squeeze %dma_wait3A_346 : memref<1x128xi32, #tpu.memory_space<vmem>> -> memref<128xi32, #tpu.memory_space<vmem>>
    %dma_wait3A_348 = arith.constant 0 : i32
    %dma_wait3A_349 = arith.constant 0 : i32
    %dma_wait3A_350 = tpu.memref_slice %arg3[%dma_wait3A_348, %dma_wait3A_349] : memref<32768x48xf32, #tpu.memory_space<hbm>> -> memref<32768x48xf32, #tpu.memory_space<hbm>>
    tpu.wait_indirect_dma semaphore(%arg7 : memref<!tpu.dma_semaphore, #tpu.memory_space<semaphore_mem>>) src(%dma_wait3A_350 : memref<32768x48xf32, #tpu.memory_space<hbm>>) dst(%arg6 : memref<128x48xf32, #tpu.memory_space<vmem>>)
    %add3A_351 = arith.constant 2688 : i32
    %add3A_352 = arith.addi %mul3A_2, %add3A_351 : i32
    "tpu.region"() ({
      %run_scoped3A = tpu.sem_alloc : memref<!tpu.dma_semaphore, #tpu.memory_space<semaphore_mem>>
      %dma_start3A_513 = arith.constant 0 : i32
      %dma_start3A_514 = tpu.memref_slice %arg4[%add3A_352, %dma_start3A_513] : memref<131072x48xf32, #tpu.memory_space<hbm>> -> memref<128x48xf32, #tpu.memory_space<hbm>>
      %dma_start3A_515 = arith.constant 0 : i32
      %dma_start3A_516 = tpu.memref_slice %arg4[%add3A_352, %dma_start3A_515] : memref<131072x48xf32, #tpu.memory_space<hbm>> -> memref<128x48xf32, #tpu.memory_space<hbm>>
      tpu.enqueue_dma source(%arg6 : memref<128x48xf32, #tpu.memory_space<vmem>>) target(%dma_start3A_516 : memref<128x48xf32, #tpu.memory_space<hbm>>) target_semaphore(%run_scoped3A : memref<!tpu.dma_semaphore, #tpu.memory_space<semaphore_mem>>)
      %dma_wait3A_517 = arith.constant 0 : i32
      %dma_wait3A_518 = tpu.memref_slice %arg4[%add3A_352, %dma_wait3A_517] : memref<131072x48xf32, #tpu.memory_space<hbm>> -> memref<128x48xf32, #tpu.memory_space<hbm>>
      %dma_wait3A_519 = arith.constant 0 : i32
      %dma_wait3A_520 = tpu.memref_slice %arg4[%add3A_352, %dma_wait3A_519] : memref<131072x48xf32, #tpu.memory_space<hbm>> -> memref<128x48xf32, #tpu.memory_space<hbm>>
      tpu.wait_dma2 semaphore(%run_scoped3A : memref<!tpu.dma_semaphore, #tpu.memory_space<semaphore_mem>>) src(%arg6 : memref<128x48xf32, #tpu.memory_space<vmem>>) dst(%dma_wait3A_520 : memref<128x48xf32, #tpu.memory_space<hbm>>)
      tpu.yield
    }) : () -> ()
    %dma_start3A_353 = arith.constant 22 : i32
    %dma_start3A_354 = arith.constant 0 : i32
    %dma_start3A_355 = tpu.memref_slice %arg5[%dma_start3A_353, %dma_start3A_354] : memref<32x128xi32, #tpu.memory_space<vmem>> -> memref<1x128xi32, #tpu.memory_space<vmem>>
    %dma_start3A_356 = tpu.memref_squeeze %dma_start3A_355 : memref<1x128xi32, #tpu.memory_space<vmem>> -> memref<128xi32, #tpu.memory_space<vmem>>
    %dma_start3A_357 = arith.constant 0 : i32
    %dma_start3A_358 = arith.constant 0 : i32
    %dma_start3A_359 = tpu.memref_slice %arg3[%dma_start3A_357, %dma_start3A_358] : memref<32768x48xf32, #tpu.memory_space<hbm>> -> memref<32768x48xf32, #tpu.memory_space<hbm>>
    tpu.enqueue_indirect_dma source(%dma_start3A_359 : memref<32768x48xf32, #tpu.memory_space<hbm>>) target(%arg6 : memref<128x48xf32, #tpu.memory_space<vmem>>) offsets(%dma_start3A_356 : memref<128xi32, #tpu.memory_space<vmem>>) semaphore(%arg7 : memref<!tpu.dma_semaphore, #tpu.memory_space<semaphore_mem>>)
    %dma_wait3A_360 = arith.constant 22 : i32
    %dma_wait3A_361 = arith.constant 0 : i32
    %dma_wait3A_362 = tpu.memref_slice %arg5[%dma_wait3A_360, %dma_wait3A_361] : memref<32x128xi32, #tpu.memory_space<vmem>> -> memref<1x128xi32, #tpu.memory_space<vmem>>
    %dma_wait3A_363 = tpu.memref_squeeze %dma_wait3A_362 : memref<1x128xi32, #tpu.memory_space<vmem>> -> memref<128xi32, #tpu.memory_space<vmem>>
    %dma_wait3A_364 = arith.constant 0 : i32
    %dma_wait3A_365 = arith.constant 0 : i32
    %dma_wait3A_366 = tpu.memref_slice %arg3[%dma_wait3A_364, %dma_wait3A_365] : memref<32768x48xf32, #tpu.memory_space<hbm>> -> memref<32768x48xf32, #tpu.memory_space<hbm>>
    tpu.wait_indirect_dma semaphore(%arg7 : memref<!tpu.dma_semaphore, #tpu.memory_space<semaphore_mem>>) src(%dma_wait3A_366 : memref<32768x48xf32, #tpu.memory_space<hbm>>) dst(%arg6 : memref<128x48xf32, #tpu.memory_space<vmem>>)
    %add3A_367 = arith.constant 2816 : i32
    %add3A_368 = arith.addi %mul3A_2, %add3A_367 : i32
    "tpu.region"() ({
      %run_scoped3A = tpu.sem_alloc : memref<!tpu.dma_semaphore, #tpu.memory_space<semaphore_mem>>
      %dma_start3A_513 = arith.constant 0 : i32
      %dma_start3A_514 = tpu.memref_slice %arg4[%add3A_368, %dma_start3A_513] : memref<131072x48xf32, #tpu.memory_space<hbm>> -> memref<128x48xf32, #tpu.memory_space<hbm>>
      %dma_start3A_515 = arith.constant 0 : i32
      %dma_start3A_516 = tpu.memref_slice %arg4[%add3A_368, %dma_start3A_515] : memref<131072x48xf32, #tpu.memory_space<hbm>> -> memref<128x48xf32, #tpu.memory_space<hbm>>
      tpu.enqueue_dma source(%arg6 : memref<128x48xf32, #tpu.memory_space<vmem>>) target(%dma_start3A_516 : memref<128x48xf32, #tpu.memory_space<hbm>>) target_semaphore(%run_scoped3A : memref<!tpu.dma_semaphore, #tpu.memory_space<semaphore_mem>>)
      %dma_wait3A_517 = arith.constant 0 : i32
      %dma_wait3A_518 = tpu.memref_slice %arg4[%add3A_368, %dma_wait3A_517] : memref<131072x48xf32, #tpu.memory_space<hbm>> -> memref<128x48xf32, #tpu.memory_space<hbm>>
      %dma_wait3A_519 = arith.constant 0 : i32
      %dma_wait3A_520 = tpu.memref_slice %arg4[%add3A_368, %dma_wait3A_519] : memref<131072x48xf32, #tpu.memory_space<hbm>> -> memref<128x48xf32, #tpu.memory_space<hbm>>
      tpu.wait_dma2 semaphore(%run_scoped3A : memref<!tpu.dma_semaphore, #tpu.memory_space<semaphore_mem>>) src(%arg6 : memref<128x48xf32, #tpu.memory_space<vmem>>) dst(%dma_wait3A_520 : memref<128x48xf32, #tpu.memory_space<hbm>>)
      tpu.yield
    }) : () -> ()
    %dma_start3A_369 = arith.constant 23 : i32
    %dma_start3A_370 = arith.constant 0 : i32
    %dma_start3A_371 = tpu.memref_slice %arg5[%dma_start3A_369, %dma_start3A_370] : memref<32x128xi32, #tpu.memory_space<vmem>> -> memref<1x128xi32, #tpu.memory_space<vmem>>
    %dma_start3A_372 = tpu.memref_squeeze %dma_start3A_371 : memref<1x128xi32, #tpu.memory_space<vmem>> -> memref<128xi32, #tpu.memory_space<vmem>>
    %dma_start3A_373 = arith.constant 0 : i32
    %dma_start3A_374 = arith.constant 0 : i32
    %dma_start3A_375 = tpu.memref_slice %arg3[%dma_start3A_373, %dma_start3A_374] : memref<32768x48xf32, #tpu.memory_space<hbm>> -> memref<32768x48xf32, #tpu.memory_space<hbm>>
    tpu.enqueue_indirect_dma source(%dma_start3A_375 : memref<32768x48xf32, #tpu.memory_space<hbm>>) target(%arg6 : memref<128x48xf32, #tpu.memory_space<vmem>>) offsets(%dma_start3A_372 : memref<128xi32, #tpu.memory_space<vmem>>) semaphore(%arg7 : memref<!tpu.dma_semaphore, #tpu.memory_space<semaphore_mem>>)
    %dma_wait3A_376 = arith.constant 23 : i32
    %dma_wait3A_377 = arith.constant 0 : i32
    %dma_wait3A_378 = tpu.memref_slice %arg5[%dma_wait3A_376, %dma_wait3A_377] : memref<32x128xi32, #tpu.memory_space<vmem>> -> memref<1x128xi32, #tpu.memory_space<vmem>>
    %dma_wait3A_379 = tpu.memref_squeeze %dma_wait3A_378 : memref<1x128xi32, #tpu.memory_space<vmem>> -> memref<128xi32, #tpu.memory_space<vmem>>
    %dma_wait3A_380 = arith.constant 0 : i32
    %dma_wait3A_381 = arith.constant 0 : i32
    %dma_wait3A_382 = tpu.memref_slice %arg3[%dma_wait3A_380, %dma_wait3A_381] : memref<32768x48xf32, #tpu.memory_space<hbm>> -> memref<32768x48xf32, #tpu.memory_space<hbm>>
    tpu.wait_indirect_dma semaphore(%arg7 : memref<!tpu.dma_semaphore, #tpu.memory_space<semaphore_mem>>) src(%dma_wait3A_382 : memref<32768x48xf32, #tpu.memory_space<hbm>>) dst(%arg6 : memref<128x48xf32, #tpu.memory_space<vmem>>)
    %add3A_383 = arith.constant 2944 : i32
    %add3A_384 = arith.addi %mul3A_2, %add3A_383 : i32
    "tpu.region"() ({
      %run_scoped3A = tpu.sem_alloc : memref<!tpu.dma_semaphore, #tpu.memory_space<semaphore_mem>>
      %dma_start3A_513 = arith.constant 0 : i32
      %dma_start3A_514 = tpu.memref_slice %arg4[%add3A_384, %dma_start3A_513] : memref<131072x48xf32, #tpu.memory_space<hbm>> -> memref<128x48xf32, #tpu.memory_space<hbm>>
      %dma_start3A_515 = arith.constant 0 : i32
      %dma_start3A_516 = tpu.memref_slice %arg4[%add3A_384, %dma_start3A_515] : memref<131072x48xf32, #tpu.memory_space<hbm>> -> memref<128x48xf32, #tpu.memory_space<hbm>>
      tpu.enqueue_dma source(%arg6 : memref<128x48xf32, #tpu.memory_space<vmem>>) target(%dma_start3A_516 : memref<128x48xf32, #tpu.memory_space<hbm>>) target_semaphore(%run_scoped3A : memref<!tpu.dma_semaphore, #tpu.memory_space<semaphore_mem>>)
      %dma_wait3A_517 = arith.constant 0 : i32
      %dma_wait3A_518 = tpu.memref_slice %arg4[%add3A_384, %dma_wait3A_517] : memref<131072x48xf32, #tpu.memory_space<hbm>> -> memref<128x48xf32, #tpu.memory_space<hbm>>
      %dma_wait3A_519 = arith.constant 0 : i32
      %dma_wait3A_520 = tpu.memref_slice %arg4[%add3A_384, %dma_wait3A_519] : memref<131072x48xf32, #tpu.memory_space<hbm>> -> memref<128x48xf32, #tpu.memory_space<hbm>>
      tpu.wait_dma2 semaphore(%run_scoped3A : memref<!tpu.dma_semaphore, #tpu.memory_space<semaphore_mem>>) src(%arg6 : memref<128x48xf32, #tpu.memory_space<vmem>>) dst(%dma_wait3A_520 : memref<128x48xf32, #tpu.memory_space<hbm>>)
      tpu.yield
    }) : () -> ()
    %dma_start3A_385 = arith.constant 24 : i32
    %dma_start3A_386 = arith.constant 0 : i32
    %dma_start3A_387 = tpu.memref_slice %arg5[%dma_start3A_385, %dma_start3A_386] : memref<32x128xi32, #tpu.memory_space<vmem>> -> memref<1x128xi32, #tpu.memory_space<vmem>>
    %dma_start3A_388 = tpu.memref_squeeze %dma_start3A_387 : memref<1x128xi32, #tpu.memory_space<vmem>> -> memref<128xi32, #tpu.memory_space<vmem>>
    %dma_start3A_389 = arith.constant 0 : i32
    %dma_start3A_390 = arith.constant 0 : i32
    %dma_start3A_391 = tpu.memref_slice %arg3[%dma_start3A_389, %dma_start3A_390] : memref<32768x48xf32, #tpu.memory_space<hbm>> -> memref<32768x48xf32, #tpu.memory_space<hbm>>
    tpu.enqueue_indirect_dma source(%dma_start3A_391 : memref<32768x48xf32, #tpu.memory_space<hbm>>) target(%arg6 : memref<128x48xf32, #tpu.memory_space<vmem>>) offsets(%dma_start3A_388 : memref<128xi32, #tpu.memory_space<vmem>>) semaphore(%arg7 : memref<!tpu.dma_semaphore, #tpu.memory_space<semaphore_mem>>)
    %dma_wait3A_392 = arith.constant 24 : i32
    %dma_wait3A_393 = arith.constant 0 : i32
    %dma_wait3A_394 = tpu.memref_slice %arg5[%dma_wait3A_392, %dma_wait3A_393] : memref<32x128xi32, #tpu.memory_space<vmem>> -> memref<1x128xi32, #tpu.memory_space<vmem>>
    %dma_wait3A_395 = tpu.memref_squeeze %dma_wait3A_394 : memref<1x128xi32, #tpu.memory_space<vmem>> -> memref<128xi32, #tpu.memory_space<vmem>>
    %dma_wait3A_396 = arith.constant 0 : i32
    %dma_wait3A_397 = arith.constant 0 : i32
    %dma_wait3A_398 = tpu.memref_slice %arg3[%dma_wait3A_396, %dma_wait3A_397] : memref<32768x48xf32, #tpu.memory_space<hbm>> -> memref<32768x48xf32, #tpu.memory_space<hbm>>
    tpu.wait_indirect_dma semaphore(%arg7 : memref<!tpu.dma_semaphore, #tpu.memory_space<semaphore_mem>>) src(%dma_wait3A_398 : memref<32768x48xf32, #tpu.memory_space<hbm>>) dst(%arg6 : memref<128x48xf32, #tpu.memory_space<vmem>>)
    %add3A_399 = arith.constant 3072 : i32
    %add3A_400 = arith.addi %mul3A_2, %add3A_399 : i32
    "tpu.region"() ({
      %run_scoped3A = tpu.sem_alloc : memref<!tpu.dma_semaphore, #tpu.memory_space<semaphore_mem>>
      %dma_start3A_513 = arith.constant 0 : i32
      %dma_start3A_514 = tpu.memref_slice %arg4[%add3A_400, %dma_start3A_513] : memref<131072x48xf32, #tpu.memory_space<hbm>> -> memref<128x48xf32, #tpu.memory_space<hbm>>
      %dma_start3A_515 = arith.constant 0 : i32
      %dma_start3A_516 = tpu.memref_slice %arg4[%add3A_400, %dma_start3A_515] : memref<131072x48xf32, #tpu.memory_space<hbm>> -> memref<128x48xf32, #tpu.memory_space<hbm>>
      tpu.enqueue_dma source(%arg6 : memref<128x48xf32, #tpu.memory_space<vmem>>) target(%dma_start3A_516 : memref<128x48xf32, #tpu.memory_space<hbm>>) target_semaphore(%run_scoped3A : memref<!tpu.dma_semaphore, #tpu.memory_space<semaphore_mem>>)
      %dma_wait3A_517 = arith.constant 0 : i32
      %dma_wait3A_518 = tpu.memref_slice %arg4[%add3A_400, %dma_wait3A_517] : memref<131072x48xf32, #tpu.memory_space<hbm>> -> memref<128x48xf32, #tpu.memory_space<hbm>>
      %dma_wait3A_519 = arith.constant 0 : i32
      %dma_wait3A_520 = tpu.memref_slice %arg4[%add3A_400, %dma_wait3A_519] : memref<131072x48xf32, #tpu.memory_space<hbm>> -> memref<128x48xf32, #tpu.memory_space<hbm>>
      tpu.wait_dma2 semaphore(%run_scoped3A : memref<!tpu.dma_semaphore, #tpu.memory_space<semaphore_mem>>) src(%arg6 : memref<128x48xf32, #tpu.memory_space<vmem>>) dst(%dma_wait3A_520 : memref<128x48xf32, #tpu.memory_space<hbm>>)
      tpu.yield
    }) : () -> ()
    %dma_start3A_401 = arith.constant 25 : i32
    %dma_start3A_402 = arith.constant 0 : i32
    %dma_start3A_403 = tpu.memref_slice %arg5[%dma_start3A_401, %dma_start3A_402] : memref<32x128xi32, #tpu.memory_space<vmem>> -> memref<1x128xi32, #tpu.memory_space<vmem>>
    %dma_start3A_404 = tpu.memref_squeeze %dma_start3A_403 : memref<1x128xi32, #tpu.memory_space<vmem>> -> memref<128xi32, #tpu.memory_space<vmem>>
    %dma_start3A_405 = arith.constant 0 : i32
    %dma_start3A_406 = arith.constant 0 : i32
    %dma_start3A_407 = tpu.memref_slice %arg3[%dma_start3A_405, %dma_start3A_406] : memref<32768x48xf32, #tpu.memory_space<hbm>> -> memref<32768x48xf32, #tpu.memory_space<hbm>>
    tpu.enqueue_indirect_dma source(%dma_start3A_407 : memref<32768x48xf32, #tpu.memory_space<hbm>>) target(%arg6 : memref<128x48xf32, #tpu.memory_space<vmem>>) offsets(%dma_start3A_404 : memref<128xi32, #tpu.memory_space<vmem>>) semaphore(%arg7 : memref<!tpu.dma_semaphore, #tpu.memory_space<semaphore_mem>>)
    %dma_wait3A_408 = arith.constant 25 : i32
    %dma_wait3A_409 = arith.constant 0 : i32
    %dma_wait3A_410 = tpu.memref_slice %arg5[%dma_wait3A_408, %dma_wait3A_409] : memref<32x128xi32, #tpu.memory_space<vmem>> -> memref<1x128xi32, #tpu.memory_space<vmem>>
    %dma_wait3A_411 = tpu.memref_squeeze %dma_wait3A_410 : memref<1x128xi32, #tpu.memory_space<vmem>> -> memref<128xi32, #tpu.memory_space<vmem>>
    %dma_wait3A_412 = arith.constant 0 : i32
    %dma_wait3A_413 = arith.constant 0 : i32
    %dma_wait3A_414 = tpu.memref_slice %arg3[%dma_wait3A_412, %dma_wait3A_413] : memref<32768x48xf32, #tpu.memory_space<hbm>> -> memref<32768x48xf32, #tpu.memory_space<hbm>>
    tpu.wait_indirect_dma semaphore(%arg7 : memref<!tpu.dma_semaphore, #tpu.memory_space<semaphore_mem>>) src(%dma_wait3A_414 : memref<32768x48xf32, #tpu.memory_space<hbm>>) dst(%arg6 : memref<128x48xf32, #tpu.memory_space<vmem>>)
    %add3A_415 = arith.constant 3200 : i32
    %add3A_416 = arith.addi %mul3A_2, %add3A_415 : i32
    "tpu.region"() ({
      %run_scoped3A = tpu.sem_alloc : memref<!tpu.dma_semaphore, #tpu.memory_space<semaphore_mem>>
      %dma_start3A_513 = arith.constant 0 : i32
      %dma_start3A_514 = tpu.memref_slice %arg4[%add3A_416, %dma_start3A_513] : memref<131072x48xf32, #tpu.memory_space<hbm>> -> memref<128x48xf32, #tpu.memory_space<hbm>>
      %dma_start3A_515 = arith.constant 0 : i32
      %dma_start3A_516 = tpu.memref_slice %arg4[%add3A_416, %dma_start3A_515] : memref<131072x48xf32, #tpu.memory_space<hbm>> -> memref<128x48xf32, #tpu.memory_space<hbm>>
      tpu.enqueue_dma source(%arg6 : memref<128x48xf32, #tpu.memory_space<vmem>>) target(%dma_start3A_516 : memref<128x48xf32, #tpu.memory_space<hbm>>) target_semaphore(%run_scoped3A : memref<!tpu.dma_semaphore, #tpu.memory_space<semaphore_mem>>)
      %dma_wait3A_517 = arith.constant 0 : i32
      %dma_wait3A_518 = tpu.memref_slice %arg4[%add3A_416, %dma_wait3A_517] : memref<131072x48xf32, #tpu.memory_space<hbm>> -> memref<128x48xf32, #tpu.memory_space<hbm>>
      %dma_wait3A_519 = arith.constant 0 : i32
      %dma_wait3A_520 = tpu.memref_slice %arg4[%add3A_416, %dma_wait3A_519] : memref<131072x48xf32, #tpu.memory_space<hbm>> -> memref<128x48xf32, #tpu.memory_space<hbm>>
      tpu.wait_dma2 semaphore(%run_scoped3A : memref<!tpu.dma_semaphore, #tpu.memory_space<semaphore_mem>>) src(%arg6 : memref<128x48xf32, #tpu.memory_space<vmem>>) dst(%dma_wait3A_520 : memref<128x48xf32, #tpu.memory_space<hbm>>)
      tpu.yield
    }) : () -> ()
    %dma_start3A_417 = arith.constant 26 : i32
    %dma_start3A_418 = arith.constant 0 : i32
    %dma_start3A_419 = tpu.memref_slice %arg5[%dma_start3A_417, %dma_start3A_418] : memref<32x128xi32, #tpu.memory_space<vmem>> -> memref<1x128xi32, #tpu.memory_space<vmem>>
    %dma_start3A_420 = tpu.memref_squeeze %dma_start3A_419 : memref<1x128xi32, #tpu.memory_space<vmem>> -> memref<128xi32, #tpu.memory_space<vmem>>
    %dma_start3A_421 = arith.constant 0 : i32
    %dma_start3A_422 = arith.constant 0 : i32
    %dma_start3A_423 = tpu.memref_slice %arg3[%dma_start3A_421, %dma_start3A_422] : memref<32768x48xf32, #tpu.memory_space<hbm>> -> memref<32768x48xf32, #tpu.memory_space<hbm>>
    tpu.enqueue_indirect_dma source(%dma_start3A_423 : memref<32768x48xf32, #tpu.memory_space<hbm>>) target(%arg6 : memref<128x48xf32, #tpu.memory_space<vmem>>) offsets(%dma_start3A_420 : memref<128xi32, #tpu.memory_space<vmem>>) semaphore(%arg7 : memref<!tpu.dma_semaphore, #tpu.memory_space<semaphore_mem>>)
    %dma_wait3A_424 = arith.constant 26 : i32
    %dma_wait3A_425 = arith.constant 0 : i32
    %dma_wait3A_426 = tpu.memref_slice %arg5[%dma_wait3A_424, %dma_wait3A_425] : memref<32x128xi32, #tpu.memory_space<vmem>> -> memref<1x128xi32, #tpu.memory_space<vmem>>
    %dma_wait3A_427 = tpu.memref_squeeze %dma_wait3A_426 : memref<1x128xi32, #tpu.memory_space<vmem>> -> memref<128xi32, #tpu.memory_space<vmem>>
    %dma_wait3A_428 = arith.constant 0 : i32
    %dma_wait3A_429 = arith.constant 0 : i32
    %dma_wait3A_430 = tpu.memref_slice %arg3[%dma_wait3A_428, %dma_wait3A_429] : memref<32768x48xf32, #tpu.memory_space<hbm>> -> memref<32768x48xf32, #tpu.memory_space<hbm>>
    tpu.wait_indirect_dma semaphore(%arg7 : memref<!tpu.dma_semaphore, #tpu.memory_space<semaphore_mem>>) src(%dma_wait3A_430 : memref<32768x48xf32, #tpu.memory_space<hbm>>) dst(%arg6 : memref<128x48xf32, #tpu.memory_space<vmem>>)
    %add3A_431 = arith.constant 3328 : i32
    %add3A_432 = arith.addi %mul3A_2, %add3A_431 : i32
    "tpu.region"() ({
      %run_scoped3A = tpu.sem_alloc : memref<!tpu.dma_semaphore, #tpu.memory_space<semaphore_mem>>
      %dma_start3A_513 = arith.constant 0 : i32
      %dma_start3A_514 = tpu.memref_slice %arg4[%add3A_432, %dma_start3A_513] : memref<131072x48xf32, #tpu.memory_space<hbm>> -> memref<128x48xf32, #tpu.memory_space<hbm>>
      %dma_start3A_515 = arith.constant 0 : i32
      %dma_start3A_516 = tpu.memref_slice %arg4[%add3A_432, %dma_start3A_515] : memref<131072x48xf32, #tpu.memory_space<hbm>> -> memref<128x48xf32, #tpu.memory_space<hbm>>
      tpu.enqueue_dma source(%arg6 : memref<128x48xf32, #tpu.memory_space<vmem>>) target(%dma_start3A_516 : memref<128x48xf32, #tpu.memory_space<hbm>>) target_semaphore(%run_scoped3A : memref<!tpu.dma_semaphore, #tpu.memory_space<semaphore_mem>>)
      %dma_wait3A_517 = arith.constant 0 : i32
      %dma_wait3A_518 = tpu.memref_slice %arg4[%add3A_432, %dma_wait3A_517] : memref<131072x48xf32, #tpu.memory_space<hbm>> -> memref<128x48xf32, #tpu.memory_space<hbm>>
      %dma_wait3A_519 = arith.constant 0 : i32
      %dma_wait3A_520 = tpu.memref_slice %arg4[%add3A_432, %dma_wait3A_519] : memref<131072x48xf32, #tpu.memory_space<hbm>> -> memref<128x48xf32, #tpu.memory_space<hbm>>
      tpu.wait_dma2 semaphore(%run_scoped3A : memref<!tpu.dma_semaphore, #tpu.memory_space<semaphore_mem>>) src(%arg6 : memref<128x48xf32, #tpu.memory_space<vmem>>) dst(%dma_wait3A_520 : memref<128x48xf32, #tpu.memory_space<hbm>>)
      tpu.yield
    }) : () -> ()
    %dma_start3A_433 = arith.constant 27 : i32
    %dma_start3A_434 = arith.constant 0 : i32
    %dma_start3A_435 = tpu.memref_slice %arg5[%dma_start3A_433, %dma_start3A_434] : memref<32x128xi32, #tpu.memory_space<vmem>> -> memref<1x128xi32, #tpu.memory_space<vmem>>
    %dma_start3A_436 = tpu.memref_squeeze %dma_start3A_435 : memref<1x128xi32, #tpu.memory_space<vmem>> -> memref<128xi32, #tpu.memory_space<vmem>>
    %dma_start3A_437 = arith.constant 0 : i32
    %dma_start3A_438 = arith.constant 0 : i32
    %dma_start3A_439 = tpu.memref_slice %arg3[%dma_start3A_437, %dma_start3A_438] : memref<32768x48xf32, #tpu.memory_space<hbm>> -> memref<32768x48xf32, #tpu.memory_space<hbm>>
    tpu.enqueue_indirect_dma source(%dma_start3A_439 : memref<32768x48xf32, #tpu.memory_space<hbm>>) target(%arg6 : memref<128x48xf32, #tpu.memory_space<vmem>>) offsets(%dma_start3A_436 : memref<128xi32, #tpu.memory_space<vmem>>) semaphore(%arg7 : memref<!tpu.dma_semaphore, #tpu.memory_space<semaphore_mem>>)
    %dma_wait3A_440 = arith.constant 27 : i32
    %dma_wait3A_441 = arith.constant 0 : i32
    %dma_wait3A_442 = tpu.memref_slice %arg5[%dma_wait3A_440, %dma_wait3A_441] : memref<32x128xi32, #tpu.memory_space<vmem>> -> memref<1x128xi32, #tpu.memory_space<vmem>>
    %dma_wait3A_443 = tpu.memref_squeeze %dma_wait3A_442 : memref<1x128xi32, #tpu.memory_space<vmem>> -> memref<128xi32, #tpu.memory_space<vmem>>
    %dma_wait3A_444 = arith.constant 0 : i32
    %dma_wait3A_445 = arith.constant 0 : i32
    %dma_wait3A_446 = tpu.memref_slice %arg3[%dma_wait3A_444, %dma_wait3A_445] : memref<32768x48xf32, #tpu.memory_space<hbm>> -> memref<32768x48xf32, #tpu.memory_space<hbm>>
    tpu.wait_indirect_dma semaphore(%arg7 : memref<!tpu.dma_semaphore, #tpu.memory_space<semaphore_mem>>) src(%dma_wait3A_446 : memref<32768x48xf32, #tpu.memory_space<hbm>>) dst(%arg6 : memref<128x48xf32, #tpu.memory_space<vmem>>)
    %add3A_447 = arith.constant 3456 : i32
    %add3A_448 = arith.addi %mul3A_2, %add3A_447 : i32
    "tpu.region"() ({
      %run_scoped3A = tpu.sem_alloc : memref<!tpu.dma_semaphore, #tpu.memory_space<semaphore_mem>>
      %dma_start3A_513 = arith.constant 0 : i32
      %dma_start3A_514 = tpu.memref_slice %arg4[%add3A_448, %dma_start3A_513] : memref<131072x48xf32, #tpu.memory_space<hbm>> -> memref<128x48xf32, #tpu.memory_space<hbm>>
      %dma_start3A_515 = arith.constant 0 : i32
      %dma_start3A_516 = tpu.memref_slice %arg4[%add3A_448, %dma_start3A_515] : memref<131072x48xf32, #tpu.memory_space<hbm>> -> memref<128x48xf32, #tpu.memory_space<hbm>>
      tpu.enqueue_dma source(%arg6 : memref<128x48xf32, #tpu.memory_space<vmem>>) target(%dma_start3A_516 : memref<128x48xf32, #tpu.memory_space<hbm>>) target_semaphore(%run_scoped3A : memref<!tpu.dma_semaphore, #tpu.memory_space<semaphore_mem>>)
      %dma_wait3A_517 = arith.constant 0 : i32
      %dma_wait3A_518 = tpu.memref_slice %arg4[%add3A_448, %dma_wait3A_517] : memref<131072x48xf32, #tpu.memory_space<hbm>> -> memref<128x48xf32, #tpu.memory_space<hbm>>
      %dma_wait3A_519 = arith.constant 0 : i32
      %dma_wait3A_520 = tpu.memref_slice %arg4[%add3A_448, %dma_wait3A_519] : memref<131072x48xf32, #tpu.memory_space<hbm>> -> memref<128x48xf32, #tpu.memory_space<hbm>>
      tpu.wait_dma2 semaphore(%run_scoped3A : memref<!tpu.dma_semaphore, #tpu.memory_space<semaphore_mem>>) src(%arg6 : memref<128x48xf32, #tpu.memory_space<vmem>>) dst(%dma_wait3A_520 : memref<128x48xf32, #tpu.memory_space<hbm>>)
      tpu.yield
    }) : () -> ()
    %dma_start3A_449 = arith.constant 28 : i32
    %dma_start3A_450 = arith.constant 0 : i32
    %dma_start3A_451 = tpu.memref_slice %arg5[%dma_start3A_449, %dma_start3A_450] : memref<32x128xi32, #tpu.memory_space<vmem>> -> memref<1x128xi32, #tpu.memory_space<vmem>>
    %dma_start3A_452 = tpu.memref_squeeze %dma_start3A_451 : memref<1x128xi32, #tpu.memory_space<vmem>> -> memref<128xi32, #tpu.memory_space<vmem>>
    %dma_start3A_453 = arith.constant 0 : i32
    %dma_start3A_454 = arith.constant 0 : i32
    %dma_start3A_455 = tpu.memref_slice %arg3[%dma_start3A_453, %dma_start3A_454] : memref<32768x48xf32, #tpu.memory_space<hbm>> -> memref<32768x48xf32, #tpu.memory_space<hbm>>
    tpu.enqueue_indirect_dma source(%dma_start3A_455 : memref<32768x48xf32, #tpu.memory_space<hbm>>) target(%arg6 : memref<128x48xf32, #tpu.memory_space<vmem>>) offsets(%dma_start3A_452 : memref<128xi32, #tpu.memory_space<vmem>>) semaphore(%arg7 : memref<!tpu.dma_semaphore, #tpu.memory_space<semaphore_mem>>)
    %dma_wait3A_456 = arith.constant 28 : i32
    %dma_wait3A_457 = arith.constant 0 : i32
    %dma_wait3A_458 = tpu.memref_slice %arg5[%dma_wait3A_456, %dma_wait3A_457] : memref<32x128xi32, #tpu.memory_space<vmem>> -> memref<1x128xi32, #tpu.memory_space<vmem>>
    %dma_wait3A_459 = tpu.memref_squeeze %dma_wait3A_458 : memref<1x128xi32, #tpu.memory_space<vmem>> -> memref<128xi32, #tpu.memory_space<vmem>>
    %dma_wait3A_460 = arith.constant 0 : i32
    %dma_wait3A_461 = arith.constant 0 : i32
    %dma_wait3A_462 = tpu.memref_slice %arg3[%dma_wait3A_460, %dma_wait3A_461] : memref<32768x48xf32, #tpu.memory_space<hbm>> -> memref<32768x48xf32, #tpu.memory_space<hbm>>
    tpu.wait_indirect_dma semaphore(%arg7 : memref<!tpu.dma_semaphore, #tpu.memory_space<semaphore_mem>>) src(%dma_wait3A_462 : memref<32768x48xf32, #tpu.memory_space<hbm>>) dst(%arg6 : memref<128x48xf32, #tpu.memory_space<vmem>>)
    %add3A_463 = arith.constant 3584 : i32
    %add3A_464 = arith.addi %mul3A_2, %add3A_463 : i32
    "tpu.region"() ({
      %run_scoped3A = tpu.sem_alloc : memref<!tpu.dma_semaphore, #tpu.memory_space<semaphore_mem>>
      %dma_start3A_513 = arith.constant 0 : i32
      %dma_start3A_514 = tpu.memref_slice %arg4[%add3A_464, %dma_start3A_513] : memref<131072x48xf32, #tpu.memory_space<hbm>> -> memref<128x48xf32, #tpu.memory_space<hbm>>
      %dma_start3A_515 = arith.constant 0 : i32
      %dma_start3A_516 = tpu.memref_slice %arg4[%add3A_464, %dma_start3A_515] : memref<131072x48xf32, #tpu.memory_space<hbm>> -> memref<128x48xf32, #tpu.memory_space<hbm>>
      tpu.enqueue_dma source(%arg6 : memref<128x48xf32, #tpu.memory_space<vmem>>) target(%dma_start3A_516 : memref<128x48xf32, #tpu.memory_space<hbm>>) target_semaphore(%run_scoped3A : memref<!tpu.dma_semaphore, #tpu.memory_space<semaphore_mem>>)
      %dma_wait3A_517 = arith.constant 0 : i32
      %dma_wait3A_518 = tpu.memref_slice %arg4[%add3A_464, %dma_wait3A_517] : memref<131072x48xf32, #tpu.memory_space<hbm>> -> memref<128x48xf32, #tpu.memory_space<hbm>>
      %dma_wait3A_519 = arith.constant 0 : i32
      %dma_wait3A_520 = tpu.memref_slice %arg4[%add3A_464, %dma_wait3A_519] : memref<131072x48xf32, #tpu.memory_space<hbm>> -> memref<128x48xf32, #tpu.memory_space<hbm>>
      tpu.wait_dma2 semaphore(%run_scoped3A : memref<!tpu.dma_semaphore, #tpu.memory_space<semaphore_mem>>) src(%arg6 : memref<128x48xf32, #tpu.memory_space<vmem>>) dst(%dma_wait3A_520 : memref<128x48xf32, #tpu.memory_space<hbm>>)
      tpu.yield
    }) : () -> ()
    %dma_start3A_465 = arith.constant 29 : i32
    %dma_start3A_466 = arith.constant 0 : i32
    %dma_start3A_467 = tpu.memref_slice %arg5[%dma_start3A_465, %dma_start3A_466] : memref<32x128xi32, #tpu.memory_space<vmem>> -> memref<1x128xi32, #tpu.memory_space<vmem>>
    %dma_start3A_468 = tpu.memref_squeeze %dma_start3A_467 : memref<1x128xi32, #tpu.memory_space<vmem>> -> memref<128xi32, #tpu.memory_space<vmem>>
    %dma_start3A_469 = arith.constant 0 : i32
    %dma_start3A_470 = arith.constant 0 : i32
    %dma_start3A_471 = tpu.memref_slice %arg3[%dma_start3A_469, %dma_start3A_470] : memref<32768x48xf32, #tpu.memory_space<hbm>> -> memref<32768x48xf32, #tpu.memory_space<hbm>>
    tpu.enqueue_indirect_dma source(%dma_start3A_471 : memref<32768x48xf32, #tpu.memory_space<hbm>>) target(%arg6 : memref<128x48xf32, #tpu.memory_space<vmem>>) offsets(%dma_start3A_468 : memref<128xi32, #tpu.memory_space<vmem>>) semaphore(%arg7 : memref<!tpu.dma_semaphore, #tpu.memory_space<semaphore_mem>>)
    %dma_wait3A_472 = arith.constant 29 : i32
    %dma_wait3A_473 = arith.constant 0 : i32
    %dma_wait3A_474 = tpu.memref_slice %arg5[%dma_wait3A_472, %dma_wait3A_473] : memref<32x128xi32, #tpu.memory_space<vmem>> -> memref<1x128xi32, #tpu.memory_space<vmem>>
    %dma_wait3A_475 = tpu.memref_squeeze %dma_wait3A_474 : memref<1x128xi32, #tpu.memory_space<vmem>> -> memref<128xi32, #tpu.memory_space<vmem>>
    %dma_wait3A_476 = arith.constant 0 : i32
    %dma_wait3A_477 = arith.constant 0 : i32
    %dma_wait3A_478 = tpu.memref_slice %arg3[%dma_wait3A_476, %dma_wait3A_477] : memref<32768x48xf32, #tpu.memory_space<hbm>> -> memref<32768x48xf32, #tpu.memory_space<hbm>>
    tpu.wait_indirect_dma semaphore(%arg7 : memref<!tpu.dma_semaphore, #tpu.memory_space<semaphore_mem>>) src(%dma_wait3A_478 : memref<32768x48xf32, #tpu.memory_space<hbm>>) dst(%arg6 : memref<128x48xf32, #tpu.memory_space<vmem>>)
    %add3A_479 = arith.constant 3712 : i32
    %add3A_480 = arith.addi %mul3A_2, %add3A_479 : i32
    "tpu.region"() ({
      %run_scoped3A = tpu.sem_alloc : memref<!tpu.dma_semaphore, #tpu.memory_space<semaphore_mem>>
      %dma_start3A_513 = arith.constant 0 : i32
      %dma_start3A_514 = tpu.memref_slice %arg4[%add3A_480, %dma_start3A_513] : memref<131072x48xf32, #tpu.memory_space<hbm>> -> memref<128x48xf32, #tpu.memory_space<hbm>>
      %dma_start3A_515 = arith.constant 0 : i32
      %dma_start3A_516 = tpu.memref_slice %arg4[%add3A_480, %dma_start3A_515] : memref<131072x48xf32, #tpu.memory_space<hbm>> -> memref<128x48xf32, #tpu.memory_space<hbm>>
      tpu.enqueue_dma source(%arg6 : memref<128x48xf32, #tpu.memory_space<vmem>>) target(%dma_start3A_516 : memref<128x48xf32, #tpu.memory_space<hbm>>) target_semaphore(%run_scoped3A : memref<!tpu.dma_semaphore, #tpu.memory_space<semaphore_mem>>)
      %dma_wait3A_517 = arith.constant 0 : i32
      %dma_wait3A_518 = tpu.memref_slice %arg4[%add3A_480, %dma_wait3A_517] : memref<131072x48xf32, #tpu.memory_space<hbm>> -> memref<128x48xf32, #tpu.memory_space<hbm>>
      %dma_wait3A_519 = arith.constant 0 : i32
      %dma_wait3A_520 = tpu.memref_slice %arg4[%add3A_480, %dma_wait3A_519] : memref<131072x48xf32, #tpu.memory_space<hbm>> -> memref<128x48xf32, #tpu.memory_space<hbm>>
      tpu.wait_dma2 semaphore(%run_scoped3A : memref<!tpu.dma_semaphore, #tpu.memory_space<semaphore_mem>>) src(%arg6 : memref<128x48xf32, #tpu.memory_space<vmem>>) dst(%dma_wait3A_520 : memref<128x48xf32, #tpu.memory_space<hbm>>)
      tpu.yield
    }) : () -> ()
    %dma_start3A_481 = arith.constant 30 : i32
    %dma_start3A_482 = arith.constant 0 : i32
    %dma_start3A_483 = tpu.memref_slice %arg5[%dma_start3A_481, %dma_start3A_482] : memref<32x128xi32, #tpu.memory_space<vmem>> -> memref<1x128xi32, #tpu.memory_space<vmem>>
    %dma_start3A_484 = tpu.memref_squeeze %dma_start3A_483 : memref<1x128xi32, #tpu.memory_space<vmem>> -> memref<128xi32, #tpu.memory_space<vmem>>
    %dma_start3A_485 = arith.constant 0 : i32
    %dma_start3A_486 = arith.constant 0 : i32
    %dma_start3A_487 = tpu.memref_slice %arg3[%dma_start3A_485, %dma_start3A_486] : memref<32768x48xf32, #tpu.memory_space<hbm>> -> memref<32768x48xf32, #tpu.memory_space<hbm>>
    tpu.enqueue_indirect_dma source(%dma_start3A_487 : memref<32768x48xf32, #tpu.memory_space<hbm>>) target(%arg6 : memref<128x48xf32, #tpu.memory_space<vmem>>) offsets(%dma_start3A_484 : memref<128xi32, #tpu.memory_space<vmem>>) semaphore(%arg7 : memref<!tpu.dma_semaphore, #tpu.memory_space<semaphore_mem>>)
    %dma_wait3A_488 = arith.constant 30 : i32
    %dma_wait3A_489 = arith.constant 0 : i32
    %dma_wait3A_490 = tpu.memref_slice %arg5[%dma_wait3A_488, %dma_wait3A_489] : memref<32x128xi32, #tpu.memory_space<vmem>> -> memref<1x128xi32, #tpu.memory_space<vmem>>
    %dma_wait3A_491 = tpu.memref_squeeze %dma_wait3A_490 : memref<1x128xi32, #tpu.memory_space<vmem>> -> memref<128xi32, #tpu.memory_space<vmem>>
    %dma_wait3A_492 = arith.constant 0 : i32
    %dma_wait3A_493 = arith.constant 0 : i32
    %dma_wait3A_494 = tpu.memref_slice %arg3[%dma_wait3A_492, %dma_wait3A_493] : memref<32768x48xf32, #tpu.memory_space<hbm>> -> memref<32768x48xf32, #tpu.memory_space<hbm>>
    tpu.wait_indirect_dma semaphore(%arg7 : memref<!tpu.dma_semaphore, #tpu.memory_space<semaphore_mem>>) src(%dma_wait3A_494 : memref<32768x48xf32, #tpu.memory_space<hbm>>) dst(%arg6 : memref<128x48xf32, #tpu.memory_space<vmem>>)
    %add3A_495 = arith.constant 3840 : i32
    %add3A_496 = arith.addi %mul3A_2, %add3A_495 : i32
    "tpu.region"() ({
      %run_scoped3A = tpu.sem_alloc : memref<!tpu.dma_semaphore, #tpu.memory_space<semaphore_mem>>
      %dma_start3A_513 = arith.constant 0 : i32
      %dma_start3A_514 = tpu.memref_slice %arg4[%add3A_496, %dma_start3A_513] : memref<131072x48xf32, #tpu.memory_space<hbm>> -> memref<128x48xf32, #tpu.memory_space<hbm>>
      %dma_start3A_515 = arith.constant 0 : i32
      %dma_start3A_516 = tpu.memref_slice %arg4[%add3A_496, %dma_start3A_515] : memref<131072x48xf32, #tpu.memory_space<hbm>> -> memref<128x48xf32, #tpu.memory_space<hbm>>
      tpu.enqueue_dma source(%arg6 : memref<128x48xf32, #tpu.memory_space<vmem>>) target(%dma_start3A_516 : memref<128x48xf32, #tpu.memory_space<hbm>>) target_semaphore(%run_scoped3A : memref<!tpu.dma_semaphore, #tpu.memory_space<semaphore_mem>>)
      %dma_wait3A_517 = arith.constant 0 : i32
      %dma_wait3A_518 = tpu.memref_slice %arg4[%add3A_496, %dma_wait3A_517] : memref<131072x48xf32, #tpu.memory_space<hbm>> -> memref<128x48xf32, #tpu.memory_space<hbm>>
      %dma_wait3A_519 = arith.constant 0 : i32
      %dma_wait3A_520 = tpu.memref_slice %arg4[%add3A_496, %dma_wait3A_519] : memref<131072x48xf32, #tpu.memory_space<hbm>> -> memref<128x48xf32, #tpu.memory_space<hbm>>
      tpu.wait_dma2 semaphore(%run_scoped3A : memref<!tpu.dma_semaphore, #tpu.memory_space<semaphore_mem>>) src(%arg6 : memref<128x48xf32, #tpu.memory_space<vmem>>) dst(%dma_wait3A_520 : memref<128x48xf32, #tpu.memory_space<hbm>>)
      tpu.yield
    }) : () -> ()
    %dma_start3A_497 = arith.constant 31 : i32
    %dma_start3A_498 = arith.constant 0 : i32
    %dma_start3A_499 = tpu.memref_slice %arg5[%dma_start3A_497, %dma_start3A_498] : memref<32x128xi32, #tpu.memory_space<vmem>> -> memref<1x128xi32, #tpu.memory_space<vmem>>
    %dma_start3A_500 = tpu.memref_squeeze %dma_start3A_499 : memref<1x128xi32, #tpu.memory_space<vmem>> -> memref<128xi32, #tpu.memory_space<vmem>>
    %dma_start3A_501 = arith.constant 0 : i32
    %dma_start3A_502 = arith.constant 0 : i32
    %dma_start3A_503 = tpu.memref_slice %arg3[%dma_start3A_501, %dma_start3A_502] : memref<32768x48xf32, #tpu.memory_space<hbm>> -> memref<32768x48xf32, #tpu.memory_space<hbm>>
    tpu.enqueue_indirect_dma source(%dma_start3A_503 : memref<32768x48xf32, #tpu.memory_space<hbm>>) target(%arg6 : memref<128x48xf32, #tpu.memory_space<vmem>>) offsets(%dma_start3A_500 : memref<128xi32, #tpu.memory_space<vmem>>) semaphore(%arg7 : memref<!tpu.dma_semaphore, #tpu.memory_space<semaphore_mem>>)
    %dma_wait3A_504 = arith.constant 31 : i32
    %dma_wait3A_505 = arith.constant 0 : i32
    %dma_wait3A_506 = tpu.memref_slice %arg5[%dma_wait3A_504, %dma_wait3A_505] : memref<32x128xi32, #tpu.memory_space<vmem>> -> memref<1x128xi32, #tpu.memory_space<vmem>>
    %dma_wait3A_507 = tpu.memref_squeeze %dma_wait3A_506 : memref<1x128xi32, #tpu.memory_space<vmem>> -> memref<128xi32, #tpu.memory_space<vmem>>
    %dma_wait3A_508 = arith.constant 0 : i32
    %dma_wait3A_509 = arith.constant 0 : i32
    %dma_wait3A_510 = tpu.memref_slice %arg3[%dma_wait3A_508, %dma_wait3A_509] : memref<32768x48xf32, #tpu.memory_space<hbm>> -> memref<32768x48xf32, #tpu.memory_space<hbm>>
    tpu.wait_indirect_dma semaphore(%arg7 : memref<!tpu.dma_semaphore, #tpu.memory_space<semaphore_mem>>) src(%dma_wait3A_510 : memref<32768x48xf32, #tpu.memory_space<hbm>>) dst(%arg6 : memref<128x48xf32, #tpu.memory_space<vmem>>)
    %add3A_511 = arith.constant 3968 : i32
    %add3A_512 = arith.addi %mul3A_2, %add3A_511 : i32
    "tpu.region"() ({
      %run_scoped3A = tpu.sem_alloc : memref<!tpu.dma_semaphore, #tpu.memory_space<semaphore_mem>>
      %dma_start3A_513 = arith.constant 0 : i32
      %dma_start3A_514 = tpu.memref_slice %arg4[%add3A_512, %dma_start3A_513] : memref<131072x48xf32, #tpu.memory_space<hbm>> -> memref<128x48xf32, #tpu.memory_space<hbm>>
      %dma_start3A_515 = arith.constant 0 : i32
      %dma_start3A_516 = tpu.memref_slice %arg4[%add3A_512, %dma_start3A_515] : memref<131072x48xf32, #tpu.memory_space<hbm>> -> memref<128x48xf32, #tpu.memory_space<hbm>>
      tpu.enqueue_dma source(%arg6 : memref<128x48xf32, #tpu.memory_space<vmem>>) target(%dma_start3A_516 : memref<128x48xf32, #tpu.memory_space<hbm>>) target_semaphore(%run_scoped3A : memref<!tpu.dma_semaphore, #tpu.memory_space<semaphore_mem>>)
      %dma_wait3A_517 = arith.constant 0 : i32
      %dma_wait3A_518 = tpu.memref_slice %arg4[%add3A_512, %dma_wait3A_517] : memref<131072x48xf32, #tpu.memory_space<hbm>> -> memref<128x48xf32, #tpu.memory_space<hbm>>
      %dma_wait3A_519 = arith.constant 0 : i32
      %dma_wait3A_520 = tpu.memref_slice %arg4[%add3A_512, %dma_wait3A_519] : memref<131072x48xf32, #tpu.memory_space<hbm>> -> memref<128x48xf32, #tpu.memory_space<hbm>>
      tpu.wait_dma2 semaphore(%run_scoped3A : memref<!tpu.dma_semaphore, #tpu.memory_space<semaphore_mem>>) src(%arg6 : memref<128x48xf32, #tpu.memory_space<vmem>>) dst(%dma_wait3A_520 : memref<128x48xf32, #tpu.memory_space<hbm>>)
      tpu.yield
    }) : () -> ()
    return
  }
}

module attributes {stable_mosaic.version = 14 : i64} {
  func.func @_topk_body(%arg0: i32, %arg1: i32, %arg2: memref<1x3x64x128xf32, #tpu.memory_space<vmem>>, %arg3: memref<1x128x3xf32, #tpu.memory_space<vmem>>, %arg4: memref<1x128x32xi32, #tpu.memory_space<vmem>>, %arg5: memref<128x64x128xf32, #tpu.memory_space<vmem>>, %arg6: memref<128x5x128xf32, #tpu.memory_space<vmem>>, %arg7: memref<128x5x128xi32, #tpu.memory_space<vmem>>) attributes {dimension_semantics = [#tpu.dimension_semantics<arbitrary>, #tpu.dimension_semantics<arbitrary>], iteration_bounds = array<i64: 4, 8>, scalar_prefetch = 0 : i64, scratch_operands = 3 : i64, tpu.core_type = #tpu.core_type<tc>, window_params = [{transform_indices = @transform_0, window_bounds = array<i64: 1, 3, 64, 128>}, {transform_indices = @transform_1, window_bounds = array<i64: 1, 128, 3>}, {transform_indices = @transform_2, window_bounds = array<i64: 1, 128, 32>}]} {
    %get3A = arith.constant 0 : index
    %get3A_0 = arith.constant 0 : index
    %get3A_1 = arith.constant 0 : index
    %get3A_2 = arith.constant 0 : index
    %get3A_3 = vector.load %arg2[%get3A, %get3A_0, %get3A_1, %get3A_2] : memref<1x3x64x128xf32, #tpu.memory_space<vmem>>, vector<1x3x64x128xf32>
    %get3A_4 = vector.shape_cast %get3A_3 : vector<1x3x64x128xf32> to vector<3x64x128xf32>
    %slice3A = vector.extract_strided_slice %get3A_4 {offsets = [0, 0, 0], sizes = [1, 64, 128], strides = [1, 1, 1]} : vector<3x64x128xf32> to vector<1x64x128xf32>
    %squeeze3A = vector.shape_cast %slice3A : vector<1x64x128xf32> to vector<64x128xf32>
    %slice3A_5 = vector.extract_strided_slice %get3A_4 {offsets = [1, 0, 0], sizes = [1, 64, 128], strides = [1, 1, 1]} : vector<3x64x128xf32> to vector<1x64x128xf32>
    %squeeze3A_6 = vector.shape_cast %slice3A_5 : vector<1x64x128xf32> to vector<64x128xf32>
    %slice3A_7 = vector.extract_strided_slice %get3A_4 {offsets = [2, 0, 0], sizes = [1, 64, 128], strides = [1, 1, 1]} : vector<3x64x128xf32> to vector<1x64x128xf32>
    %squeeze3A_8 = vector.shape_cast %slice3A_7 : vector<1x64x128xf32> to vector<64x128xf32>
    %get3A_9 = arith.constant 0 : index
    %get3A_10 = arith.constant 0 : index
    %get3A_11 = arith.constant 0 : index
    %get3A_12 = vector.load %arg3[%get3A_9, %get3A_10, %get3A_11] : memref<1x128x3xf32, #tpu.memory_space<vmem>>, vector<1x128x3xf32>
    %get3A_13 = vector.shape_cast %get3A_12 : vector<1x128x3xf32> to vector<128x3xf32>
    %slice3A_14 = vector.extract_strided_slice %get3A_13 {offsets = [0, 0], sizes = [128, 1], strides = [1, 1]} : vector<128x3xf32> to vector<128x1xf32>
    %reshape3A = vector.shape_cast %slice3A_14 : vector<128x1xf32> to vector<128x1x1xf32>
    %slice3A_15 = vector.extract_strided_slice %get3A_13 {offsets = [0, 1], sizes = [128, 1], strides = [1, 1]} : vector<128x3xf32> to vector<128x1xf32>
    %reshape3A_16 = vector.shape_cast %slice3A_15 : vector<128x1xf32> to vector<128x1x1xf32>
    %slice3A_17 = vector.extract_strided_slice %get3A_13 {offsets = [0, 2], sizes = [128, 1], strides = [1, 1]} : vector<128x3xf32> to vector<128x1xf32>
    %reshape3A_18 = vector.shape_cast %slice3A_17 : vector<128x1xf32> to vector<128x1x1xf32>
    %mul3A = arith.mulf %squeeze3A, %squeeze3A : vector<64x128xf32>
    %mul3A_19 = arith.mulf %squeeze3A_6, %squeeze3A_6 : vector<64x128xf32>
    %add3A = arith.addf %mul3A, %mul3A_19 : vector<64x128xf32>
    %mul3A_20 = arith.mulf %squeeze3A_8, %squeeze3A_8 : vector<64x128xf32>
    %add3A_21 = arith.addf %add3A, %mul3A_20 : vector<64x128xf32>
    %broadcast_in_dim3A = vector.shape_cast %add3A_21 : vector<64x128xf32> to vector<1x64x128xf32>
    %mul3A_22 = arith.mulf %reshape3A, %reshape3A : vector<128x1x1xf32>
    %mul3A_23 = arith.mulf %reshape3A_16, %reshape3A_16 : vector<128x1x1xf32>
    %add3A_24 = arith.addf %mul3A_22, %mul3A_23 : vector<128x1x1xf32>
    %mul3A_25 = arith.mulf %reshape3A_18, %reshape3A_18 : vector<128x1x1xf32>
    %add3A_26 = arith.addf %add3A_24, %mul3A_25 : vector<128x1x1xf32>
    %convert_element_type3A = arith.truncf %reshape3A : vector<128x1x1xf32> to vector<128x1x1xbf16>
    %convert_element_type3A_27 = arith.extf %convert_element_type3A : vector<128x1x1xbf16> to vector<128x1x1xf32>
    %convert_element_type3A_28 = arith.truncf %squeeze3A : vector<64x128xf32> to vector<64x128xbf16>
    %convert_element_type3A_29 = arith.extf %convert_element_type3A_28 : vector<64x128xbf16> to vector<64x128xf32>
    %broadcast_in_dim3A_30 = vector.shape_cast %convert_element_type3A_29 : vector<64x128xf32> to vector<1x64x128xf32>
    %mul3A_31 = vector.broadcast %convert_element_type3A_27 : vector<128x1x1xf32> to vector<128x64x128xf32>
    %mul3A_32 = vector.broadcast %broadcast_in_dim3A_30 : vector<1x64x128xf32> to vector<128x64x128xf32>
    %mul3A_33 = arith.mulf %mul3A_31, %mul3A_32 : vector<128x64x128xf32>
    %convert_element_type3A_34 = arith.truncf %reshape3A_16 : vector<128x1x1xf32> to vector<128x1x1xbf16>
    %convert_element_type3A_35 = arith.extf %convert_element_type3A_34 : vector<128x1x1xbf16> to vector<128x1x1xf32>
    %convert_element_type3A_36 = arith.truncf %squeeze3A_6 : vector<64x128xf32> to vector<64x128xbf16>
    %convert_element_type3A_37 = arith.extf %convert_element_type3A_36 : vector<64x128xbf16> to vector<64x128xf32>
    %broadcast_in_dim3A_38 = vector.shape_cast %convert_element_type3A_37 : vector<64x128xf32> to vector<1x64x128xf32>
    %mul3A_39 = vector.broadcast %convert_element_type3A_35 : vector<128x1x1xf32> to vector<128x64x128xf32>
    %mul3A_40 = vector.broadcast %broadcast_in_dim3A_38 : vector<1x64x128xf32> to vector<128x64x128xf32>
    %mul3A_41 = arith.mulf %mul3A_39, %mul3A_40 : vector<128x64x128xf32>
    %add3A_42 = arith.addf %mul3A_33, %mul3A_41 : vector<128x64x128xf32>
    %convert_element_type3A_43 = arith.truncf %reshape3A_18 : vector<128x1x1xf32> to vector<128x1x1xbf16>
    %convert_element_type3A_44 = arith.extf %convert_element_type3A_43 : vector<128x1x1xbf16> to vector<128x1x1xf32>
    %convert_element_type3A_45 = arith.truncf %squeeze3A_8 : vector<64x128xf32> to vector<64x128xbf16>
    %convert_element_type3A_46 = arith.extf %convert_element_type3A_45 : vector<64x128xbf16> to vector<64x128xf32>
    %broadcast_in_dim3A_47 = vector.shape_cast %convert_element_type3A_46 : vector<64x128xf32> to vector<1x64x128xf32>
    %mul3A_48 = vector.broadcast %convert_element_type3A_44 : vector<128x1x1xf32> to vector<128x64x128xf32>
    %mul3A_49 = vector.broadcast %broadcast_in_dim3A_47 : vector<1x64x128xf32> to vector<128x64x128xf32>
    %mul3A_50 = arith.mulf %mul3A_48, %mul3A_49 : vector<128x64x128xf32>
    %add3A_51 = arith.addf %add3A_42, %mul3A_50 : vector<128x64x128xf32>
    %add3A_52 = vector.broadcast %add3A_26 : vector<128x1x1xf32> to vector<128x64x128xf32>
    %add3A_53 = vector.broadcast %broadcast_in_dim3A : vector<1x64x128xf32> to vector<128x64x128xf32>
    %add3A_54 = arith.addf %add3A_52, %add3A_53 : vector<128x64x128xf32>
    %mul3A_55 = arith.constant 2.000000e+00 : f32
    %mul3A_56 = vector.broadcast %mul3A_55 : f32 to vector<128x64x128xf32>
    %mul3A_57 = arith.mulf %mul3A_56, %add3A_51 : vector<128x64x128xf32>
    %sub3A = arith.subf %add3A_54, %mul3A_57 : vector<128x64x128xf32>
    %max3A = arith.constant 0.000000e+00 : f32
    %max3A_58 = vector.broadcast %max3A : f32 to vector<128x64x128xf32>
    %max3A_59 = arith.maximumf %sub3A, %max3A_58 : vector<128x64x128xf32>
    %iota3A = tpu.iota {dimensions = array<i32: 1>} : vector<1x64x128xi32>
    %mul3A_60 = arith.constant 128 : i32
    %mul3A_61 = vector.broadcast %mul3A_60 : i32 to vector<1x64x128xi32>
    %mul3A_62 = arith.muli %iota3A, %mul3A_61 : vector<1x64x128xi32>
    %iota3A_63 = tpu.iota {dimensions = array<i32: 2>} : vector<1x64x128xi32>
    %add3A_64 = arith.addi %mul3A_62, %iota3A_63 : vector<1x64x128xi32>
    %iota3A_65 = tpu.iota {dimensions = array<i32: 1>} : vector<1x128xi32>
    %iota3A_66 = tpu.iota {dimensions = array<i32: 1>} : vector<1x32xi32>
    %swap3A = arith.constant 0 : index
    %swap3A_67 = arith.constant 0 : index
    %swap3A_68 = arith.constant 0 : index
    %swap3A_69 = vector.load %arg5[%swap3A, %swap3A_67, %swap3A_68] : memref<128x64x128xf32, #tpu.memory_space<vmem>>, vector<128x64x128xf32>
    tpu.vector_store %arg5[%swap3A, %swap3A_67, %swap3A_68], %max3A_59 {strides = array<i32>} : memref<128x64x128xf32, #tpu.memory_space<vmem>>, vector<128x64x128xf32>,
    %reduce_min3A = arith.constant dense<0x7F800000> : vector<128x128xf32>
    %reduce_min3A_70 = vector.multi_reduction <minimumf>, %max3A_59, %reduce_min3A [1] : vector<128x64x128xf32> to vector<128x128xf32>
    %broadcast_in_dim3A_71 = vector.shape_cast %reduce_min3A_70 : vector<128x128xf32> to vector<128x1x128xf32>
    %eq3A = vector.broadcast %broadcast_in_dim3A_71 : vector<128x1x128xf32> to vector<128x64x128xf32>
    %eq3A_72 = arith.cmpf oeq, %max3A_59, %eq3A : vector<128x64x128xf32>
    %jit3A = arith.constant 1073741824 : i32
    %broadcast_in_dim3A_73 = vector.shape_cast %iota3A : vector<1x64x128xi32> to vector<1x64x128xi32>
    %broadcast_in_dim3A_74 = vector.broadcast %broadcast_in_dim3A_73 : vector<1x64x128xi32> to vector<128x64x128xi32>
    %broadcast_in_dim3A_75 = vector.broadcast %jit3A : i32 to vector<128x64x128xi32>
    %select_n3A = arith.select %eq3A_72, %broadcast_in_dim3A_74, %broadcast_in_dim3A_75 : vector<128x64x128xi1>, vector<128x64x128xi32>
    %reduce_min3A_76 = arith.constant dense<2147483647> : vector<128x128xi32>
    %reduce_min3A_77 = vector.multi_reduction <minsi>, %select_n3A, %reduce_min3A_76 [1] : vector<128x64x128xi32> to vector<128x128xi32>
    %swap3A_78 = arith.constant 0 : index
    %swap3A_79 = arith.constant 0 : index
    %swap3A_80 = arith.constant 0 : index
    %swap3A_81 = vector.load %arg6[%swap3A_78, %swap3A_79, %swap3A_80] : memref<128x5x128xf32, #tpu.memory_space<vmem>>, vector<128x1x128xf32>
    %swap3A_82 = vector.shape_cast %swap3A_81 : vector<128x1x128xf32> to vector<128x128xf32>
    %swap3A_83 = vector.shape_cast %reduce_min3A_70 : vector<128x128xf32> to vector<128x1x128xf32>
    tpu.vector_store %arg6[%swap3A_78, %swap3A_79, %swap3A_80], %swap3A_83 {strides = array<i32>} : memref<128x5x128xf32, #tpu.memory_space<vmem>>, vector<128x1x128xf32>,
    %mul3A_84 = arith.constant 128 : i32
    %mul3A_85 = vector.broadcast %mul3A_84 : i32 to vector<128x128xi32>
    %mul3A_86 = arith.muli %reduce_min3A_77, %mul3A_85 : vector<128x128xi32>
    %add3A_87 = vector.broadcast %iota3A_65 : vector<1x128xi32> to vector<128x128xi32>
    %add3A_88 = arith.addi %mul3A_86, %add3A_87 : vector<128x128xi32>
    %swap3A_89 = arith.constant 0 : index
    %swap3A_90 = arith.constant 0 : index
    %swap3A_91 = arith.constant 0 : index
    %swap3A_92 = vector.load %arg7[%swap3A_89, %swap3A_90, %swap3A_91] : memref<128x5x128xi32, #tpu.memory_space<vmem>>, vector<128x1x128xi32>
    %swap3A_93 = vector.shape_cast %swap3A_92 : vector<128x1x128xi32> to vector<128x128xi32>
    %swap3A_94 = vector.shape_cast %add3A_88 : vector<128x128xi32> to vector<128x1x128xi32>
    tpu.vector_store %arg7[%swap3A_89, %swap3A_90, %swap3A_91], %swap3A_94 {strides = array<i32>} : memref<128x5x128xi32, #tpu.memory_space<vmem>>, vector<128x1x128xi32>,
    %get3A_95 = arith.constant 0 : index
    %get3A_96 = arith.constant 0 : index
    %get3A_97 = arith.constant 0 : index
    %get3A_98 = vector.load %arg5[%get3A_95, %get3A_96, %get3A_97] : memref<128x64x128xf32, #tpu.memory_space<vmem>>, vector<128x64x128xf32>
    %broadcast_in_dim3A_99 = vector.shape_cast %reduce_min3A_77 : vector<128x128xi32> to vector<128x1x128xi32>
    %eq3A_100 = vector.broadcast %iota3A : vector<1x64x128xi32> to vector<128x64x128xi32>
    %eq3A_101 = vector.broadcast %broadcast_in_dim3A_99 : vector<128x1x128xi32> to vector<128x64x128xi32>
    %eq3A_102 = arith.cmpi eq, %eq3A_100, %eq3A_101 : vector<128x64x128xi32>
    %jit3A_103 = arith.constant 0x7F800000 : f32
    %broadcast_in_dim3A_104 = vector.broadcast %jit3A_103 : f32 to vector<128x64x128xf32>
    %select_n3A_105 = arith.select %eq3A_102, %broadcast_in_dim3A_104, %get3A_98 : vector<128x64x128xi1>, vector<128x64x128xf32>
    %swap3A_106 = arith.constant 0 : index
    %swap3A_107 = arith.constant 0 : index
    %swap3A_108 = arith.constant 0 : index
    %swap3A_109 = vector.load %arg5[%swap3A_106, %swap3A_107, %swap3A_108] : memref<128x64x128xf32, #tpu.memory_space<vmem>>, vector<128x64x128xf32>
    tpu.vector_store %arg5[%swap3A_106, %swap3A_107, %swap3A_108], %select_n3A_105 {strides = array<i32>} : memref<128x64x128xf32, #tpu.memory_space<vmem>>, vector<128x64x128xf32>,
    %reduce_min3A_110 = arith.constant dense<0x7F800000> : vector<128x128xf32>
    %reduce_min3A_111 = vector.multi_reduction <minimumf>, %select_n3A_105, %reduce_min3A_110 [1] : vector<128x64x128xf32> to vector<128x128xf32>
    %broadcast_in_dim3A_112 = vector.shape_cast %reduce_min3A_111 : vector<128x128xf32> to vector<128x1x128xf32>
    %eq3A_113 = vector.broadcast %broadcast_in_dim3A_112 : vector<128x1x128xf32> to vector<128x64x128xf32>
    %eq3A_114 = arith.cmpf oeq, %select_n3A_105, %eq3A_113 : vector<128x64x128xf32>
    %jit3A_115 = arith.constant 1073741824 : i32
    %broadcast_in_dim3A_116 = vector.shape_cast %iota3A : vector<1x64x128xi32> to vector<1x64x128xi32>
    %broadcast_in_dim3A_117 = vector.broadcast %broadcast_in_dim3A_116 : vector<1x64x128xi32> to vector<128x64x128xi32>
    %broadcast_in_dim3A_118 = vector.broadcast %jit3A_115 : i32 to vector<128x64x128xi32>
    %select_n3A_119 = arith.select %eq3A_114, %broadcast_in_dim3A_117, %broadcast_in_dim3A_118 : vector<128x64x128xi1>, vector<128x64x128xi32>
    %reduce_min3A_120 = arith.constant dense<2147483647> : vector<128x128xi32>
    %reduce_min3A_121 = vector.multi_reduction <minsi>, %select_n3A_119, %reduce_min3A_120 [1] : vector<128x64x128xi32> to vector<128x128xi32>
    %swap3A_122 = arith.constant 0 : index
    %swap3A_123 = arith.constant 1 : index
    %swap3A_124 = arith.constant 0 : index
    %swap3A_125 = vector.load %arg6[%swap3A_122, %swap3A_123, %swap3A_124] : memref<128x5x128xf32, #tpu.memory_space<vmem>>, vector<128x1x128xf32>
    %swap3A_126 = vector.shape_cast %swap3A_125 : vector<128x1x128xf32> to vector<128x128xf32>
    %swap3A_127 = vector.shape_cast %reduce_min3A_111 : vector<128x128xf32> to vector<128x1x128xf32>
    tpu.vector_store %arg6[%swap3A_122, %swap3A_123, %swap3A_124], %swap3A_127 {strides = array<i32>} : memref<128x5x128xf32, #tpu.memory_space<vmem>>, vector<128x1x128xf32>,
    %mul3A_128 = arith.constant 128 : i32
    %mul3A_129 = vector.broadcast %mul3A_128 : i32 to vector<128x128xi32>
    %mul3A_130 = arith.muli %reduce_min3A_121, %mul3A_129 : vector<128x128xi32>
    %add3A_131 = vector.broadcast %iota3A_65 : vector<1x128xi32> to vector<128x128xi32>
    %add3A_132 = arith.addi %mul3A_130, %add3A_131 : vector<128x128xi32>
    %swap3A_133 = arith.constant 0 : index
    %swap3A_134 = arith.constant 1 : index
    %swap3A_135 = arith.constant 0 : index
    %swap3A_136 = vector.load %arg7[%swap3A_133, %swap3A_134, %swap3A_135] : memref<128x5x128xi32, #tpu.memory_space<vmem>>, vector<128x1x128xi32>
    %swap3A_137 = vector.shape_cast %swap3A_136 : vector<128x1x128xi32> to vector<128x128xi32>
    %swap3A_138 = vector.shape_cast %add3A_132 : vector<128x128xi32> to vector<128x1x128xi32>
    tpu.vector_store %arg7[%swap3A_133, %swap3A_134, %swap3A_135], %swap3A_138 {strides = array<i32>} : memref<128x5x128xi32, #tpu.memory_space<vmem>>, vector<128x1x128xi32>,
    %get3A_139 = arith.constant 0 : index
    %get3A_140 = arith.constant 0 : index
    %get3A_141 = arith.constant 0 : index
    %get3A_142 = vector.load %arg5[%get3A_139, %get3A_140, %get3A_141] : memref<128x64x128xf32, #tpu.memory_space<vmem>>, vector<128x64x128xf32>
    %broadcast_in_dim3A_143 = vector.shape_cast %reduce_min3A_121 : vector<128x128xi32> to vector<128x1x128xi32>
    %eq3A_144 = vector.broadcast %iota3A : vector<1x64x128xi32> to vector<128x64x128xi32>
    %eq3A_145 = vector.broadcast %broadcast_in_dim3A_143 : vector<128x1x128xi32> to vector<128x64x128xi32>
    %eq3A_146 = arith.cmpi eq, %eq3A_144, %eq3A_145 : vector<128x64x128xi32>
    %jit3A_147 = arith.constant 0x7F800000 : f32
    %broadcast_in_dim3A_148 = vector.broadcast %jit3A_147 : f32 to vector<128x64x128xf32>
    %select_n3A_149 = arith.select %eq3A_146, %broadcast_in_dim3A_148, %get3A_142 : vector<128x64x128xi1>, vector<128x64x128xf32>
    %swap3A_150 = arith.constant 0 : index
    %swap3A_151 = arith.constant 0 : index
    %swap3A_152 = arith.constant 0 : index
    %swap3A_153 = vector.load %arg5[%swap3A_150, %swap3A_151, %swap3A_152] : memref<128x64x128xf32, #tpu.memory_space<vmem>>, vector<128x64x128xf32>
    tpu.vector_store %arg5[%swap3A_150, %swap3A_151, %swap3A_152], %select_n3A_149 {strides = array<i32>} : memref<128x64x128xf32, #tpu.memory_space<vmem>>, vector<128x64x128xf32>,
    %reduce_min3A_154 = arith.constant dense<0x7F800000> : vector<128x128xf32>
    %reduce_min3A_155 = vector.multi_reduction <minimumf>, %select_n3A_149, %reduce_min3A_154 [1] : vector<128x64x128xf32> to vector<128x128xf32>
    %broadcast_in_dim3A_156 = vector.shape_cast %reduce_min3A_155 : vector<128x128xf32> to vector<128x1x128xf32>
    %eq3A_157 = vector.broadcast %broadcast_in_dim3A_156 : vector<128x1x128xf32> to vector<128x64x128xf32>
    %eq3A_158 = arith.cmpf oeq, %select_n3A_149, %eq3A_157 : vector<128x64x128xf32>
    %jit3A_159 = arith.constant 1073741824 : i32
    %broadcast_in_dim3A_160 = vector.shape_cast %iota3A : vector<1x64x128xi32> to vector<1x64x128xi32>
    %broadcast_in_dim3A_161 = vector.broadcast %broadcast_in_dim3A_160 : vector<1x64x128xi32> to vector<128x64x128xi32>
    %broadcast_in_dim3A_162 = vector.broadcast %jit3A_159 : i32 to vector<128x64x128xi32>
    %select_n3A_163 = arith.select %eq3A_158, %broadcast_in_dim3A_161, %broadcast_in_dim3A_162 : vector<128x64x128xi1>, vector<128x64x128xi32>
    %reduce_min3A_164 = arith.constant dense<2147483647> : vector<128x128xi32>
    %reduce_min3A_165 = vector.multi_reduction <minsi>, %select_n3A_163, %reduce_min3A_164 [1] : vector<128x64x128xi32> to vector<128x128xi32>
    %swap3A_166 = arith.constant 0 : index
    %swap3A_167 = arith.constant 2 : index
    %swap3A_168 = arith.constant 0 : index
    %swap3A_169 = vector.load %arg6[%swap3A_166, %swap3A_167, %swap3A_168] : memref<128x5x128xf32, #tpu.memory_space<vmem>>, vector<128x1x128xf32>
    %swap3A_170 = vector.shape_cast %swap3A_169 : vector<128x1x128xf32> to vector<128x128xf32>
    %swap3A_171 = vector.shape_cast %reduce_min3A_155 : vector<128x128xf32> to vector<128x1x128xf32>
    tpu.vector_store %arg6[%swap3A_166, %swap3A_167, %swap3A_168], %swap3A_171 {strides = array<i32>} : memref<128x5x128xf32, #tpu.memory_space<vmem>>, vector<128x1x128xf32>,
    %mul3A_172 = arith.constant 128 : i32
    %mul3A_173 = vector.broadcast %mul3A_172 : i32 to vector<128x128xi32>
    %mul3A_174 = arith.muli %reduce_min3A_165, %mul3A_173 : vector<128x128xi32>
    %add3A_175 = vector.broadcast %iota3A_65 : vector<1x128xi32> to vector<128x128xi32>
    %add3A_176 = arith.addi %mul3A_174, %add3A_175 : vector<128x128xi32>
    %swap3A_177 = arith.constant 0 : index
    %swap3A_178 = arith.constant 2 : index
    %swap3A_179 = arith.constant 0 : index
    %swap3A_180 = vector.load %arg7[%swap3A_177, %swap3A_178, %swap3A_179] : memref<128x5x128xi32, #tpu.memory_space<vmem>>, vector<128x1x128xi32>
    %swap3A_181 = vector.shape_cast %swap3A_180 : vector<128x1x128xi32> to vector<128x128xi32>
    %swap3A_182 = vector.shape_cast %add3A_176 : vector<128x128xi32> to vector<128x1x128xi32>
    tpu.vector_store %arg7[%swap3A_177, %swap3A_178, %swap3A_179], %swap3A_182 {strides = array<i32>} : memref<128x5x128xi32, #tpu.memory_space<vmem>>, vector<128x1x128xi32>,
    %get3A_183 = arith.constant 0 : index
    %get3A_184 = arith.constant 0 : index
    %get3A_185 = arith.constant 0 : index
    %get3A_186 = vector.load %arg5[%get3A_183, %get3A_184, %get3A_185] : memref<128x64x128xf32, #tpu.memory_space<vmem>>, vector<128x64x128xf32>
    %broadcast_in_dim3A_187 = vector.shape_cast %reduce_min3A_165 : vector<128x128xi32> to vector<128x1x128xi32>
    %eq3A_188 = vector.broadcast %iota3A : vector<1x64x128xi32> to vector<128x64x128xi32>
    %eq3A_189 = vector.broadcast %broadcast_in_dim3A_187 : vector<128x1x128xi32> to vector<128x64x128xi32>
    %eq3A_190 = arith.cmpi eq, %eq3A_188, %eq3A_189 : vector<128x64x128xi32>
    %jit3A_191 = arith.constant 0x7F800000 : f32
    %broadcast_in_dim3A_192 = vector.broadcast %jit3A_191 : f32 to vector<128x64x128xf32>
    %select_n3A_193 = arith.select %eq3A_190, %broadcast_in_dim3A_192, %get3A_186 : vector<128x64x128xi1>, vector<128x64x128xf32>
    %swap3A_194 = arith.constant 0 : index
    %swap3A_195 = arith.constant 0 : index
    %swap3A_196 = arith.constant 0 : index
    %swap3A_197 = vector.load %arg5[%swap3A_194, %swap3A_195, %swap3A_196] : memref<128x64x128xf32, #tpu.memory_space<vmem>>, vector<128x64x128xf32>
    tpu.vector_store %arg5[%swap3A_194, %swap3A_195, %swap3A_196], %select_n3A_193 {strides = array<i32>} : memref<128x64x128xf32, #tpu.memory_space<vmem>>, vector<128x64x128xf32>,
    %reduce_min3A_198 = arith.constant dense<0x7F800000> : vector<128x128xf32>
    %reduce_min3A_199 = vector.multi_reduction <minimumf>, %select_n3A_193, %reduce_min3A_198 [1] : vector<128x64x128xf32> to vector<128x128xf32>
    %broadcast_in_dim3A_200 = vector.shape_cast %reduce_min3A_199 : vector<128x128xf32> to vector<128x1x128xf32>
    %eq3A_201 = vector.broadcast %broadcast_in_dim3A_200 : vector<128x1x128xf32> to vector<128x64x128xf32>
    %eq3A_202 = arith.cmpf oeq, %select_n3A_193, %eq3A_201 : vector<128x64x128xf32>
    %jit3A_203 = arith.constant 1073741824 : i32
    %broadcast_in_dim3A_204 = vector.shape_cast %iota3A : vector<1x64x128xi32> to vector<1x64x128xi32>
    %broadcast_in_dim3A_205 = vector.broadcast %broadcast_in_dim3A_204 : vector<1x64x128xi32> to vector<128x64x128xi32>
    %broadcast_in_dim3A_206 = vector.broadcast %jit3A_203 : i32 to vector<128x64x128xi32>
    %select_n3A_207 = arith.select %eq3A_202, %broadcast_in_dim3A_205, %broadcast_in_dim3A_206 : vector<128x64x128xi1>, vector<128x64x128xi32>
    %reduce_min3A_208 = arith.constant dense<2147483647> : vector<128x128xi32>
    %reduce_min3A_209 = vector.multi_reduction <minsi>, %select_n3A_207, %reduce_min3A_208 [1] : vector<128x64x128xi32> to vector<128x128xi32>
    %swap3A_210 = arith.constant 0 : index
    %swap3A_211 = arith.constant 3 : index
    %swap3A_212 = arith.constant 0 : index
    %swap3A_213 = vector.load %arg6[%swap3A_210, %swap3A_211, %swap3A_212] : memref<128x5x128xf32, #tpu.memory_space<vmem>>, vector<128x1x128xf32>
    %swap3A_214 = vector.shape_cast %swap3A_213 : vector<128x1x128xf32> to vector<128x128xf32>
    %swap3A_215 = vector.shape_cast %reduce_min3A_199 : vector<128x128xf32> to vector<128x1x128xf32>
    tpu.vector_store %arg6[%swap3A_210, %swap3A_211, %swap3A_212], %swap3A_215 {strides = array<i32>} : memref<128x5x128xf32, #tpu.memory_space<vmem>>, vector<128x1x128xf32>,
    %mul3A_216 = arith.constant 128 : i32
    %mul3A_217 = vector.broadcast %mul3A_216 : i32 to vector<128x128xi32>
    %mul3A_218 = arith.muli %reduce_min3A_209, %mul3A_217 : vector<128x128xi32>
    %add3A_219 = vector.broadcast %iota3A_65 : vector<1x128xi32> to vector<128x128xi32>
    %add3A_220 = arith.addi %mul3A_218, %add3A_219 : vector<128x128xi32>
    %swap3A_221 = arith.constant 0 : index
    %swap3A_222 = arith.constant 3 : index
    %swap3A_223 = arith.constant 0 : index
    %swap3A_224 = vector.load %arg7[%swap3A_221, %swap3A_222, %swap3A_223] : memref<128x5x128xi32, #tpu.memory_space<vmem>>, vector<128x1x128xi32>
    %swap3A_225 = vector.shape_cast %swap3A_224 : vector<128x1x128xi32> to vector<128x128xi32>
    %swap3A_226 = vector.shape_cast %add3A_220 : vector<128x128xi32> to vector<128x1x128xi32>
    tpu.vector_store %arg7[%swap3A_221, %swap3A_222, %swap3A_223], %swap3A_226 {strides = array<i32>} : memref<128x5x128xi32, #tpu.memory_space<vmem>>, vector<128x1x128xi32>,
    %get3A_227 = arith.constant 0 : index
    %get3A_228 = arith.constant 0 : index
    %get3A_229 = arith.constant 0 : index
    %get3A_230 = vector.load %arg5[%get3A_227, %get3A_228, %get3A_229] : memref<128x64x128xf32, #tpu.memory_space<vmem>>, vector<128x64x128xf32>
    %broadcast_in_dim3A_231 = vector.shape_cast %reduce_min3A_209 : vector<128x128xi32> to vector<128x1x128xi32>
    %eq3A_232 = vector.broadcast %iota3A : vector<1x64x128xi32> to vector<128x64x128xi32>
    %eq3A_233 = vector.broadcast %broadcast_in_dim3A_231 : vector<128x1x128xi32> to vector<128x64x128xi32>
    %eq3A_234 = arith.cmpi eq, %eq3A_232, %eq3A_233 : vector<128x64x128xi32>
    %jit3A_235 = arith.constant 0x7F800000 : f32
    %broadcast_in_dim3A_236 = vector.broadcast %jit3A_235 : f32 to vector<128x64x128xf32>
    %select_n3A_237 = arith.select %eq3A_234, %broadcast_in_dim3A_236, %get3A_230 : vector<128x64x128xi1>, vector<128x64x128xf32>
    %swap3A_238 = arith.constant 0 : index
    %swap3A_239 = arith.constant 0 : index
    %swap3A_240 = arith.constant 0 : index
    %swap3A_241 = vector.load %arg5[%swap3A_238, %swap3A_239, %swap3A_240] : memref<128x64x128xf32, #tpu.memory_space<vmem>>, vector<128x64x128xf32>
    tpu.vector_store %arg5[%swap3A_238, %swap3A_239, %swap3A_240], %select_n3A_237 {strides = array<i32>} : memref<128x64x128xf32, #tpu.memory_space<vmem>>, vector<128x64x128xf32>,
    %reduce_min3A_242 = arith.constant dense<0x7F800000> : vector<128x128xf32>
    %reduce_min3A_243 = vector.multi_reduction <minimumf>, %select_n3A_237, %reduce_min3A_242 [1] : vector<128x64x128xf32> to vector<128x128xf32>
    %broadcast_in_dim3A_244 = vector.shape_cast %reduce_min3A_243 : vector<128x128xf32> to vector<128x1x128xf32>
    %eq3A_245 = vector.broadcast %broadcast_in_dim3A_244 : vector<128x1x128xf32> to vector<128x64x128xf32>
    %eq3A_246 = arith.cmpf oeq, %select_n3A_237, %eq3A_245 : vector<128x64x128xf32>
    %jit3A_247 = arith.constant 1073741824 : i32
    %broadcast_in_dim3A_248 = vector.shape_cast %iota3A : vector<1x64x128xi32> to vector<1x64x128xi32>
    %broadcast_in_dim3A_249 = vector.broadcast %broadcast_in_dim3A_248 : vector<1x64x128xi32> to vector<128x64x128xi32>
    %broadcast_in_dim3A_250 = vector.broadcast %jit3A_247 : i32 to vector<128x64x128xi32>
    %select_n3A_251 = arith.select %eq3A_246, %broadcast_in_dim3A_249, %broadcast_in_dim3A_250 : vector<128x64x128xi1>, vector<128x64x128xi32>
    %reduce_min3A_252 = arith.constant dense<2147483647> : vector<128x128xi32>
    %reduce_min3A_253 = vector.multi_reduction <minsi>, %select_n3A_251, %reduce_min3A_252 [1] : vector<128x64x128xi32> to vector<128x128xi32>
    %swap3A_254 = arith.constant 0 : index
    %swap3A_255 = arith.constant 4 : index
    %swap3A_256 = arith.constant 0 : index
    %swap3A_257 = vector.load %arg6[%swap3A_254, %swap3A_255, %swap3A_256] : memref<128x5x128xf32, #tpu.memory_space<vmem>>, vector<128x1x128xf32>
    %swap3A_258 = vector.shape_cast %swap3A_257 : vector<128x1x128xf32> to vector<128x128xf32>
    %swap3A_259 = vector.shape_cast %reduce_min3A_243 : vector<128x128xf32> to vector<128x1x128xf32>
    tpu.vector_store %arg6[%swap3A_254, %swap3A_255, %swap3A_256], %swap3A_259 {strides = array<i32>} : memref<128x5x128xf32, #tpu.memory_space<vmem>>, vector<128x1x128xf32>,
    %mul3A_260 = arith.constant 128 : i32
    %mul3A_261 = vector.broadcast %mul3A_260 : i32 to vector<128x128xi32>
    %mul3A_262 = arith.muli %reduce_min3A_253, %mul3A_261 : vector<128x128xi32>
    %add3A_263 = vector.broadcast %iota3A_65 : vector<1x128xi32> to vector<128x128xi32>
    %add3A_264 = arith.addi %mul3A_262, %add3A_263 : vector<128x128xi32>
    %swap3A_265 = arith.constant 0 : index
    %swap3A_266 = arith.constant 4 : index
    %swap3A_267 = arith.constant 0 : index
    %swap3A_268 = vector.load %arg7[%swap3A_265, %swap3A_266, %swap3A_267] : memref<128x5x128xi32, #tpu.memory_space<vmem>>, vector<128x1x128xi32>
    %swap3A_269 = vector.shape_cast %swap3A_268 : vector<128x1x128xi32> to vector<128x128xi32>
    %swap3A_270 = vector.shape_cast %add3A_264 : vector<128x128xi32> to vector<128x1x128xi32>
    tpu.vector_store %arg7[%swap3A_265, %swap3A_266, %swap3A_267], %swap3A_270 {strides = array<i32>} : memref<128x5x128xi32, #tpu.memory_space<vmem>>, vector<128x1x128xi32>,
    %get3A_271 = arith.constant 0 : index
    %get3A_272 = arith.constant 0 : index
    %get3A_273 = arith.constant 0 : index
    %get3A_274 = vector.load %arg5[%get3A_271, %get3A_272, %get3A_273] : memref<128x64x128xf32, #tpu.memory_space<vmem>>, vector<128x64x128xf32>
    %broadcast_in_dim3A_275 = vector.shape_cast %reduce_min3A_253 : vector<128x128xi32> to vector<128x1x128xi32>
    %eq3A_276 = vector.broadcast %iota3A : vector<1x64x128xi32> to vector<128x64x128xi32>
    %eq3A_277 = vector.broadcast %broadcast_in_dim3A_275 : vector<128x1x128xi32> to vector<128x64x128xi32>
    %eq3A_278 = arith.cmpi eq, %eq3A_276, %eq3A_277 : vector<128x64x128xi32>
    %jit3A_279 = arith.constant 0x7F800000 : f32
    %broadcast_in_dim3A_280 = vector.broadcast %jit3A_279 : f32 to vector<128x64x128xf32>
    %select_n3A_281 = arith.select %eq3A_278, %broadcast_in_dim3A_280, %get3A_274 : vector<128x64x128xi1>, vector<128x64x128xf32>
    %swap3A_282 = arith.constant 0 : index
    %swap3A_283 = arith.constant 0 : index
    %swap3A_284 = arith.constant 0 : index
    %swap3A_285 = vector.load %arg5[%swap3A_282, %swap3A_283, %swap3A_284] : memref<128x64x128xf32, #tpu.memory_space<vmem>>, vector<128x64x128xf32>
    tpu.vector_store %arg5[%swap3A_282, %swap3A_283, %swap3A_284], %select_n3A_281 {strides = array<i32>} : memref<128x64x128xf32, #tpu.memory_space<vmem>>, vector<128x64x128xf32>,
    %reduce_min3A_286 = arith.constant dense<0x7F800000> : vector<128x128xf32>
    %reduce_min3A_287 = vector.multi_reduction <minimumf>, %select_n3A_281, %reduce_min3A_286 [1] : vector<128x64x128xf32> to vector<128x128xf32>
    %reduce_min3A_288 = arith.constant dense<0x7F800000> : vector<128xf32>
    %reduce_min3A_289 = vector.multi_reduction <minimumf>, %reduce_min3A_287, %reduce_min3A_288 [1] : vector<128x128xf32> to vector<128xf32>
    %get3A_290 = arith.constant 0 : index
    %get3A_291 = arith.constant 0 : index
    %get3A_292 = arith.constant 0 : index
    %get3A_293 = vector.load %arg6[%get3A_290, %get3A_291, %get3A_292] : memref<128x5x128xf32, #tpu.memory_space<vmem>>, vector<128x5x128xf32>
    %broadcast_in_dim3A_294 = vector.shape_cast %reduce_min3A_289 : vector<128xf32> to vector<128x1x1xf32>
    %lt3A = vector.broadcast %broadcast_in_dim3A_294 : vector<128x1x1xf32> to vector<128x5x128xf32>
    %lt3A_295 = arith.cmpf olt, %get3A_293, %lt3A : vector<128x5x128xf32>
    %convert_element_type3A_296 = arith.extui %lt3A_295 : vector<128x5x128xi1> to vector<128x5x128xi32>
    %reduce_sum3A = arith.constant dense<0> : vector<128xi32>
    %reduce_sum3A_297 = vector.multi_reduction <add>, %convert_element_type3A_296, %reduce_sum3A [1, 2] : vector<128x5x128xi32> to vector<128xi32>
    %ge3A = arith.constant 32 : i32
    %ge3A_298 = vector.broadcast %ge3A : i32 to vector<128xi32>
    %ge3A_299 = arith.cmpi sge, %reduce_sum3A_297, %ge3A_298 : vector<128xi32>
    %reduce_and3A = arith.constant 1.000000e+00 : f32
    %reduce_and3A_300 = arith.constant 0.000000e+00 : f32
    %reduce_and3A_301 = vector.broadcast %reduce_and3A : f32 to vector<128xf32>
    %reduce_and3A_302 = vector.broadcast %reduce_and3A_300 : f32 to vector<128xf32>
    %reduce_and3A_303 = arith.select %ge3A_299, %reduce_and3A_301, %reduce_and3A_302 : vector<128xi1>, vector<128xf32>
    %reduce_and3A_304 = vector.shape_cast %reduce_and3A_303 : vector<128xf32> to vector<1x128xf32>
    %reduce_and3A_305 = arith.constant dense<0x7F800000> : vector<1xf32>
    %reduce_and3A_306 = vector.multi_reduction <minimumf>, %reduce_and3A_304, %reduce_and3A_305 [1] : vector<1x128xf32> to vector<1xf32>
    %reduce_and3A_307 = vector.shape_cast %reduce_and3A_306 : vector<1xf32> to vector<1x1xf32>
    %reduce_and3A_308 = vector.extract %reduce_and3A_307[0, 0] : f32 from vector<1x1xf32>
    %reduce_and3A_309 = arith.constant 0.000000e+00 : f32
    %reduce_and3A_310 = arith.cmpf ogt, %reduce_and3A_308, %reduce_and3A_309 : f32
    %convert_element_type3A_311 = arith.extui %reduce_and3A_310 : i1 to i32
    %cond3A = arith.constant 0 : i32
    %cond3A_312 = arith.cmpi ne, %convert_element_type3A_311, %cond3A : i32
    %cond3A_313 = scf.if %cond3A_312 -> (vector<128x32xi32>) {
      %get3A_324 = arith.constant 0 : index
      %get3A_325 = arith.constant 0 : index
      %get3A_326 = arith.constant 0 : index
      %get3A_327 = vector.load %arg6[%get3A_324, %get3A_325, %get3A_326] : memref<128x5x128xf32, #tpu.memory_space<vmem>>, vector<128x5x128xf32>
      %broadcast_in_dim3A_328 = arith.constant 0 : i32
      %broadcast_in_dim3A_329 = vector.broadcast %broadcast_in_dim3A_328 : i32 to vector<128x32xi32>
      %scan3A = arith.constant 0 : i32
      %scan3A_330 = arith.constant 32 : i32
      %scan3A_331 = arith.addi %scan3A, %scan3A_330 : i32
      %scan3A_332 = arith.constant 1 : i32
      %scan3A_333:2 = scf.for %scan3A_335 = %scan3A to %scan3A_331 step %scan3A_332 iter_args(%scan3A_336 = %get3A_327, %scan3A_337 = %broadcast_in_dim3A_329) -> (vector<128x5x128xf32>, vector<128x32xi32>)  : i32 {
        %reduce_min3A_338 = arith.constant dense<0x7F800000> : vector<128x128xf32>
        %reduce_min3A_339 = vector.multi_reduction <minimumf>, %scan3A_336, %reduce_min3A_338 [1] : vector<128x5x128xf32> to vector<128x128xf32>
        %reduce_min3A_340 = arith.constant dense<0x7F800000> : vector<128xf32>
        %reduce_min3A_341 = vector.multi_reduction <minimumf>, %reduce_min3A_339, %reduce_min3A_340 [1] : vector<128x128xf32> to vector<128xf32>
        %broadcast_in_dim3A_342 = vector.shape_cast %reduce_min3A_341 : vector<128xf32> to vector<128x1x1xf32>
        %eq3A_343 = vector.broadcast %broadcast_in_dim3A_342 : vector<128x1x1xf32> to vector<128x5x128xf32>
        %eq3A_344 = arith.cmpf oeq, %scan3A_336, %eq3A_343 : vector<128x5x128xf32>
        %get3A_345 = arith.constant 0 : index
        %get3A_346 = arith.constant 0 : index
        %get3A_347 = arith.constant 0 : index
        %get3A_348 = vector.load %arg7[%get3A_345, %get3A_346, %get3A_347] : memref<128x5x128xi32, #tpu.memory_space<vmem>>, vector<128x5x128xi32>
        %jit3A_349 = arith.constant 1073741824 : i32
        %broadcast_in_dim3A_350 = vector.broadcast %jit3A_349 : i32 to vector<128x5x128xi32>
        %select_n3A_351 = arith.select %eq3A_344, %get3A_348, %broadcast_in_dim3A_350 : vector<128x5x128xi1>, vector<128x5x128xi32>
        %reduce_min3A_352 = arith.constant dense<2147483647> : vector<128x128xi32>
        %reduce_min3A_353 = vector.multi_reduction <minsi>, %select_n3A_351, %reduce_min3A_352 [1] : vector<128x5x128xi32> to vector<128x128xi32>
        %reduce_min3A_354 = arith.constant dense<2147483647> : vector<128xi32>
        %reduce_min3A_355 = vector.multi_reduction <minsi>, %reduce_min3A_353, %reduce_min3A_354 [1] : vector<128x128xi32> to vector<128xi32>
        %get3A_356 = arith.constant 0 : index
        %get3A_357 = arith.constant 0 : index
        %get3A_358 = arith.constant 0 : index
        %get3A_359 = vector.load %arg7[%get3A_356, %get3A_357, %get3A_358] : memref<128x5x128xi32, #tpu.memory_space<vmem>>, vector<128x5x128xi32>
        %broadcast_in_dim3A_360 = vector.shape_cast %reduce_min3A_355 : vector<128xi32> to vector<128x1x1xi32>
        %eq3A_361 = vector.broadcast %broadcast_in_dim3A_360 : vector<128x1x1xi32> to vector<128x5x128xi32>
        %eq3A_362 = arith.cmpi eq, %get3A_359, %eq3A_361 : vector<128x5x128xi32>
        %jit3A_363 = arith.constant 0x7F800000 : f32
        %broadcast_in_dim3A_364 = vector.broadcast %jit3A_363 : f32 to vector<128x5x128xf32>
        %select_n3A_365 = arith.select %eq3A_362, %broadcast_in_dim3A_364, %scan3A_336 : vector<128x5x128xi1>, vector<128x5x128xf32>
        %eq3A_366 = vector.broadcast %scan3A_335 : i32 to vector<1x32xi32>
        %eq3A_367 = arith.cmpi eq, %iota3A_66, %eq3A_366 : vector<1x32xi32>
        %broadcast_in_dim3A_368 = vector.shape_cast %reduce_min3A_355 : vector<128xi32> to vector<128x1xi32>
        %broadcast_in_dim3A_369 = vector.shape_cast %eq3A_367 : vector<1x32xi1> to vector<1x32xi1>
        %broadcast_in_dim3A_370 = vector.broadcast %broadcast_in_dim3A_369 : vector<1x32xi1> to vector<128x32xi1>
        %broadcast_in_dim3A_371 = vector.shape_cast %broadcast_in_dim3A_368 : vector<128x1xi32> to vector<128x1xi32>
        %broadcast_in_dim3A_372 = vector.broadcast %broadcast_in_dim3A_371 : vector<128x1xi32> to vector<128x32xi32>
        %select_n3A_373 = arith.select %broadcast_in_dim3A_370, %broadcast_in_dim3A_372, %scan3A_337 : vector<128x32xi1>, vector<128x32xi32>
        scf.yield %select_n3A_365, %select_n3A_373 : vector<128x5x128xf32>, vector<128x32xi32>
      }
      %scan3A_334 = arith.constant 32 : i32
      scf.yield %scan3A_333#1 : vector<128x32xi32>
    } else {
      %swap3A_324 = arith.constant 0 : index
      %swap3A_325 = arith.constant 0 : index
      %swap3A_326 = arith.constant 0 : index
      %swap3A_327 = vector.load %arg5[%swap3A_324, %swap3A_325, %swap3A_326] : memref<128x64x128xf32, #tpu.memory_space<vmem>>, vector<128x64x128xf32>
      tpu.vector_store %arg5[%swap3A_324, %swap3A_325, %swap3A_326], %max3A_59 {strides = array<i32>} : memref<128x64x128xf32, #tpu.memory_space<vmem>>, vector<128x64x128xf32>,
      %broadcast_in_dim3A_328 = arith.constant 0 : i32
      %broadcast_in_dim3A_329 = vector.broadcast %broadcast_in_dim3A_328 : i32 to vector<128x32xi32>
      %scan3A = arith.constant 0 : i32
      %scan3A_330 = arith.constant 32 : i32
      %scan3A_331 = arith.addi %scan3A, %scan3A_330 : i32
      %scan3A_332 = arith.constant 1 : i32
      %scan3A_333 = scf.for %scan3A_335 = %scan3A to %scan3A_331 step %scan3A_332 iter_args(%scan3A_336 = %broadcast_in_dim3A_329) -> (vector<128x32xi32>)  : i32 {
        %get3A_337 = arith.constant 0 : index
        %get3A_338 = arith.constant 0 : index
        %get3A_339 = arith.constant 0 : index
        %get3A_340 = vector.load %arg5[%get3A_337, %get3A_338, %get3A_339] : memref<128x64x128xf32, #tpu.memory_space<vmem>>, vector<128x64x128xf32>
        %reduce_min3A_341 = arith.constant dense<0x7F800000> : vector<128x128xf32>
        %reduce_min3A_342 = vector.multi_reduction <minimumf>, %get3A_340, %reduce_min3A_341 [1] : vector<128x64x128xf32> to vector<128x128xf32>
        %reduce_min3A_343 = arith.constant dense<0x7F800000> : vector<128xf32>
        %reduce_min3A_344 = vector.multi_reduction <minimumf>, %reduce_min3A_342, %reduce_min3A_343 [1] : vector<128x128xf32> to vector<128xf32>
        %broadcast_in_dim3A_345 = vector.shape_cast %reduce_min3A_344 : vector<128xf32> to vector<128x1x1xf32>
        %eq3A_346 = vector.broadcast %broadcast_in_dim3A_345 : vector<128x1x1xf32> to vector<128x64x128xf32>
        %eq3A_347 = arith.cmpf oeq, %get3A_340, %eq3A_346 : vector<128x64x128xf32>
        %jit3A_348 = arith.constant 1073741824 : i32
        %broadcast_in_dim3A_349 = vector.shape_cast %add3A_64 : vector<1x64x128xi32> to vector<1x64x128xi32>
        %broadcast_in_dim3A_350 = vector.broadcast %broadcast_in_dim3A_349 : vector<1x64x128xi32> to vector<128x64x128xi32>
        %broadcast_in_dim3A_351 = vector.broadcast %jit3A_348 : i32 to vector<128x64x128xi32>
        %select_n3A_352 = arith.select %eq3A_347, %broadcast_in_dim3A_350, %broadcast_in_dim3A_351 : vector<128x64x128xi1>, vector<128x64x128xi32>
        %reduce_min3A_353 = arith.constant dense<2147483647> : vector<128x128xi32>
        %reduce_min3A_354 = vector.multi_reduction <minsi>, %select_n3A_352, %reduce_min3A_353 [1] : vector<128x64x128xi32> to vector<128x128xi32>
        %reduce_min3A_355 = arith.constant dense<2147483647> : vector<128xi32>
        %reduce_min3A_356 = vector.multi_reduction <minsi>, %reduce_min3A_354, %reduce_min3A_355 [1] : vector<128x128xi32> to vector<128xi32>
        %broadcast_in_dim3A_357 = vector.shape_cast %reduce_min3A_356 : vector<128xi32> to vector<128x1x1xi32>
        %eq3A_358 = vector.broadcast %add3A_64 : vector<1x64x128xi32> to vector<128x64x128xi32>
        %eq3A_359 = vector.broadcast %broadcast_in_dim3A_357 : vector<128x1x1xi32> to vector<128x64x128xi32>
        %eq3A_360 = arith.cmpi eq, %eq3A_358, %eq3A_359 : vector<128x64x128xi32>
        %jit3A_361 = arith.constant 0x7F800000 : f32
        %broadcast_in_dim3A_362 = vector.broadcast %jit3A_361 : f32 to vector<128x64x128xf32>
        %select_n3A_363 = arith.select %eq3A_360, %broadcast_in_dim3A_362, %get3A_340 : vector<128x64x128xi1>, vector<128x64x128xf32>
        %swap3A_364 = arith.constant 0 : index
        %swap3A_365 = arith.constant 0 : index
        %swap3A_366 = arith.constant 0 : index
        %swap3A_367 = vector.load %arg5[%swap3A_364, %swap3A_365, %swap3A_366] : memref<128x64x128xf32, #tpu.memory_space<vmem>>, vector<128x64x128xf32>
        tpu.vector_store %arg5[%swap3A_364, %swap3A_365, %swap3A_366], %select_n3A_363 {strides = array<i32>} : memref<128x64x128xf32, #tpu.memory_space<vmem>>, vector<128x64x128xf32>,
        %eq3A_368 = vector.broadcast %scan3A_335 : i32 to vector<1x32xi32>
        %eq3A_369 = arith.cmpi eq, %iota3A_66, %eq3A_368 : vector<1x32xi32>
        %broadcast_in_dim3A_370 = vector.shape_cast %reduce_min3A_356 : vector<128xi32> to vector<128x1xi32>
        %broadcast_in_dim3A_371 = vector.shape_cast %eq3A_369 : vector<1x32xi1> to vector<1x32xi1>
        %broadcast_in_dim3A_372 = vector.broadcast %broadcast_in_dim3A_371 : vector<1x32xi1> to vector<128x32xi1>
        %broadcast_in_dim3A_373 = vector.shape_cast %broadcast_in_dim3A_370 : vector<128x1xi32> to vector<128x1xi32>
        %broadcast_in_dim3A_374 = vector.broadcast %broadcast_in_dim3A_373 : vector<128x1xi32> to vector<128x32xi32>
        %select_n3A_375 = arith.select %broadcast_in_dim3A_372, %broadcast_in_dim3A_374, %scan3A_336 : vector<128x32xi1>, vector<128x32xi32>
        scf.yield %select_n3A_375 : vector<128x32xi32>
      }
      %scan3A_334 = arith.constant 32 : i32
      scf.yield %scan3A_333 : vector<128x32xi32>
    }
    %mul3A_314 = arith.constant 8192 : i32
    %mul3A_315 = arith.muli %arg0, %mul3A_314 : i32
    %add3A_316 = vector.broadcast %mul3A_315 : i32 to vector<128x32xi32>
    %add3A_317 = arith.addi %cond3A_313, %add3A_316 : vector<128x32xi32>
    %swap3A_318 = arith.constant 0 : index
    %swap3A_319 = arith.constant 0 : index
    %swap3A_320 = arith.constant 0 : index
    %swap3A_321 = vector.load %arg4[%swap3A_318, %swap3A_319, %swap3A_320] : memref<1x128x32xi32, #tpu.memory_space<vmem>>, vector<1x128x32xi32>
    %swap3A_322 = vector.shape_cast %swap3A_321 : vector<1x128x32xi32> to vector<128x32xi32>
    %swap3A_323 = vector.shape_cast %add3A_317 : vector<128x32xi32> to vector<1x128x32xi32>
    tpu.vector_store %arg4[%swap3A_318, %swap3A_319, %swap3A_320], %swap3A_323 {strides = array<i32>} : memref<1x128x32xi32, #tpu.memory_space<vmem>>, vector<1x128x32xi32>,
    return
  }
  func.func @transform_0(%arg0: i32, %arg1: i32) -> (i32, i32, i32, i32) {
    %c0_i32 = arith.constant 0 : i32
    %c0_i32_0 = arith.constant 0 : i32
    %c0_i32_1 = arith.constant 0 : i32
    %c0_i32_2 = arith.constant 0 : i32
    return %arg0, %c0_i32, %c0_i32_0, %c0_i32_1 : i32, i32, i32, i32
  }
  func.func @transform_1(%arg0: i32, %arg1: i32) -> (i32, i32, i32) {
    %c0_i32 = arith.constant 0 : i32
    %c0_i32_0 = arith.constant 0 : i32
    return %arg0, %arg1, %c0_i32 : i32, i32, i32
  }
  func.func @transform_2(%arg0: i32, %arg1: i32) -> (i32, i32, i32) {
    %c0_i32 = arith.constant 0 : i32
    %c0_i32_0 = arith.constant 0 : i32
    return %arg0, %arg1, %c0_i32 : i32, i32, i32
  }
}

module attributes {stable_mosaic.version = 14 : i64} {
  func.func @_mlp_body(%arg0: i32, %arg1: memref<4096x48xf32, #tpu.memory_space<vmem>>, %arg2: memref<48x64xf32, #tpu.memory_space<vmem>>, %arg3: memref<128x3xf32, #tpu.memory_space<vmem>>, %arg4: memref<128x64xf32, #tpu.memory_space<vmem>>, %arg5: memref<128x64xf32, #tpu.memory_space<vmem>>, %arg6: memref<8x64xf32, #tpu.memory_space<vmem>>) attributes {dimension_semantics = [#tpu.dimension_semantics<arbitrary>], iteration_bounds = array<i64: 32>, scalar_prefetch = 0 : i64, scratch_operands = 0 : i64, tpu.core_type = #tpu.core_type<tc>, window_params = [{transform_indices = @transform_0, window_bounds = array<i64: 4096, 48>}, {pipeline_mode = #tpu.pipeline_mode<synchronous>, transform_indices = @transform_1, window_bounds = array<i64: 48, 64>}, {transform_indices = @transform_2, window_bounds = array<i64: 128, 3>}, {transform_indices = @transform_3, window_bounds = array<i64: 128, 64>}, {transform_indices = @transform_4, window_bounds = array<i64: 128, 64>}, {pipeline_mode = #tpu.pipeline_mode<synchronous>, transform_indices = @transform_5, window_bounds = array<i64: 8, 64>}]} {
    %get3A = arith.constant 0 : index
    %get3A_0 = arith.constant 0 : index
    %get3A_1 = vector.load %arg2[%get3A, %get3A_0] : memref<48x64xf32, #tpu.memory_space<vmem>>, vector<48x64xf32>
    %convert_element_type3A = arith.truncf %get3A_1 : vector<48x64xf32> to vector<48x64xbf16>
    %get3A_2 = arith.constant 0 : index
    %get3A_3 = arith.constant 0 : index
    %get3A_4 = vector.load %arg3[%get3A_2, %get3A_3] : memref<128x3xf32, #tpu.memory_space<vmem>>, vector<128x3xf32>
    %broadcast_in_dim3A = arith.constant 0.000000e+00 : f32
    %broadcast_in_dim3A_5 = vector.broadcast %broadcast_in_dim3A : f32 to vector<128x45xf32>
    %concatenate3A = tpu.concatenate %get3A_4, %broadcast_in_dim3A_5 in 1 : vector<128x3xf32>, vector<128x45xf32> -> vector<128x48xf32>
    %get3A_6 = arith.constant 0 : index
    %get3A_7 = arith.constant 0 : index
    %get3A_8 = vector.load %arg1[%get3A_6, %get3A_7] : memref<4096x48xf32, #tpu.memory_space<vmem>>, vector<4096x48xf32>
    %reshape3A = vector.shape_cast %get3A_8 : vector<4096x48xf32> to vector<128x32x48xf32>
    %broadcast_in_dim3A_9 = vector.shape_cast %concatenate3A : vector<128x48xf32> to vector<128x1x48xf32>
    %sub3A = vector.broadcast %broadcast_in_dim3A_9 : vector<128x1x48xf32> to vector<128x32x48xf32>
    %sub3A_10 = arith.subf %reshape3A, %sub3A : vector<128x32x48xf32>
    %reshape3A_11 = vector.shape_cast %sub3A_10 : vector<128x32x48xf32> to vector<4096x48xf32>
    %convert_element_type3A_12 = arith.truncf %reshape3A_11 : vector<4096x48xf32> to vector<4096x48xbf16>
    %dot_general3A = arith.constant dense<0.000000e+00> : vector<4096x64xf32>
    %dot_general3A_13 = tpu.matmul %convert_element_type3A_12, %convert_element_type3A, %dot_general3A {dimension_numbers = #tpu.dot_dimension_numbers<[1], [0], [0], [1], [0, 0, 1, 1], [], []>, transpose_lhs_hint = false} : vector<4096x48xbf16>, vector<48x64xbf16>, vector<4096x64xf32> -> vector<4096x64xf32>
    %reshape3A_14 = vector.shape_cast %dot_general3A_13 : vector<4096x64xf32> to vector<128x32x64xf32>
    %reduce_max3A = arith.constant dense<0xFF800000> : vector<128x64xf32>
    %reduce_max3A_15 = vector.multi_reduction <maximumf>, %reshape3A_14, %reduce_max3A [1] : vector<128x32x64xf32> to vector<128x64xf32>
    %swap3A = arith.constant 0 : index
    %swap3A_16 = arith.constant 0 : index
    %swap3A_17 = vector.load %arg4[%swap3A, %swap3A_16] : memref<128x64xf32, #tpu.memory_space<vmem>>, vector<128x64xf32>
    tpu.vector_store %arg4[%swap3A, %swap3A_16], %reduce_max3A_15 {strides = array<i32>} : memref<128x64xf32, #tpu.memory_space<vmem>>, vector<128x64xf32>,
    %reduce_min3A = arith.constant dense<0x7F800000> : vector<128x64xf32>
    %reduce_min3A_18 = vector.multi_reduction <minimumf>, %reshape3A_14, %reduce_min3A [1] : vector<128x32x64xf32> to vector<128x64xf32>
    %swap3A_19 = arith.constant 0 : index
    %swap3A_20 = arith.constant 0 : index
    %swap3A_21 = vector.load %arg5[%swap3A_19, %swap3A_20] : memref<128x64xf32, #tpu.memory_space<vmem>>, vector<128x64xf32>
    tpu.vector_store %arg5[%swap3A_19, %swap3A_20], %reduce_min3A_18 {strides = array<i32>} : memref<128x64xf32, #tpu.memory_space<vmem>>, vector<128x64xf32>,
    %reduce_sum3A = arith.constant dense<0.000000e+00> : vector<64xf32>
    %reduce_sum3A_22 = vector.multi_reduction <add>, %reshape3A_14, %reduce_sum3A [0, 1] : vector<128x32x64xf32> to vector<64xf32>
    %reshape3A_23 = vector.shape_cast %reduce_sum3A_22 : vector<64xf32> to vector<1x64xf32>
    %mul3A = arith.mulf %reshape3A_14, %reshape3A_14 : vector<128x32x64xf32>
    %reduce_sum3A_24 = arith.constant dense<0.000000e+00> : vector<64xf32>
    %reduce_sum3A_25 = vector.multi_reduction <add>, %mul3A, %reduce_sum3A_24 [0, 1] : vector<128x32x64xf32> to vector<64xf32>
    %reshape3A_26 = vector.shape_cast %reduce_sum3A_25 : vector<64xf32> to vector<1x64xf32>
    %eq3A = arith.constant 0 : i32
    %eq3A_27 = arith.cmpi eq, %arg0, %eq3A : i32
    %convert_element_type3A_28 = arith.extui %eq3A_27 : i1 to i32
    %cond3A = arith.constant 0 : i32
    %cond3A_29 = arith.cmpi ne, %convert_element_type3A_28, %cond3A : i32
    scf.if %cond3A_29 {
      %broadcast_in_dim3A_43 = arith.constant 0.000000e+00 : f32
      %broadcast_in_dim3A_44 = vector.broadcast %broadcast_in_dim3A_43 : f32 to vector<8x64xf32>
      %swap3A_45 = arith.constant 0 : index
      %swap3A_46 = arith.constant 0 : index
      %swap3A_47 = vector.load %arg6[%swap3A_45, %swap3A_46] : memref<8x64xf32, #tpu.memory_space<vmem>>, vector<8x64xf32>
      tpu.vector_store %arg6[%swap3A_45, %swap3A_46], %broadcast_in_dim3A_44 {strides = array<i32>} : memref<8x64xf32, #tpu.memory_space<vmem>>, vector<8x64xf32>,
    } else {
    }
    %get3A_30 = arith.constant 0 : index
    %get3A_31 = arith.constant 0 : index
    %get3A_32 = vector.load %arg6[%get3A_30, %get3A_31] : memref<8x64xf32, #tpu.memory_space<vmem>>, vector<1x64xf32>
    %add3A = arith.addf %get3A_32, %reshape3A_23 : vector<1x64xf32>
    %swap3A_33 = arith.constant 0 : index
    %swap3A_34 = arith.constant 0 : index
    %swap3A_35 = vector.load %arg6[%swap3A_33, %swap3A_34] : memref<8x64xf32, #tpu.memory_space<vmem>>, vector<1x64xf32>
    tpu.vector_store %arg6[%swap3A_33, %swap3A_34], %add3A {strides = array<i32>} : memref<8x64xf32, #tpu.memory_space<vmem>>, vector<1x64xf32>,
    %get3A_36 = arith.constant 1 : index
    %get3A_37 = arith.constant 0 : index
    %get3A_38 = vector.load %arg6[%get3A_36, %get3A_37] : memref<8x64xf32, #tpu.memory_space<vmem>>, vector<1x64xf32>
    %add3A_39 = arith.addf %get3A_38, %reshape3A_26 : vector<1x64xf32>
    %swap3A_40 = arith.constant 1 : index
    %swap3A_41 = arith.constant 0 : index
    %swap3A_42 = vector.load %arg6[%swap3A_40, %swap3A_41] : memref<8x64xf32, #tpu.memory_space<vmem>>, vector<1x64xf32>
    tpu.vector_store %arg6[%swap3A_40, %swap3A_41], %add3A_39 {strides = array<i32>} : memref<8x64xf32, #tpu.memory_space<vmem>>, vector<1x64xf32>,
    return
  }
  func.func @transform_0(%arg0: i32) -> (i32, i32) {
    %c0_i32 = arith.constant 0 : i32
    %c0_i32_0 = arith.constant 0 : i32
    return %arg0, %c0_i32 : i32, i32
  }
  func.func @transform_1(%arg0: i32) -> (i32, i32) {
    %c0_i32 = arith.constant 0 : i32
    %c0_i32_0 = arith.constant 0 : i32
    %c0_i32_1 = arith.constant 0 : i32
    return %c0_i32, %c0_i32_0 : i32, i32
  }
  func.func @transform_2(%arg0: i32) -> (i32, i32) {
    %c0_i32 = arith.constant 0 : i32
    %c0_i32_0 = arith.constant 0 : i32
    return %arg0, %c0_i32 : i32, i32
  }
  func.func @transform_3(%arg0: i32) -> (i32, i32) {
    %c0_i32 = arith.constant 0 : i32
    %c0_i32_0 = arith.constant 0 : i32
    return %arg0, %c0_i32 : i32, i32
  }
  func.func @transform_4(%arg0: i32) -> (i32, i32) {
    %c0_i32 = arith.constant 0 : i32
    %c0_i32_0 = arith.constant 0 : i32
    return %arg0, %c0_i32 : i32, i32
  }
  func.func @transform_5(%arg0: i32) -> (i32, i32) {
    %c0_i32 = arith.constant 0 : i32
    %c0_i32_0 = arith.constant 0 : i32
    %c0_i32_1 = arith.constant 0 : i32
    return %c0_i32, %c0_i32_0 : i32, i32
  }
}

module attributes {stable_mosaic.version = 14 : i64} {
  func.func @_fin_body(%arg0: memref<4096x64xf32, #tpu.memory_space<vmem>>, %arg1: memref<4096x64xf32, #tpu.memory_space<vmem>>, %arg2: memref<8x64xf32, #tpu.memory_space<vmem>>, %arg3: memref<1x64xf32, #tpu.memory_space<vmem>>, %arg4: memref<1x64xf32, #tpu.memory_space<vmem>>, %arg5: memref<4096x64xf32, #tpu.memory_space<vmem>>) attributes {dimension_semantics = [], scalar_prefetch = 0 : i64, scratch_operands = 0 : i64, tpu.core_type = #tpu.core_type<tc>} {
    %get3A = arith.constant 0 : index
    %get3A_0 = arith.constant 0 : index
    %get3A_1 = vector.load %arg2[%get3A, %get3A_0] : memref<8x64xf32, #tpu.memory_space<vmem>>, vector<1x64xf32>
    %div3A = arith.constant 1.310720e+05 : f32
    %div3A_2 = vector.broadcast %div3A : f32 to vector<1x64xf32>
    %div3A_3 = arith.divf %get3A_1, %div3A_2 : vector<1x64xf32>
    %get3A_4 = arith.constant 1 : index
    %get3A_5 = arith.constant 0 : index
    %get3A_6 = vector.load %arg2[%get3A_4, %get3A_5] : memref<8x64xf32, #tpu.memory_space<vmem>>, vector<1x64xf32>
    %div3A_7 = arith.constant 1.310720e+05 : f32
    %div3A_8 = vector.broadcast %div3A_7 : f32 to vector<1x64xf32>
    %div3A_9 = arith.divf %get3A_6, %div3A_8 : vector<1x64xf32>
    %mul3A = arith.mulf %div3A_3, %div3A_3 : vector<1x64xf32>
    %sub3A = arith.subf %div3A_9, %mul3A : vector<1x64xf32>
    %get3A_10 = arith.constant 0 : index
    %get3A_11 = arith.constant 0 : index
    %get3A_12 = vector.load %arg3[%get3A_10, %get3A_11] : memref<1x64xf32, #tpu.memory_space<vmem>>, vector<1x64xf32>
    %add3A = arith.constant 9.99999974E-6 : f32
    %add3A_13 = vector.broadcast %add3A : f32 to vector<1x64xf32>
    %add3A_14 = arith.addf %sub3A, %add3A_13 : vector<1x64xf32>
    %rsqrt3A = math.rsqrt %add3A_14 : vector<1x64xf32>
    %mul3A_15 = arith.mulf %get3A_12, %rsqrt3A : vector<1x64xf32>
    %gt3A = arith.constant 0.000000e+00 : f32
    %gt3A_16 = vector.broadcast %gt3A : f32 to vector<1x64xf32>
    %gt3A_17 = arith.cmpf ogt, %mul3A_15, %gt3A_16 : vector<1x64xf32>
    %get3A_18 = arith.constant 0 : index
    %get3A_19 = arith.constant 0 : index
    %get3A_20 = vector.load %arg0[%get3A_18, %get3A_19] : memref<4096x64xf32, #tpu.memory_space<vmem>>, vector<4096x64xf32>
    %get3A_21 = arith.constant 0 : index
    %get3A_22 = arith.constant 0 : index
    %get3A_23 = vector.load %arg1[%get3A_21, %get3A_22] : memref<4096x64xf32, #tpu.memory_space<vmem>>, vector<4096x64xf32>
    %broadcast_in_dim3A = vector.shape_cast %gt3A_17 : vector<1x64xi1> to vector<1x64xi1>
    %broadcast_in_dim3A_24 = vector.broadcast %broadcast_in_dim3A : vector<1x64xi1> to vector<4096x64xi1>
    %select_n3A = arith.select %broadcast_in_dim3A_24, %get3A_20, %get3A_23 : vector<4096x64xi1>, vector<4096x64xf32>
    %sub3A_25 = vector.broadcast %div3A_3 : vector<1x64xf32> to vector<4096x64xf32>
    %sub3A_26 = arith.subf %select_n3A, %sub3A_25 : vector<4096x64xf32>
    %mul3A_27 = vector.broadcast %mul3A_15 : vector<1x64xf32> to vector<4096x64xf32>
    %mul3A_28 = arith.mulf %sub3A_26, %mul3A_27 : vector<4096x64xf32>
    %get3A_29 = arith.constant 0 : index
    %get3A_30 = arith.constant 0 : index
    %get3A_31 = vector.load %arg4[%get3A_29, %get3A_30] : memref<1x64xf32, #tpu.memory_space<vmem>>, vector<1x64xf32>
    %add3A_32 = vector.broadcast %get3A_31 : vector<1x64xf32> to vector<4096x64xf32>
    %add3A_33 = arith.addf %mul3A_28, %add3A_32 : vector<4096x64xf32>
    %max3A = arith.constant 0.000000e+00 : f32
    %max3A_34 = vector.broadcast %max3A : f32 to vector<4096x64xf32>
    %max3A_35 = arith.maximumf %add3A_33, %max3A_34 : vector<4096x64xf32>
    %swap3A = arith.constant 0 : index
    %swap3A_36 = arith.constant 0 : index
    %swap3A_37 = vector.load %arg5[%swap3A, %swap3A_36] : memref<4096x64xf32, #tpu.memory_space<vmem>>, vector<4096x64xf32>
    tpu.vector_store %arg5[%swap3A, %swap3A_36], %max3A_35 {strides = array<i32>} : memref<4096x64xf32, #tpu.memory_space<vmem>>, vector<4096x64xf32>,
    return
  }
}

</mosaic_0001>

<sc_bundles>
// kernel: kernel.6.cloned.1.call-start
scs
__scs_entry_jumppad:
0x0: {  	(pc) =	sbr.rel $0x88, $3  }
0x1: {  	(tag) =	ssettag $0x0;
	lr =	simm.s32 $0x1  }
0x2: {  	[smem:$0x3F9B] =	sst lr;
	_ =	strace $0xD0000000  }
0x3: {  	_ = 	snop  }
0x4: {  	_ = 	snop  }
0x5: {  	_ = 	snop  }
0x6: {  	_ = 	snop  }
0x7: {  	_ = 	snop  }
__scs_overlays_trampoline_lowered:
0x8: {  	[smem:$0x3FAA] =	sst s0  }
0x9: {  	[smem:$0x3FAB] =	sst s1  }
0xa: {  	[smem:$0x3FAC] =	sst s2  }
0xb: {  	[smem:$0x3FAD] =	sst s3  }
0xc: {  	[smem:$0x3FAE] =	sst s4  }
0xd: {  	[smem:$0x3FAF] =	sst s5  }
0xe: {  	[smem:$0x3FB0] =	sst s6  }
0xf: {  	[smem:$0x3FB1] =	sst s7  }
0x10: {  	[smem:$0x3FB2] =	sst s8  }
0x11: {  	[smem:$0x3FB3] =	sst s9;
	s0 =	simm.s32 @!p0 $0x0  }
0x12: {  	s1 =	sld [smem:$0x3F99];
	s0 =	simm.s32 @p0 $0x1  }
0x13: {  	[smem:$0x3FB4] =	sst s0;
	s0 =	simm.s32 @!p1 $0x0  }
0x14: {  	s2 =	sld [smem:$0x3F98];
	s0 =	simm.s32 @p1 $0x1  }
0x15: {  	[smem:$0x3FB5] =	sst s0;
	s0 =	simm.s32 @!p2 $0x0  }
0x16: {  	s3 =	sld [smem:$0x3FDB];
	s0 =	simm.s32 @p2 $0x1  }
0x17: {  	s4 =	simm.s32 $0x1BF5;
	[smem:$0x3FB7] =	sst s0  }
0x18: {  	s0 =	sld [smem:$0x3F9A];
	_ =	swait.ge [sflag:s4], $0x0  }
0x19: {  	s7 =	sld [smem:$0x3F9B]  }
0x1a: {  	s8 =	sadd.s32 $0xFFFFE003, lr  }
0x1b: {  	s9 =	sadd.s32 $0xFFFFFEF7, lr;
	s5 =	simm.s32 $0xFFFFFFFF;
	p2 =	slt.u32 s8, $0xFFFFF086  }
0x1c: {  	p1 =	slt.u32 s9, $0xF7A;
	s5 =	simm.s32 @!p2 $0x0  }
0x1d: {  	s5 =	simm.s32 @p1 $0x1;
	p0 =	seq.s32 s7, s2  }
0x1e: {  	s7 =	smul.u32 @!p0 $0xF7A, s2;
	p2 =	seq.s32 @!p0 s5, $0x0  }
0x1f: {  	s9 =	smul.u32 $0xF7A, s1;
	s8 =	simm.s32 @!p0 $0x1BF5;
	p2 =	por !p2, p0  }
0x20: {  	[sflag:s8] =	ssyncset.s32 @!p0 $0xFFFFF086;
	s6 =	sadd.s32 @!p0 s3, s7;
	s7 =	simm.s32 @!p0 $0x108  }
0x21: {  	s3 =	sadd.s32 s3, s9;
	s6 =	sadd.s32 @!p0 $0x88, s6;
	s7 =	simm.s32 @p2 $0x1082  }
0x22: {  	[simem:s7], [sflag:s8] =	dma.local @!p0 [hbm:s6], $0xF7A  }
0x23: {  	s9 =	sor.u32 $0xD0000000, s2;
	s6 =	simm.s32 $0x108;
	_ =	swait.ge @!p0 [sflag:s8], $0x0  }
0x24: {  	s3 =	sadd.s32 $0x88, s3;
	s6 =	simm.s32 @!p1 $0x1082;
	[sflag:s4] =	ssyncset.s32 $0xFFFFF086  }
0x25: {  	[simem:s6], [sflag:s4] =	dma.local [hbm:s3], $0xF7A  }
0x26: {  	[smem:$0x3F9B] =	sst s1;
	(tag) =	ssettag s2;
	_ =	strace s9  }
0x27: {  	s1 =	sld [smem:$0x3FAB]  }
0x28: {  	s2 =	sld [smem:$0x3FAC]  }
0x29: {  	s4 =	sld [smem:$0x3FAE]  }
0x2a: {  	p0 =	seq.s32 s5, $0x0;
	s5 =	sld [smem:$0x3FAF]  }
0x2b: {  	s6 =	sld [smem:$0x3FB0]  }
0x2c: {  	s7 =	sld [smem:$0x3FB1]  }
0x2d: {  	s3 =	simm.s32 $0x108;
	s8 =	sld [smem:$0x3FB2]  }
0x2e: {  	s3 =	simm.s32 @!p0 $0x1082;
	s9 =	sld [smem:$0x3FB3]  }
0x2f: {  	lr =	sadd.s32 s0, s3;
	s0 =	sld [smem:$0x3FAA]  }
0x30: {  	s3 =	sld [smem:$0x3FAD]  }
0x31: {  	[smem:$0x3FB6] =	sst s10  }
0x32: {  	s10 =	sld [smem:$0x3FB4];
	_ =	sdelay $0x3  }
0x33: {  	p0 =	seq.s32 s10, $0x1;
	s10 =	sld [smem:$0x3FB6];
	_ =	sdelay $0x3  }
0x34: {  	[smem:$0x3FB6] =	sst s10  }
0x35: {  	s10 =	sld [smem:$0x3FB5];
	_ =	sdelay $0x3  }
0x36: {  	p1 =	seq.s32 s10, $0x1;
	s10 =	sld [smem:$0x3FB6];
	_ =	sdelay $0x3  }
0x37: {  	[smem:$0x3FB6] =	sst s10  }
0x38: {  	s10 =	sld [smem:$0x3FB7]  }
0x39: {  	_ = 	snop;
	(pc) =	sbr.ind lr, $3  }
0x3a: {  	_ = 	snop  }
0x3b: {  	_ = 	snop  }
0x3c: {  	p2 =	seq.s32 s10, $0x1;
	s10 =	sld [smem:$0x3FB6]  }
0x3d: {  	_ =	shalt  }
0x3e: {  	_ =	shalt  }
0x3f: {  	_ =	shalt  }
0x40: {  	_ =	shalt  }
0x41: {  	_ =	shalt  }
0x42: {  	_ =	shalt  }
0x43: {  	_ =	shalt  }
0x44: {  	_ =	shalt  }
0x45: {  	_ =	shalt  }
0x46: {  	_ =	shalt  }
0x47: {  	_ =	shalt  }
0x48: {  	_ =	shalt  }
0x49: {  	_ =	shalt  }
0x4a: {  	_ =	shalt  }
0x4b: {  	_ =	shalt  }
0x4c: {  	_ =	shalt  }
0x4d: {  	_ =	shalt  }
0x4e: {  	_ =	shalt  }
0x4f: {  	_ =	shalt  }
0x50: {  	_ =	shalt  }
0x51: {  	_ =	shalt  }
0x52: {  	_ =	shalt  }
0x53: {  	_ =	shalt  }
0x54: {  	_ =	shalt  }
0x55: {  	_ =	shalt  }
0x56: {  	_ =	shalt  }
0x57: {  	_ =	shalt  }
0x58: {  	_ =	shalt  }
0x59: {  	_ =	shalt  }
0x5a: {  	_ =	shalt  }
0x5b: {  	_ =	shalt  }
0x5c: {  	_ =	shalt  }
0x5d: {  	_ =	shalt  }
0x5e: {  	_ =	shalt  }
0x5f: {  	_ =	shalt  }
0x60: {  	_ =	shalt  }
0x61: {  	_ =	shalt  }
0x62: {  	_ =	shalt  }
0x63: {  	_ =	shalt  }
0x64: {  	_ =	shalt  }
0x65: {  	_ =	shalt  }
0x66: {  	_ =	shalt  }
0x67: {  	_ =	shalt  }
0x68: {  	_ =	shalt  }
0x69: {  	_ =	shalt  }
0x6a: {  	_ =	shalt  }
0x6b: {  	_ =	shalt  }
0x6c: {  	_ =	shalt  }
0x6d: {  	_ =	shalt  }
0x6e: {  	_ =	shalt  }
0x6f: {  	_ =	shalt  }
0x70: {  	_ =	shalt  }
0x71: {  	_ =	shalt  }
0x72: {  	_ =	shalt  }
0x73: {  	_ =	shalt  }
0x74: {  	_ =	shalt  }
0x75: {  	_ =	shalt  }
0x76: {  	_ =	shalt  }
0x77: {  	_ =	shalt  }
0x78: {  	_ =	shalt  }
0x79: {  	_ =	shalt  }
0x7a: {  	_ =	shalt  }
0x7b: {  	_ =	shalt  }
0x7c: {  	_ =	shalt  }
0x7d: {  	_ =	shalt  }
0x7e: {  	_ =	shalt  }
0x7f: {  	_ =	shalt  }
0x80: {  	_ =	shalt  }
0x81: {  	_ =	shalt  }
0x82: {  	_ =	shalt  }
0x83: {  	_ =	shalt  }
0x84: {  	_ =	shalt  }
0x85: {  	_ =	shalt  }
0x86: {  	_ =	shalt  }
0x87: {  	_ =	shalt  }
.Lfunc_end0:
.L_simem_size_0:
called_computation_lowered:
.L_overlay_start_0:
0x88: {  	s2 =	sld [smem:$0x3FD9]  }
0x89: {  	s3 =	sld [smem:$0x3FFE];
	_ =	sdelay $0x1  }
0x8a: {  	s1 =	srdreg.scid  }
0x8b: {  	s0 =	sand.u32 $0x1, s1  }
0x8c: {  	s17 =	sshll.u32 s0, $0xA;
	s2 =	sadd.s32 s3, s2  }
0x8d: {  	s2 =	sadd.s32 s2, s17  }
0x8e: {  	[smem:$0x3FC2] =	sst s2  }
0x8f: {  	_ = 	snop  }
0x90: {  	s2 =	sld [smem:$0x3FD0];
	(tm) =	ssettm $0x1  }
0x91: {  	s18 =	sld [smem:$0x3FFB];
	_ =	sdelay $0x3  }
0x92: {  	_ =	strace s18  }
0x93: {  	s3 =	sld [smem:$0x3FFC];
	_ =	sdelay $0x3  }
0x94: {  	_ =	strace s3  }
0x95: {  	s3 =	sld [smem:$0x3FFD];
	_ =	sdelay $0x3  }
0x96: {  	_ =	strace s3  }
0x97: {  	_ =	strace $0x8FFFFFFF  }
0x98: {  	s19 =	sld [smem:$0x3FDB];
	_ =	sdelay $0x1  }
0x99: {  	s4 =	simm.s32 $_scs_section_size  }
0x9a: {  	s5 =	simm.s32 $_size__tile_overlayer_lowered;
	s6 =	simm.s32 $_tile_overlayer_lowered  }
0x9b: {  	s22 =	simm.s32 $0x1BFF;
	s21 =	sshll.u32 s6, $0x1;
	s3 =	sadd.s32 s4, s19  }
0x9c: {  	s7 =	simm.s32 $0x0;
	s20 =	sshll.u32 s5, $0x1;
	s5 =	sadd.s32 s21, s3  }
0x9d: {  	[timem:s7], [sflag:s22] =	dma.local [hbm:s5], s20  }
0x9e: {  	_ =	swait.ge [sflag:s22], s20  }
0x9f: {  	s4 =	ssub.s32 $0x0, s20;
	[sflag:s22] =	ssyncset.done $0x0  }
0xa0: {  	[sflag:s22] =	ssyncadd.s32 s4;
	_ =	sdelay $0x1  }
0xa1: {  	s23 =	simm.s32 $0x1B8B  }
0xa2: {  	_ =	swait.ge [sflag:s23], $0x1  }
0xa3: {  	[sflag:s23] =	ssyncset.done $0x0  }
0xa4: {  	s25 =	simm.s32 $0x1B8E;
	s24 =	sld [smem:$0x3FFE];
	[sflag:s23] =	ssyncadd.s32 $0xFFFFFFFF  }
0xa5: {  	s26 =	simm.s32 $execute0_lowered;
	[smem:$0x3FD2] =	sst s25  }
0xa6: {  	s5 =	sshll.u32 s26, $0x1;
	_ =	strace $0x80000046;
	[dreg:$0x1] =	wrdreg $0xFFFFFFFF  }
0xa7: {  	s28 =	simm.s32 $_size_execute0_lowered;
	s3 =	sadd.s32 s3, s5;
	[dreg:$0x0] =	wrdreg $0x0  }
0xa8: {  	s5 =	sshll.u32 s28, $0x1;
	[dreg:$0x2] =	wrdreg s3  }
0xa9: {  	[dreg:$0x3] =	wrdreg s5  }
0xaa: {  	[dreg:$0x4] =	wrdreg $0xC0  }
0xab: {  	_ =	task [dreg:s7], $0x5FFFF  }
0xac: {  	[dreg:$0x1] =	wrdreg $0xFFFFFFFF  }
0xad: {  	[dreg:$0x0] =	wrdreg $0x60  }
0xae: {  	[dreg:$0x2] =	wrdreg s2  }
0xaf: {  	[dreg:$0x3] =	wrdreg s24  }
0xb0: {  	[dreg:$0x4] =	wrdreg $0x9  }
0xb1: {  	_ =	task.clear_ibuf [dreg:s7], $0x5FFFF;
	_ =	strace $0x90000046  }
0xb2: {  	s29 =	simm.s32 $0x9;
	_ =	strace $0x80000048  }
0xb3: {  	_ =	swait.ge [sflag:s29], $0x1  }
0xb4: {  	[sflag:s29] =	ssyncadd.s32 $0xFFFFFFFF  }
0xb5: {  	_ =	strace $0x90000048  }
0xb6: {  	_ =	sfence  }
0xb7: {  	s30 =	sld [smem:$0x0];
	_ =	sdelay $0x2  }
0xb8: {  	s31 =	sshll.u32 s1, $0xD;
	s1 =	sshrl.u32 s1, $0x2  }
0xb9: {  	s3 =	sand.u32 $0x4000, s31;
	s1 =	sadd.s32 s1, s30  }
0xba: {  	s0 =	sor.u32 s3, s0;
	s1 =	sshll.u32 s1, $0x11  }
0xbb: {  	s0 =	sor.u32 s1, s0  }
0xbc: {  	s0 =	sadd.s32 $0x8F2B, s0  }
0xbd: {  	[sflag:s0] =	ssyncadd.remote.s32 $0x1  }
0xbe: {  	_ =	sfence.sel $0xFFFF  }
0xbf: {  	[dreg:$0x0] =	wrdreg $0xFFFFFFFF;
	(pc) =	sbr.abs _section_cstart, $3  }
0xc0: {  	[dreg:$0x1] =	wrdreg $0xFFFFFFFF  }
0xc1: {  	_ =	task.clear_ibuf [dreg:s7], $0x2FFFF;
	_ =	strace $0x9FFFFFFF  }
0xc2: {  	(tm) =	ssettm $0x7FFFFFFF  }
0xc3: {  	_ =	shalt  }
tec
execute0_lowered:
.L_overlay_start_1:
0x0: {  	(tag) =	ssettag $0x1  }
0x1: {  	s0 =	srdreg.scid  }
0x2: {  	s2 =	stileid.u32;
	s1 =	sand.u32 $0x1, s0  }
0x3: {  	s8 =	rddreg [dreg:$0x0];
	s2 =	sshll.u32 s2, $0xD;
	s4 =	sshll.u32 s1, $0xC  }
0x4: {  	s3 =	rddreg [dreg:$0x1];
	s4 =	sor.u32 s4, s2  }
0x5: {  	s2 =	simm.s32 $0x0;
	s5 =	smul.u32 $0x6, s4;
	s7 =	sshrl.u32 s4, $0x3  }
0x6: {  	s6 =	sadd.s32 $0x31000, s3;
	[smem:$0x7FF] =	sst s2;
	s0 =	sadd.s32 s8, s7  }
0x7: {  	_ =	strace $0x80000047;
	s31 =	sadd.s32 s6, s5;
	[dreg:$0x3] =	wrdreg s0  }
0x8: {  	s9 =	sadd.s32 $0x300, s31;
	s0 =	rddreg [dreg:$0x3]  }
0x9: {  	s10 =	sadd.s32 $0x600, s31;
	[dreg:$0x4] =	wrdreg s9  }
0xa: {  	s11 =	sadd.s32 $0x900, s31;
	[dreg:$0x5] =	wrdreg s10  }
0xb: {  	s12 =	sadd.s32 $0xC00, s31;
	[dreg:$0x6] =	wrdreg s11  }
0xc: {  	s13 =	sadd.s32 $0xF00, s31;
	[dreg:$0x7] =	wrdreg s12  }
0xd: {  	s14 =	sadd.s32 $0x1200, s31;
	[dreg:$0x8] =	wrdreg s13  }
0xe: {  	s4 =	smul.u32 $0x30, s4;
	s15 =	sadd.s32 $0x1500, s31;
	[dreg:$0x9] =	wrdreg s14  }
0xf: {  	s16 =	sadd.s32 $0x1800, s31;
	[dreg:$0xa] =	wrdreg s15  }
0x10: {  	s4 =	sshrl.u32 s4, $0x3;
	s17 =	sadd.s32 $0x1B00, s31;
	[dreg:$0xb] =	wrdreg s16  }
0x11: {  	s18 =	sadd.s32 $0x1E00, s31;
	s4 =	sadd.s32 s6, s4;
	[dreg:$0xc] =	wrdreg s17  }
0x12: {  	[dreg:$0xd] =	wrdreg s18;
	s19 =	sadd.s32 $0x2100, s4  }
0x13: {  	s20 =	sadd.s32 $0x2400, s4;
	[dreg:$0xe] =	wrdreg s19  }
0x14: {  	s21 =	sadd.s32 $0x2700, s4;
	[dreg:$0xf] =	wrdreg s20  }
0x15: {  	s22 =	sadd.s32 $0x2A00, s4;
	[dreg:$0x10] =	wrdreg s21  }
0x16: {  	s23 =	sadd.s32 $0x2D00, s4;
	[dreg:$0x11] =	wrdreg s22  }
0x17: {  	s24 =	sadd.s32 $0x3000, s4;
	[dreg:$0x12] =	wrdreg s23  }
0x18: {  	s25 =	sadd.s32 $0x3300, s4;
	[dreg:$0x13] =	wrdreg s24  }
0x19: {  	s26 =	sadd.s32 $0x3600, s4;
	[dreg:$0x14] =	wrdreg s25  }
0x1a: {  	s5 =	sadd.s32 $0x3900, s4;
	[dreg:$0x15] =	wrdreg s26  }
0x1b: {  	s6 =	sadd.s32 $0x3C00, s4;
	[dreg:$0x16] =	wrdreg s5  }
0x1c: {  	s7 =	sadd.s32 $0x3F00, s4;
	[dreg:$0x17] =	wrdreg s6  }
0x1d: {  	s8 =	sadd.s32 $0x4200, s4;
	[dreg:$0x18] =	wrdreg s7  }
0x1e: {  	s9 =	sadd.s32 $0x4500, s4;
	[dreg:$0x19] =	wrdreg s8  }
0x1f: {  	s10 =	sadd.s32 $0x4800, s4;
	[dreg:$0x1a] =	wrdreg s9  }
0x20: {  	s30 =	simm.s32 $0x500;
	s11 =	sadd.s32 $0x4B00, s4;
	[dreg:$0x1b] =	wrdreg s10  }
0x21: {  	s29 =	simm.s32 $0x580;
	s12 =	sadd.s32 $0x4E00, s4;
	[dreg:$0x1c] =	wrdreg s11  }
0x22: {  	s28 =	simm.s32 $0x600;
	s13 =	sadd.s32 $0x5100, s4;
	[dreg:$0x1d] =	wrdreg s12  }
0x23: {  	p0 =	por $0x0, $0x0;
	s14 =	sadd.s32 $0x5400, s4;
	[dreg:$0x1e] =	wrdreg s13  }
0x24: {  	s3 =	sadd.s32 $0x1000, s3;
	s15 =	sadd.s32 $0x5700, s4;
	[dreg:$0x1f] =	wrdreg s14  }
0x25: {  	s1 =	ssub.s32 $0x2, s1;
	s16 =	sadd.s32 $0x5A00, s4;
	[smem:$0x7F3] =	sst s15  }
0x26: {  	s17 =	sadd.s32 $0x5D00, s4;
	s18 =	simm.s32 $0x100;
	[smem:$0x7F4] =	sst s16  }
0x27: {  	s4 =	simm.s32 $0x2;
	[smem:$0x7F5] =	sst s17;
	s19 =	sshrl.u32 s1, $0x1  }
0x28: {  	[smem:$0x7F6] =	sst s18;
	s20 =	simm.s32 $0x180;
	s21 =	simm.s32 $0x200  }
0x29: {  	s22 =	simm.s32 $0x280;
	s23 =	simm.s32 $0x300;
	s6 =	simm.s32 $0x80  }
0x2a: {  	s24 =	simm.s32 $0x380;
	s5 =	simm.s32 $0x1000;
	s25 =	simm.s32 $0x400  }
0x2b: {  	s7 =	simm.s32 $0x1;
	s26 =	simm.s32 $0x480;
	s18 =	simm.s32 $0xA80  }
0x2c: {  	s17 =	simm.s32 $0xB00;
	s16 =	simm.s32 $0xB80;
	[smem:$0x7F7] =	sst s20  }
0x2d: {  	s15 =	simm.s32 $0xC00;
	s14 =	simm.s32 $0xC80;
	[smem:$0x7F8] =	sst s21  }
0x2e: {  	s13 =	simm.s32 $0xD00;
	s1 =	ssub.s32 s1, s19;
	[smem:$0x7F9] =	sst s22  }
0x2f: {  	s12 =	simm.s32 $0xD80;
	[smem:$0x7FA] =	sst s23;
	s1 =	smax.u32 s1, $0x1  }
0x30: {  	s11 =	simm.s32 $0xE00;
	[smem:$0x7FB] =	sst s24;
	p1 =	sne.s32 s1, $0x1  }
.Ltmp0:
0x31: {  	s10 =	simm.s32 $0xE80;
	[smem:$0x7FC] =	sst s25;
	(pc) =	sbr.rel @!p1 .LBB2_3-.Ltmp0, $4  }
0x32: {  	s9 =	simm.s32 $0xF00;
	s8 =	simm.s32 $0xF80;
	[smem:$0x7FD] =	sst s26  }
0x33: {  	s26 =	simm.s32 $0x680;
	s25 =	simm.s32 $0x700;
	s24 =	simm.s32 $0x780  }
0x34: {  	s23 =	simm.s32 $0x800;
	s22 =	simm.s32 $0x880;
	s21 =	simm.s32 $0x900  }
0x35: {  	s20 =	simm.s32 $0x980;
	s19 =	simm.s32 $0xA00;
	s1 =	sadd.s32 $0xFFFFFFFF, s1  }
0x36: {  	[tilespmem:s2], [sflag:$0x2] =	stream.linear.gather [hbm4b:s0+s2], $0x1000, $0x38;
	[tilespmem:$0x2800] =	vst v63  }
0x37: {  	_ =	swait.ge [sflag:s4], $0x1000  }
0x38: {  	[sflag:s4] =	ssyncset.done $0x0  }
0x39: {  	[sflag:s4] =	ssyncadd.s32 $0xFFFFF000  }
0x3a: {  	[tilespmem:s5], [sflag:$0x1] =	stream.indirect.gather [hbm4b:s3+s6], $0x30, s2, s6, $0xb8;
	[tilespmem:$0x2800] =	vst v63  }
0x3b: {  	_ =	swait.ge [sflag:s7], $0x1800  }
0x3c: {  	[sflag:s7] =	ssyncset.done $0x0  }
0x3d: {  	[sflag:s7] =	ssyncadd.s32 $0xFFFFE800  }
0x3e: {  	[hbm4b:s31+s2] =	stream.linear.scatter [tilespmem:s5], [sflag:$0x2], $0x1800, $0x38;
	[tilespmem:$0x2800] =	vst v63  }
0x3f: {  	_ =	swait.ge [sflag:s4], $0x1800  }
0x40: {  	[sflag:s4] =	ssyncset.done $0x0  }
0x41: {  	[sflag:s4] =	ssyncadd.s32 $0xFFFFE800  }
0x42: {  	[tilespmem:s5], [sflag:$0x1] =	stream.indirect.gather [hbm4b:s3+s6], $0x30, s6, s6, $0xb8;
	[tilespmem:$0x2800] =	vst v63  }
0x43: {  	_ =	swait.ge [sflag:s7], $0x1800  }
0x44: {  	[sflag:s7] =	ssyncset.done $0x0  }
0x45: {  	s0 =	rddreg [dreg:$0x4];
	[sflag:s7] =	ssyncadd.s32 $0xFFFFE800  }
0x46: {  	[hbm4b:s0+s2] =	stream.linear.scatter [tilespmem:s5], [sflag:$0x2], $0x1800, $0x38;
	[tilespmem:$0x2800] =	vst v63  }
0x47: {  	_ =	swait.ge [sflag:s4], $0x1800  }
0x48: {  	s0 =	sld [smem:$0x7F6]  }
0x49: {  	[sflag:s4] =	ssyncset.done $0x0  }
0x4a: {  	[sflag:s4] =	ssyncadd.s32 $0xFFFFE800  }
0x4b: {  	[tilespmem:s5], [sflag:$0x1] =	stream.indirect.gather [hbm4b:s3+s6], $0x30, s0, s6, $0xb8;
	[tilespmem:$0x2800] =	vst v63  }
0x4c: {  	_ =	swait.ge [sflag:s7], $0x1800  }
0x4d: {  	[sflag:s7] =	ssyncset.done $0x0  }
0x4e: {  	s0 =	rddreg [dreg:$0x5];
	[sflag:s7] =	ssyncadd.s32 $0xFFFFE800  }
0x4f: {  	[hbm4b:s0+s2] =	stream.linear.scatter [tilespmem:s5], [sflag:$0x2], $0x1800, $0x38;
	[tilespmem:$0x2800] =	vst v63  }
0x50: {  	_ =	swait.ge [sflag:s4], $0x1800  }
0x51: {  	s0 =	sld [smem:$0x7F7]  }
0x52: {  	[sflag:s4] =	ssyncset.done $0x0  }
0x53: {  	[sflag:s4] =	ssyncadd.s32 $0xFFFFE800  }
0x54: {  	[tilespmem:s5], [sflag:$0x1] =	stream.indirect.gather [hbm4b:s3+s6], $0x30, s0, s6, $0xb8;
	[tilespmem:$0x2800] =	vst v63  }
0x55: {  	_ =	swait.ge [sflag:s7], $0x1800  }
0x56: {  	[sflag:s7] =	ssyncset.done $0x0  }
0x57: {  	s0 =	rddreg [dreg:$0x6];
	[sflag:s7] =	ssyncadd.s32 $0xFFFFE800  }
0x58: {  	[hbm4b:s0+s2] =	stream.linear.scatter [tilespmem:s5], [sflag:$0x2], $0x1800, $0x38;
	[tilespmem:$0x2800] =	vst v63  }
0x59: {  	_ =	swait.ge [sflag:s4], $0x1800  }
0x5a: {  	s0 =	sld [smem:$0x7F8]  }
0x5b: {  	[sflag:s4] =	ssyncset.done $0x0  }
0x5c: {  	[sflag:s4] =	ssyncadd.s32 $0xFFFFE800  }
0x5d: {  	[tilespmem:s5], [sflag:$0x1] =	stream.indirect.gather [hbm4b:s3+s6], $0x30, s0, s6, $0xb8;
	[tilespmem:$0x2800] =	vst v63  }
0x5e: {  	_ =	swait.ge [sflag:s7], $0x1800  }
0x5f: {  	[sflag:s7] =	ssyncset.done $0x0  }
0x60: {  	s0 =	rddreg [dreg:$0x7];
	[sflag:s7] =	ssyncadd.s32 $0xFFFFE800  }
0x61: {  	[hbm4b:s0+s2] =	stream.linear.scatter [tilespmem:s5], [sflag:$0x2], $0x1800, $0x38;
	[tilespmem:$0x2800] =	vst v63  }
0x62: {  	_ =	swait.ge [sflag:s4], $0x1800  }
0x63: {  	s0 =	sld [smem:$0x7F9]  }
0x64: {  	[sflag:s4] =	ssyncset.done $0x0  }
0x65: {  	[sflag:s4] =	ssyncadd.s32 $0xFFFFE800  }
0x66: {  	[tilespmem:s5], [sflag:$0x1] =	stream.indirect.gather [hbm4b:s3+s6], $0x30, s0, s6, $0xb8;
	[tilespmem:$0x2800] =	vst v63  }
0x67: {  	_ =	swait.ge [sflag:s7], $0x1800  }
0x68: {  	[sflag:s7] =	ssyncset.done $0x0  }
0x69: {  	s0 =	rddreg [dreg:$0x8];
	[sflag:s7] =	ssyncadd.s32 $0xFFFFE800  }
0x6a: {  	[hbm4b:s0+s2] =	stream.linear.scatter [tilespmem:s5], [sflag:$0x2], $0x1800, $0x38;
	[tilespmem:$0x2800] =	vst v63  }
0x6b: {  	_ =	swait.ge [sflag:s4], $0x1800  }
0x6c: {  	s0 =	sld [smem:$0x7FA]  }
0x6d: {  	[sflag:s4] =	ssyncset.done $0x0  }
0x6e: {  	[sflag:s4] =	ssyncadd.s32 $0xFFFFE800  }
0x6f: {  	[tilespmem:s5], [sflag:$0x1] =	stream.indirect.gather [hbm4b:s3+s6], $0x30, s0, s6, $0xb8;
	[tilespmem:$0x2800] =	vst v63  }
0x70: {  	_ =	swait.ge [sflag:s7], $0x1800  }
0x71: {  	[sflag:s7] =	ssyncset.done $0x0  }
0x72: {  	s0 =	rddreg [dreg:$0x9];
	[sflag:s7] =	ssyncadd.s32 $0xFFFFE800  }
0x73: {  	[hbm4b:s0+s2] =	stream.linear.scatter [tilespmem:s5], [sflag:$0x2], $0x1800, $0x38;
	[tilespmem:$0x2800] =	vst v63  }
0x74: {  	_ =	swait.ge [sflag:s4], $0x1800  }
0x75: {  	s0 =	sld [smem:$0x7FB]  }
0x76: {  	[sflag:s4] =	ssyncset.done $0x0  }
0x77: {  	[sflag:s4] =	ssyncadd.s32 $0xFFFFE800  }
0x78: {  	[tilespmem:s5], [sflag:$0x1] =	stream.indirect.gather [hbm4b:s3+s6], $0x30, s0, s6, $0xb8;
	[tilespmem:$0x2800] =	vst v63  }
0x79: {  	_ =	swait.ge [sflag:s7], $0x1800  }
0x7a: {  	[sflag:s7] =	ssyncset.done $0x0  }
0x7b: {  	s0 =	rddreg [dreg:$0xa];
	[sflag:s7] =	ssyncadd.s32 $0xFFFFE800  }
0x7c: {  	[hbm4b:s0+s2] =	stream.linear.scatter [tilespmem:s5], [sflag:$0x2], $0x1800, $0x38;
	[tilespmem:$0x2800] =	vst v63  }
0x7d: {  	_ =	swait.ge [sflag:s4], $0x1800  }
0x7e: {  	s0 =	sld [smem:$0x7FC]  }
0x7f: {  	[sflag:s4] =	ssyncset.done $0x0  }
0x80: {  	[sflag:s4] =	ssyncadd.s32 $0xFFFFE800  }
0x81: {  	[tilespmem:s5], [sflag:$0x1] =	stream.indirect.gather [hbm4b:s3+s6], $0x30, s0, s6, $0xb8;
	[tilespmem:$0x2800] =	vst v63  }
0x82: {  	_ =	swait.ge [sflag:s7], $0x1800  }
0x83: {  	[sflag:s7] =	ssyncset.done $0x0  }
0x84: {  	s0 =	rddreg [dreg:$0xb];
	[sflag:s7] =	ssyncadd.s32 $0xFFFFE800  }
0x85: {  	[hbm4b:s0+s2] =	stream.linear.scatter [tilespmem:s5], [sflag:$0x2], $0x1800, $0x38;
	[tilespmem:$0x2800] =	vst v63  }
0x86: {  	_ =	swait.ge [sflag:s4], $0x1800  }
0x87: {  	s0 =	sld [smem:$0x7FD]  }
0x88: {  	[sflag:s4] =	ssyncset.done $0x0  }
0x89: {  	[sflag:s4] =	ssyncadd.s32 $0xFFFFE800  }
0x8a: {  	[tilespmem:s5], [sflag:$0x1] =	stream.indirect.gather [hbm4b:s3+s6], $0x30, s0, s6, $0xb8;
	[tilespmem:$0x2800] =	vst v63  }
0x8b: {  	_ =	swait.ge [sflag:s7], $0x1800  }
0x8c: {  	[sflag:s7] =	ssyncset.done $0x0  }
0x8d: {  	s0 =	rddreg [dreg:$0xc];
	[sflag:s7] =	ssyncadd.s32 $0xFFFFE800  }
0x8e: {  	[hbm4b:s0+s2] =	stream.linear.scatter [tilespmem:s5], [sflag:$0x2], $0x1800, $0x38;
	[tilespmem:$0x2800] =	vst v63  }
0x8f: {  	_ =	swait.ge [sflag:s4], $0x1800  }
0x90: {  	[sflag:s4] =	ssyncset.done $0x0  }
0x91: {  	[sflag:s4] =	ssyncadd.s32 $0xFFFFE800  }
0x92: {  	[tilespmem:s5], [sflag:$0x1] =	stream.indirect.gather [hbm4b:s3+s6], $0x30, s30, s6, $0xb8;
	[tilespmem:$0x2800] =	vst v63  }
0x93: {  	_ =	swait.ge [sflag:s7], $0x1800  }
0x94: {  	[sflag:s7] =	ssyncset.done $0x0  }
0x95: {  	s0 =	rddreg [dreg:$0xd];
	[sflag:s7] =	ssyncadd.s32 $0xFFFFE800  }
0x96: {  	[hbm4b:s0+s2] =	stream.linear.scatter [tilespmem:s5], [sflag:$0x2], $0x1800, $0x38;
	[tilespmem:$0x2800] =	vst v63  }
0x97: {  	_ =	swait.ge [sflag:s4], $0x1800  }
0x98: {  	[sflag:s4] =	ssyncset.done $0x0  }
0x99: {  	[sflag:s4] =	ssyncadd.s32 $0xFFFFE800  }
0x9a: {  	[tilespmem:s5], [sflag:$0x1] =	stream.indirect.gather [hbm4b:s3+s6], $0x30, s29, s6, $0xb8;
	[tilespmem:$0x2800] =	vst v63  }
0x9b: {  	_ =	swait.ge [sflag:s7], $0x1800  }
0x9c: {  	[sflag:s7] =	ssyncset.done $0x0  }
0x9d: {  	s0 =	rddreg [dreg:$0xe];
	[sflag:s7] =	ssyncadd.s32 $0xFFFFE800  }
0x9e: {  	[hbm4b:s0+s2] =	stream.linear.scatter [tilespmem:s5], [sflag:$0x2], $0x1800, $0x38;
	[tilespmem:$0x2800] =	vst v63  }
0x9f: {  	_ =	swait.ge [sflag:s4], $0x1800  }
0xa0: {  	[sflag:s4] =	ssyncset.done $0x0  }
0xa1: {  	[sflag:s4] =	ssyncadd.s32 $0xFFFFE800  }
0xa2: {  	[tilespmem:s5], [sflag:$0x1] =	stream.indirect.gather [hbm4b:s3+s6], $0x30, s28, s6, $0xb8;
	[tilespmem:$0x2800] =	vst v63  }
0xa3: {  	_ =	swait.ge [sflag:s7], $0x1800  }
0xa4: {  	[sflag:s7] =	ssyncset.done $0x0  }
0xa5: {  	s0 =	rddreg [dreg:$0xf];
	[sflag:s7] =	ssyncadd.s32 $0xFFFFE800  }
0xa6: {  	[hbm4b:s0+s2] =	stream.linear.scatter [tilespmem:s5], [sflag:$0x2], $0x1800, $0x38;
	[tilespmem:$0x2800] =	vst v63  }
0xa7: {  	_ =	swait.ge [sflag:s4], $0x1800  }
0xa8: {  	[sflag:s4] =	ssyncset.done $0x0  }
0xa9: {  	[sflag:s4] =	ssyncadd.s32 $0xFFFFE800  }
0xaa: {  	[tilespmem:s5], [sflag:$0x1] =	stream.indirect.gather [hbm4b:s3+s6], $0x30, s26, s6, $0xb8;
	[tilespmem:$0x2800] =	vst v63  }
0xab: {  	_ =	swait.ge [sflag:s7], $0x1800  }
0xac: {  	[sflag:s7] =	ssyncset.done $0x0  }
0xad: {  	s0 =	rddreg [dreg:$0x10];
	[sflag:s7] =	ssyncadd.s32 $0xFFFFE800  }
0xae: {  	[hbm4b:s0+s2] =	stream.linear.scatter [tilespmem:s5], [sflag:$0x2], $0x1800, $0x38;
	[tilespmem:$0x2800] =	vst v63  }
0xaf: {  	_ =	swait.ge [sflag:s4], $0x1800  }
0xb0: {  	[sflag:s4] =	ssyncset.done $0x0  }
0xb1: {  	[sflag:s4] =	ssyncadd.s32 $0xFFFFE800  }
0xb2: {  	[tilespmem:s5], [sflag:$0x1] =	stream.indirect.gather [hbm4b:s3+s6], $0x30, s25, s6, $0xb8;
	[tilespmem:$0x2800] =	vst v63  }
0xb3: {  	_ =	swait.ge [sflag:s7], $0x1800  }
0xb4: {  	[sflag:s7] =	ssyncset.done $0x0  }
0xb5: {  	s0 =	rddreg [dreg:$0x11];
	[sflag:s7] =	ssyncadd.s32 $0xFFFFE800  }
0xb6: {  	[hbm4b:s0+s2] =	stream.linear.scatter [tilespmem:s5], [sflag:$0x2], $0x1800, $0x38;
	[tilespmem:$0x2800] =	vst v63  }
0xb7: {  	_ =	swait.ge [sflag:s4], $0x1800  }
0xb8: {  	[sflag:s4] =	ssyncset.done $0x0  }
0xb9: {  	[sflag:s4] =	ssyncadd.s32 $0xFFFFE800  }
0xba: {  	[tilespmem:s5], [sflag:$0x1] =	stream.indirect.gather [hbm4b:s3+s6], $0x30, s24, s6, $0xb8;
	[tilespmem:$0x2800] =	vst v63  }
0xbb: {  	_ =	swait.ge [sflag:s7], $0x1800  }
0xbc: {  	[sflag:s7] =	ssyncset.done $0x0  }
0xbd: {  	s0 =	rddreg [dreg:$0x12];
	[sflag:s7] =	ssyncadd.s32 $0xFFFFE800  }
0xbe: {  	[hbm4b:s0+s2] =	stream.linear.scatter [tilespmem:s5], [sflag:$0x2], $0x1800, $0x38;
	[tilespmem:$0x2800] =	vst v63  }
0xbf: {  	_ =	swait.ge [sflag:s4], $0x1800  }
0xc0: {  	[sflag:s4] =	ssyncset.done $0x0  }
0xc1: {  	[sflag:s4] =	ssyncadd.s32 $0xFFFFE800  }
0xc2: {  	[tilespmem:s5], [sflag:$0x1] =	stream.indirect.gather [hbm4b:s3+s6], $0x30, s23, s6, $0xb8;
	[tilespmem:$0x2800] =	vst v63  }
0xc3: {  	_ =	swait.ge [sflag:s7], $0x1800  }
0xc4: {  	[sflag:s7] =	ssyncset.done $0x0  }
0xc5: {  	s0 =	rddreg [dreg:$0x13];
	[sflag:s7] =	ssyncadd.s32 $0xFFFFE800  }
0xc6: {  	[hbm4b:s0+s2] =	stream.linear.scatter [tilespmem:s5], [sflag:$0x2], $0x1800, $0x38;
	[tilespmem:$0x2800] =	vst v63  }
0xc7: {  	_ =	swait.ge [sflag:s4], $0x1800  }
0xc8: {  	[sflag:s4] =	ssyncset.done $0x0  }
0xc9: {  	[sflag:s4] =	ssyncadd.s32 $0xFFFFE800  }
0xca: {  	[tilespmem:s5], [sflag:$0x1] =	stream.indirect.gather [hbm4b:s3+s6], $0x30, s22, s6, $0xb8;
	[tilespmem:$0x2800] =	vst v63  }
0xcb: {  	_ =	swait.ge [sflag:s7], $0x1800  }
0xcc: {  	[sflag:s7] =	ssyncset.done $0x0  }
0xcd: {  	s0 =	rddreg [dreg:$0x14];
	[sflag:s7] =	ssyncadd.s32 $0xFFFFE800  }
0xce: {  	[hbm4b:s0+s2] =	stream.linear.scatter [tilespmem:s5], [sflag:$0x2], $0x1800, $0x38;
	[tilespmem:$0x2800] =	vst v63  }
0xcf: {  	_ =	swait.ge [sflag:s4], $0x1800  }
0xd0: {  	[sflag:s4] =	ssyncset.done $0x0  }
0xd1: {  	[sflag:s4] =	ssyncadd.s32 $0xFFFFE800  }
0xd2: {  	[tilespmem:s5], [sflag:$0x1] =	stream.indirect.gather [hbm4b:s3+s6], $0x30, s21, s6, $0xb8;
	[tilespmem:$0x2800] =	vst v63  }
0xd3: {  	_ =	swait.ge [sflag:s7], $0x1800  }
0xd4: {  	[sflag:s7] =	ssyncset.done $0x0  }
0xd5: {  	s0 =	rddreg [dreg:$0x15];
	[sflag:s7] =	ssyncadd.s32 $0xFFFFE800  }
0xd6: {  	[hbm4b:s0+s2] =	stream.linear.scatter [tilespmem:s5], [sflag:$0x2], $0x1800, $0x38;
	[tilespmem:$0x2800] =	vst v63  }
0xd7: {  	_ =	swait.ge [sflag:s4], $0x1800  }
0xd8: {  	[sflag:s4] =	ssyncset.done $0x0  }
0xd9: {  	[sflag:s4] =	ssyncadd.s32 $0xFFFFE800  }
0xda: {  	[tilespmem:s5], [sflag:$0x1] =	stream.indirect.gather [hbm4b:s3+s6], $0x30, s20, s6, $0xb8;
	[tilespmem:$0x2800] =	vst v63  }
0xdb: {  	_ =	swait.ge [sflag:s7], $0x1800  }
0xdc: {  	[sflag:s7] =	ssyncset.done $0x0  }
0xdd: {  	s0 =	rddreg [dreg:$0x16];
	[sflag:s7] =	ssyncadd.s32 $0xFFFFE800  }
0xde: {  	[hbm4b:s0+s2] =	stream.linear.scatter [tilespmem:s5], [sflag:$0x2], $0x1800, $0x38;
	[tilespmem:$0x2800] =	vst v63  }
0xdf: {  	_ =	swait.ge [sflag:s4], $0x1800  }
0xe0: {  	[sflag:s4] =	ssyncset.done $0x0  }
0xe1: {  	[sflag:s4] =	ssyncadd.s32 $0xFFFFE800  }
0xe2: {  	[tilespmem:s5], [sflag:$0x1] =	stream.indirect.gather [hbm4b:s3+s6], $0x30, s19, s6, $0xb8;
	[tilespmem:$0x2800] =	vst v63  }
0xe3: {  	_ =	swait.ge [sflag:s7], $0x1800  }
0xe4: {  	[sflag:s7] =	ssyncset.done $0x0  }
0xe5: {  	s0 =	rddreg [dreg:$0x17];
	[sflag:s7] =	ssyncadd.s32 $0xFFFFE800  }
0xe6: {  	[hbm4b:s0+s2] =	stream.linear.scatter [tilespmem:s5], [sflag:$0x2], $0x1800, $0x38;
	[tilespmem:$0x2800] =	vst v63  }
0xe7: {  	_ =	swait.ge [sflag:s4], $0x1800  }
0xe8: {  	[sflag:s4] =	ssyncset.done $0x0  }
0xe9: {  	[sflag:s4] =	ssyncadd.s32 $0xFFFFE800  }
0xea: {  	[tilespmem:s5], [sflag:$0x1] =	stream.indirect.gather [hbm4b:s3+s6], $0x30, s18, s6, $0xb8;
	[tilespmem:$0x2800] =	vst v63  }
0xeb: {  	_ =	swait.ge [sflag:s7], $0x1800  }
0xec: {  	[sflag:s7] =	ssyncset.done $0x0  }
0xed: {  	s0 =	rddreg [dreg:$0x18];
	[sflag:s7] =	ssyncadd.s32 $0xFFFFE800  }
0xee: {  	[hbm4b:s0+s2] =	stream.linear.scatter [tilespmem:s5], [sflag:$0x2], $0x1800, $0x38;
	[tilespmem:$0x2800] =	vst v63  }
0xef: {  	_ =	swait.ge [sflag:s4], $0x1800  }
0xf0: {  	[sflag:s4] =	ssyncset.done $0x0  }
0xf1: {  	[sflag:s4] =	ssyncadd.s32 $0xFFFFE800  }
0xf2: {  	[tilespmem:s5], [sflag:$0x1] =	stream.indirect.gather [hbm4b:s3+s6], $0x30, s17, s6, $0xb8;
	[tilespmem:$0x2800] =	vst v63  }
0xf3: {  	_ =	swait.ge [sflag:s7], $0x1800  }
0xf4: {  	[sflag:s7] =	ssyncset.done $0x0  }
0xf5: {  	s0 =	rddreg [dreg:$0x19];
	[sflag:s7] =	ssyncadd.s32 $0xFFFFE800  }
0xf6: {  	[hbm4b:s0+s2] =	stream.linear.scatter [tilespmem:s5], [sflag:$0x2], $0x1800, $0x38;
	[tilespmem:$0x2800] =	vst v63  }
0xf7: {  	_ =	swait.ge [sflag:s4], $0x1800  }
0xf8: {  	[sflag:s4] =	ssyncset.done $0x0  }
0xf9: {  	[sflag:s4] =	ssyncadd.s32 $0xFFFFE800  }
0xfa: {  	[tilespmem:s5], [sflag:$0x1] =	stream.indirect.gather [hbm4b:s3+s6], $0x30, s16, s6, $0xb8;
	[tilespmem:$0x2800] =	vst v63  }
0xfb: {  	_ =	swait.ge [sflag:s7], $0x1800  }
0xfc: {  	[sflag:s7] =	ssyncset.done $0x0  }
0xfd: {  	s0 =	rddreg [dreg:$0x1a];
	[sflag:s7] =	ssyncadd.s32 $0xFFFFE800  }
0xfe: {  	[hbm4b:s0+s2] =	stream.linear.scatter [tilespmem:s5], [sflag:$0x2], $0x1800, $0x38;
	[tilespmem:$0x2800] =	vst v63  }
0xff: {  	_ =	swait.ge [sflag:s4], $0x1800  }
0x100: {  	[sflag:s4] =	ssyncset.done $0x0  }
0x101: {  	[sflag:s4] =	ssyncadd.s32 $0xFFFFE800  }
0x102: {  	[tilespmem:s5], [sflag:$0x1] =	stream.indirect.gather [hbm4b:s3+s6], $0x30, s15, s6, $0xb8;
	[tilespmem:$0x2800] =	vst v63  }
0x103: {  	_ =	swait.ge [sflag:s7], $0x1800  }
0x104: {  	[sflag:s7] =	ssyncset.done $0x0  }
0x105: {  	s0 =	rddreg [dreg:$0x1b];
	[sflag:s7] =	ssyncadd.s32 $0xFFFFE800  }
0x106: {  	[hbm4b:s0+s2] =	stream.linear.scatter [tilespmem:s5], [sflag:$0x2], $0x1800, $0x38;
	[tilespmem:$0x2800] =	vst v63  }
0x107: {  	_ =	swait.ge [sflag:s4], $0x1800  }
0x108: {  	[sflag:s4] =	ssyncset.done $0x0  }
0x109: {  	[sflag:s4] =	ssyncadd.s32 $0xFFFFE800  }
0x10a: {  	[tilespmem:s5], [sflag:$0x1] =	stream.indirect.gather [hbm4b:s3+s6], $0x30, s14, s6, $0xb8;
	[tilespmem:$0x2800] =	vst v63  }
0x10b: {  	_ =	swait.ge [sflag:s7], $0x1800  }
0x10c: {  	[sflag:s7] =	ssyncset.done $0x0  }
0x10d: {  	s0 =	rddreg [dreg:$0x1c];
	[sflag:s7] =	ssyncadd.s32 $0xFFFFE800  }
0x10e: {  	[hbm4b:s0+s2] =	stream.linear.scatter [tilespmem:s5], [sflag:$0x2], $0x1800, $0x38;
	[tilespmem:$0x2800] =	vst v63  }
0x10f: {  	_ =	swait.ge [sflag:s4], $0x1800  }
0x110: {  	[sflag:s4] =	ssyncset.done $0x0  }
0x111: {  	[sflag:s4] =	ssyncadd.s32 $0xFFFFE800  }
0x112: {  	[tilespmem:s5], [sflag:$0x1] =	stream.indirect.gather [hbm4b:s3+s6], $0x30, s13, s6, $0xb8;
	[tilespmem:$0x2800] =	vst v63  }
0x113: {  	_ =	swait.ge [sflag:s7], $0x1800  }
0x114: {  	[sflag:s7] =	ssyncset.done $0x0  }
0x115: {  	s0 =	rddreg [dreg:$0x1d];
	[sflag:s7] =	ssyncadd.s32 $0xFFFFE800  }
0x116: {  	[hbm4b:s0+s2] =	stream.linear.scatter [tilespmem:s5], [sflag:$0x2], $0x1800, $0x38;
	[tilespmem:$0x2800] =	vst v63  }
0x117: {  	_ =	swait.ge [sflag:s4], $0x1800  }
0x118: {  	[sflag:s4] =	ssyncset.done $0x0  }
0x119: {  	[sflag:s4] =	ssyncadd.s32 $0xFFFFE800  }
0x11a: {  	[tilespmem:s5], [sflag:$0x1] =	stream.indirect.gather [hbm4b:s3+s6], $0x30, s12, s6, $0xb8;
	[tilespmem:$0x2800] =	vst v63  }
0x11b: {  	_ =	swait.ge [sflag:s7], $0x1800  }
0x11c: {  	[sflag:s7] =	ssyncset.done $0x0  }
0x11d: {  	s0 =	rddreg [dreg:$0x1e];
	[sflag:s7] =	ssyncadd.s32 $0xFFFFE800  }
0x11e: {  	[hbm4b:s0+s2] =	stream.linear.scatter [tilespmem:s5], [sflag:$0x2], $0x1800, $0x38;
	[tilespmem:$0x2800] =	vst v63  }
0x11f: {  	_ =	swait.ge [sflag:s4], $0x1800  }
0x120: {  	[sflag:s4] =	ssyncset.done $0x0  }
0x121: {  	[sflag:s4] =	ssyncadd.s32 $0xFFFFE800  }
0x122: {  	[tilespmem:s5], [sflag:$0x1] =	stream.indirect.gather [hbm4b:s3+s6], $0x30, s11, s6, $0xb8;
	[tilespmem:$0x2800] =	vst v63  }
0x123: {  	_ =	swait.ge [sflag:s7], $0x1800  }
0x124: {  	[sflag:s7] =	ssyncset.done $0x0  }
0x125: {  	s0 =	rddreg [dreg:$0x1f];
	[sflag:s7] =	ssyncadd.s32 $0xFFFFE800  }
0x126: {  	[hbm4b:s0+s2] =	stream.linear.scatter [tilespmem:s5], [sflag:$0x2], $0x1800, $0x38;
	[tilespmem:$0x2800] =	vst v63  }
0x127: {  	_ =	swait.ge [sflag:s4], $0x1800  }
0x128: {  	[sflag:s4] =	ssyncset.done $0x0  }
0x129: {  	[sflag:s4] =	ssyncadd.s32 $0xFFFFE800  }
0x12a: {  	[tilespmem:s5], [sflag:$0x1] =	stream.indirect.gather [hbm4b:s3+s6], $0x30, s10, s6, $0xb8;
	[tilespmem:$0x2800] =	vst v63  }
0x12b: {  	_ =	swait.ge [sflag:s7], $0x1800  }
0x12c: {  	s0 =	sld [smem:$0x7F3]  }
0x12d: {  	[sflag:s7] =	ssyncset.done $0x0  }
0x12e: {  	[sflag:s7] =	ssyncadd.s32 $0xFFFFE800  }
0x12f: {  	[hbm4b:s0+s2] =	stream.linear.scatter [tilespmem:s5], [sflag:$0x2], $0x1800, $0x38;
	[tilespmem:$0x2800] =	vst v63  }
0x130: {  	_ =	swait.ge [sflag:s4], $0x1800  }
0x131: {  	[sflag:s4] =	ssyncset.done $0x0  }
0x132: {  	[sflag:s4] =	ssyncadd.s32 $0xFFFFE800  }
0x133: {  	[tilespmem:s5], [sflag:$0x1] =	stream.indirect.gather [hbm4b:s3+s6], $0x30, s9, s6, $0xb8;
	[tilespmem:$0x2800] =	vst v63  }
0x134: {  	_ =	swait.ge [sflag:s7], $0x1800  }
0x135: {  	s0 =	sld [smem:$0x7F4]  }
0x136: {  	[sflag:s7] =	ssyncset.done $0x0  }
0x137: {  	[sflag:s7] =	ssyncadd.s32 $0xFFFFE800  }
0x138: {  	[hbm4b:s0+s2] =	stream.linear.scatter [tilespmem:s5], [sflag:$0x2], $0x1800, $0x38;
	[tilespmem:$0x2800] =	vst v63  }
0x139: {  	_ =	swait.ge [sflag:s4], $0x1800  }
0x13a: {  	[sflag:s4] =	ssyncset.done $0x0  }
0x13b: {  	[sflag:s4] =	ssyncadd.s32 $0xFFFFE800  }
0x13c: {  	[tilespmem:s5], [sflag:$0x1] =	stream.indirect.gather [hbm4b:s3+s6], $0x30, s8, s6, $0xb8;
	[tilespmem:$0x2800] =	vst v63  }
0x13d: {  	_ =	swait.ge [sflag:s7], $0x1800  }
0x13e: {  	p1 =	sne.s32 s1, $0x1;
	s0 =	sld [smem:$0x7F5]  }
.Ltmp1:
0x13f: {  	[sflag:s7] =	ssyncset.done $0x0;
	(pc) =	sbr.rel @!p1 .LBB2_3-.Ltmp1, $4  }
0x140: {  	[sflag:s7] =	ssyncadd.s32 $0xFFFFE800  }
0x141: {  	[hbm4b:s0+s2] =	stream.linear.scatter [tilespmem:s5], [sflag:$0x2], $0x1800, $0x38;
	[tilespmem:$0x2800] =	vst v63  }
0x142: {  	s1 =	sadd.s32 $0xFFFFFFFF, s1;
	_ =	swait.ge [sflag:s4], $0x1800  }
0x143: {  	p0 =	por $0x1, $0x1;
	s0 =	rddreg [dreg:$0x3];
	[sflag:s4] =	ssyncset.done $0x0  }
.LBB2_2:
0x144: {  	[sflag:s4] =	ssyncadd.s32 $0xFFFFE800  }
0x145: {  	[tilespmem:s2], [sflag:$0x2] =	stream.linear.gather [hbm4b:s0+s2], $0x1000, $0x38;
	[tilespmem:$0x2800] =	vst v63  }
0x146: {  	_ =	swait.ge [sflag:s4], $0x1000  }
0x147: {  	[sflag:s4] =	ssyncset.done $0x0  }
0x148: {  	[sflag:s4] =	ssyncadd.s32 $0xFFFFF000  }
0x149: {  	[tilespmem:s5], [sflag:$0x1] =	stream.indirect.gather [hbm4b:s3+s6], $0x30, s2, s6, $0xb8;
	[tilespmem:$0x2800] =	vst v63  }
0x14a: {  	_ =	swait.ge [sflag:s7], $0x1800  }
0x14b: {  	[sflag:s7] =	ssyncset.done $0x0  }
0x14c: {  	[sflag:s7] =	ssyncadd.s32 $0xFFFFE800  }
0x14d: {  	[hbm4b:s31+s2] =	stream.linear.scatter [tilespmem:s5], [sflag:$0x2], $0x1800, $0x38;
	[tilespmem:$0x2800] =	vst v63  }
0x14e: {  	_ =	swait.ge [sflag:s4], $0x1800  }
0x14f: {  	[sflag:s4] =	ssyncset.done $0x0  }
0x150: {  	[sflag:s4] =	ssyncadd.s32 $0xFFFFE800  }
0x151: {  	[tilespmem:s5], [sflag:$0x1] =	stream.indirect.gather [hbm4b:s3+s6], $0x30, s6, s6, $0xb8;
	[tilespmem:$0x2800] =	vst v63  }
0x152: {  	_ =	swait.ge [sflag:s7], $0x1800  }
0x153: {  	[sflag:s7] =	ssyncset.done $0x0  }
0x154: {  	s0 =	rddreg [dreg:$0x4];
	[sflag:s7] =	ssyncadd.s32 $0xFFFFE800  }
0x155: {  	[hbm4b:s0+s2] =	stream.linear.scatter [tilespmem:s5], [sflag:$0x2], $0x1800, $0x38;
	[tilespmem:$0x2800] =	vst v63  }
0x156: {  	_ =	swait.ge [sflag:s4], $0x1800  }
0x157: {  	s0 =	sld [smem:$0x7F6]  }
0x158: {  	[sflag:s4] =	ssyncset.done $0x0  }
0x159: {  	[sflag:s4] =	ssyncadd.s32 $0xFFFFE800  }
0x15a: {  	[tilespmem:s5], [sflag:$0x1] =	stream.indirect.gather [hbm4b:s3+s6], $0x30, s0, s6, $0xb8;
	[tilespmem:$0x2800] =	vst v63  }
0x15b: {  	_ =	swait.ge [sflag:s7], $0x1800  }
0x15c: {  	[sflag:s7] =	ssyncset.done $0x0  }
0x15d: {  	s0 =	rddreg [dreg:$0x5];
	[sflag:s7] =	ssyncadd.s32 $0xFFFFE800  }
0x15e: {  	[hbm4b:s0+s2] =	stream.linear.scatter [tilespmem:s5], [sflag:$0x2], $0x1800, $0x38;
	[tilespmem:$0x2800] =	vst v63  }
0x15f: {  	_ =	swait.ge [sflag:s4], $0x1800  }
0x160: {  	s0 =	sld [smem:$0x7F7]  }
0x161: {  	[sflag:s4] =	ssyncset.done $0x0  }
0x162: {  	[sflag:s4] =	ssyncadd.s32 $0xFFFFE800  }
0x163: {  	[tilespmem:s5], [sflag:$0x1] =	stream.indirect.gather [hbm4b:s3+s6], $0x30, s0, s6, $0xb8;
	[tilespmem:$0x2800] =	vst v63  }
0x164: {  	_ =	swait.ge [sflag:s7], $0x1800  }
0x165: {  	[sflag:s7] =	ssyncset.done $0x0  }
0x166: {  	s0 =	rddreg [dreg:$0x6];
	[sflag:s7] =	ssyncadd.s32 $0xFFFFE800  }
0x167: {  	[hbm4b:s0+s2] =	stream.linear.scatter [tilespmem:s5], [sflag:$0x2], $0x1800, $0x38;
	[tilespmem:$0x2800] =	vst v63  }
0x168: {  	_ =	swait.ge [sflag:s4], $0x1800  }
0x169: {  	s0 =	sld [smem:$0x7F8]  }
0x16a: {  	[sflag:s4] =	ssyncset.done $0x0  }
0x16b: {  	[sflag:s4] =	ssyncadd.s32 $0xFFFFE800  }
0x16c: {  	[tilespmem:s5], [sflag:$0x1] =	stream.indirect.gather [hbm4b:s3+s6], $0x30, s0, s6, $0xb8;
	[tilespmem:$0x2800] =	vst v63  }
0x16d: {  	_ =	swait.ge [sflag:s7], $0x1800  }
0x16e: {  	[sflag:s7] =	ssyncset.done $0x0  }
0x16f: {  	s0 =	rddreg [dreg:$0x7];
	[sflag:s7] =	ssyncadd.s32 $0xFFFFE800  }
0x170: {  	[hbm4b:s0+s2] =	stream.linear.scatter [tilespmem:s5], [sflag:$0x2], $0x1800, $0x38;
	[tilespmem:$0x2800] =	vst v63  }
0x171: {  	_ =	swait.ge [sflag:s4], $0x1800  }
0x172: {  	s0 =	sld [smem:$0x7F9]  }
0x173: {  	[sflag:s4] =	ssyncset.done $0x0  }
0x174: {  	[sflag:s4] =	ssyncadd.s32 $0xFFFFE800  }
0x175: {  	[tilespmem:s5], [sflag:$0x1] =	stream.indirect.gather [hbm4b:s3+s6], $0x30, s0, s6, $0xb8;
	[tilespmem:$0x2800] =	vst v63  }
0x176: {  	_ =	swait.ge [sflag:s7], $0x1800  }
0x177: {  	[sflag:s7] =	ssyncset.done $0x0  }
0x178: {  	s0 =	rddreg [dreg:$0x8];
	[sflag:s7] =	ssyncadd.s32 $0xFFFFE800  }
0x179: {  	[hbm4b:s0+s2] =	stream.linear.scatter [tilespmem:s5], [sflag:$0x2], $0x1800, $0x38;
	[tilespmem:$0x2800] =	vst v63  }
0x17a: {  	_ =	swait.ge [sflag:s4], $0x1800  }
0x17b: {  	s0 =	sld [smem:$0x7FA]  }
0x17c: {  	[sflag:s4] =	ssyncset.done $0x0  }
0x17d: {  	[sflag:s4] =	ssyncadd.s32 $0xFFFFE800  }
0x17e: {  	[tilespmem:s5], [sflag:$0x1] =	stream.indirect.gather [hbm4b:s3+s6], $0x30, s0, s6, $0xb8;
	[tilespmem:$0x2800] =	vst v63  }
0x17f: {  	_ =	swait.ge [sflag:s7], $0x1800  }
0x180: {  	[sflag:s7] =	ssyncset.done $0x0  }
0x181: {  	s0 =	rddreg [dreg:$0x9];
	[sflag:s7] =	ssyncadd.s32 $0xFFFFE800  }
0x182: {  	[hbm4b:s0+s2] =	stream.linear.scatter [tilespmem:s5], [sflag:$0x2], $0x1800, $0x38;
	[tilespmem:$0x2800] =	vst v63  }
0x183: {  	_ =	swait.ge [sflag:s4], $0x1800  }
0x184: {  	s0 =	sld [smem:$0x7FB]  }
0x185: {  	[sflag:s4] =	ssyncset.done $0x0  }
0x186: {  	[sflag:s4] =	ssyncadd.s32 $0xFFFFE800  }
0x187: {  	[tilespmem:s5], [sflag:$0x1] =	stream.indirect.gather [hbm4b:s3+s6], $0x30, s0, s6, $0xb8;
	[tilespmem:$0x2800] =	vst v63  }
0x188: {  	_ =	swait.ge [sflag:s7], $0x1800  }
0x189: {  	[sflag:s7] =	ssyncset.done $0x0  }
0x18a: {  	s0 =	rddreg [dreg:$0xa];
	[sflag:s7] =	ssyncadd.s32 $0xFFFFE800  }
0x18b: {  	[hbm4b:s0+s2] =	stream.linear.scatter [tilespmem:s5], [sflag:$0x2], $0x1800, $0x38;
	[tilespmem:$0x2800] =	vst v63  }
0x18c: {  	_ =	swait.ge [sflag:s4], $0x1800  }
0x18d: {  	s0 =	sld [smem:$0x7FC]  }
0x18e: {  	[sflag:s4] =	ssyncset.done $0x0  }
0x18f: {  	[sflag:s4] =	ssyncadd.s32 $0xFFFFE800  }
0x190: {  	[tilespmem:s5], [sflag:$0x1] =	stream.indirect.gather [hbm4b:s3+s6], $0x30, s0, s6, $0xb8;
	[tilespmem:$0x2800] =	vst v63  }
0x191: {  	_ =	swait.ge [sflag:s7], $0x1800  }
0x192: {  	[sflag:s7] =	ssyncset.done $0x0  }
0x193: {  	s0 =	rddreg [dreg:$0xb];
	[sflag:s7] =	ssyncadd.s32 $0xFFFFE800  }
0x194: {  	[hbm4b:s0+s2] =	stream.linear.scatter [tilespmem:s5], [sflag:$0x2], $0x1800, $0x38;
	[tilespmem:$0x2800] =	vst v63  }
0x195: {  	_ =	swait.ge [sflag:s4], $0x1800  }
0x196: {  	s0 =	sld [smem:$0x7FD]  }
0x197: {  	[sflag:s4] =	ssyncset.done $0x0  }
0x198: {  	[sflag:s4] =	ssyncadd.s32 $0xFFFFE800  }
0x199: {  	[tilespmem:s5], [sflag:$0x1] =	stream.indirect.gather [hbm4b:s3+s6], $0x30, s0, s6, $0xb8;
	[tilespmem:$0x2800] =	vst v63  }
0x19a: {  	_ =	swait.ge [sflag:s7], $0x1800  }
0x19b: {  	[sflag:s7] =	ssyncset.done $0x0  }
0x19c: {  	s0 =	rddreg [dreg:$0xc];
	[sflag:s7] =	ssyncadd.s32 $0xFFFFE800  }
0x19d: {  	[hbm4b:s0+s2] =	stream.linear.scatter [tilespmem:s5], [sflag:$0x2], $0x1800, $0x38;
	[tilespmem:$0x2800] =	vst v63  }
0x19e: {  	_ =	swait.ge [sflag:s4], $0x1800  }
0x19f: {  	[sflag:s4] =	ssyncset.done $0x0  }
0x1a0: {  	[sflag:s4] =	ssyncadd.s32 $0xFFFFE800  }
0x1a1: {  	[tilespmem:s5], [sflag:$0x1] =	stream.indirect.gather [hbm4b:s3+s6], $0x30, s30, s6, $0xb8;
	[tilespmem:$0x2800] =	vst v63  }
0x1a2: {  	_ =	swait.ge [sflag:s7], $0x1800  }
0x1a3: {  	[sflag:s7] =	ssyncset.done $0x0  }
0x1a4: {  	s0 =	rddreg [dreg:$0xd];
	[sflag:s7] =	ssyncadd.s32 $0xFFFFE800  }
0x1a5: {  	[hbm4b:s0+s2] =	stream.linear.scatter [tilespmem:s5], [sflag:$0x2], $0x1800, $0x38;
	[tilespmem:$0x2800] =	vst v63  }
0x1a6: {  	_ =	swait.ge [sflag:s4], $0x1800  }
0x1a7: {  	[sflag:s4] =	ssyncset.done $0x0  }
0x1a8: {  	[sflag:s4] =	ssyncadd.s32 $0xFFFFE800  }
0x1a9: {  	[tilespmem:s5], [sflag:$0x1] =	stream.indirect.gather [hbm4b:s3+s6], $0x30, s29, s6, $0xb8;
	[tilespmem:$0x2800] =	vst v63  }
0x1aa: {  	_ =	swait.ge [sflag:s7], $0x1800  }
0x1ab: {  	[sflag:s7] =	ssyncset.done $0x0  }
0x1ac: {  	s0 =	rddreg [dreg:$0xe];
	[sflag:s7] =	ssyncadd.s32 $0xFFFFE800  }
0x1ad: {  	[hbm4b:s0+s2] =	stream.linear.scatter [tilespmem:s5], [sflag:$0x2], $0x1800, $0x38;
	[tilespmem:$0x2800] =	vst v63  }
0x1ae: {  	_ =	swait.ge [sflag:s4], $0x1800  }
0x1af: {  	[sflag:s4] =	ssyncset.done $0x0  }
0x1b0: {  	[sflag:s4] =	ssyncadd.s32 $0xFFFFE800  }
0x1b1: {  	[tilespmem:s5], [sflag:$0x1] =	stream.indirect.gather [hbm4b:s3+s6], $0x30, s28, s6, $0xb8;
	[tilespmem:$0x2800] =	vst v63  }
0x1b2: {  	_ =	swait.ge [sflag:s7], $0x1800  }
0x1b3: {  	[sflag:s7] =	ssyncset.done $0x0  }
0x1b4: {  	s0 =	rddreg [dreg:$0xf];
	[sflag:s7] =	ssyncadd.s32 $0xFFFFE800  }
0x1b5: {  	[hbm4b:s0+s2] =	stream.linear.scatter [tilespmem:s5], [sflag:$0x2], $0x1800, $0x38;
	[tilespmem:$0x2800] =	vst v63  }
0x1b6: {  	_ =	swait.ge [sflag:s4], $0x1800  }
0x1b7: {  	[sflag:s4] =	ssyncset.done $0x0  }
0x1b8: {  	[sflag:s4] =	ssyncadd.s32 $0xFFFFE800  }
0x1b9: {  	[tilespmem:s5], [sflag:$0x1] =	stream.indirect.gather [hbm4b:s3+s6], $0x30, s26, s6, $0xb8;
	[tilespmem:$0x2800] =	vst v63  }
0x1ba: {  	_ =	swait.ge [sflag:s7], $0x1800  }
0x1bb: {  	[sflag:s7] =	ssyncset.done $0x0  }
0x1bc: {  	s0 =	rddreg [dreg:$0x10];
	[sflag:s7] =	ssyncadd.s32 $0xFFFFE800  }
0x1bd: {  	[hbm4b:s0+s2] =	stream.linear.scatter [tilespmem:s5], [sflag:$0x2], $0x1800, $0x38;
	[tilespmem:$0x2800] =	vst v63  }
0x1be: {  	_ =	swait.ge [sflag:s4], $0x1800  }
0x1bf: {  	[sflag:s4] =	ssyncset.done $0x0  }
0x1c0: {  	[sflag:s4] =	ssyncadd.s32 $0xFFFFE800  }
0x1c1: {  	[tilespmem:s5], [sflag:$0x1] =	stream.indirect.gather [hbm4b:s3+s6], $0x30, s25, s6, $0xb8;
	[tilespmem:$0x2800] =	vst v63  }
0x1c2: {  	_ =	swait.ge [sflag:s7], $0x1800  }
0x1c3: {  	[sflag:s7] =	ssyncset.done $0x0  }
0x1c4: {  	s0 =	rddreg [dreg:$0x11];
	[sflag:s7] =	ssyncadd.s32 $0xFFFFE800  }
0x1c5: {  	[hbm4b:s0+s2] =	stream.linear.scatter [tilespmem:s5], [sflag:$0x2], $0x1800, $0x38;
	[tilespmem:$0x2800] =	vst v63  }
0x1c6: {  	_ =	swait.ge [sflag:s4], $0x1800  }
0x1c7: {  	[sflag:s4] =	ssyncset.done $0x0  }
0x1c8: {  	[sflag:s4] =	ssyncadd.s32 $0xFFFFE800  }
0x1c9: {  	[tilespmem:s5], [sflag:$0x1] =	stream.indirect.gather [hbm4b:s3+s6], $0x30, s24, s6, $0xb8;
	[tilespmem:$0x2800] =	vst v63  }
0x1ca: {  	_ =	swait.ge [sflag:s7], $0x1800  }
0x1cb: {  	[sflag:s7] =	ssyncset.done $0x0  }
0x1cc: {  	s0 =	rddreg [dreg:$0x12];
	[sflag:s7] =	ssyncadd.s32 $0xFFFFE800  }
0x1cd: {  	[hbm4b:s0+s2] =	stream.linear.scatter [tilespmem:s5], [sflag:$0x2], $0x1800, $0x38;
	[tilespmem:$0x2800] =	vst v63  }
0x1ce: {  	_ =	swait.ge [sflag:s4], $0x1800  }
0x1cf: {  	[sflag:s4] =	ssyncset.done $0x0  }
0x1d0: {  	[sflag:s4] =	ssyncadd.s32 $0xFFFFE800  }
0x1d1: {  	[tilespmem:s5], [sflag:$0x1] =	stream.indirect.gather [hbm4b:s3+s6], $0x30, s23, s6, $0xb8;
	[tilespmem:$0x2800] =	vst v63  }
0x1d2: {  	_ =	swait.ge [sflag:s7], $0x1800  }
0x1d3: {  	[sflag:s7] =	ssyncset.done $0x0  }
0x1d4: {  	s0 =	rddreg [dreg:$0x13];
	[sflag:s7] =	ssyncadd.s32 $0xFFFFE800  }
0x1d5: {  	[hbm4b:s0+s2] =	stream.linear.scatter [tilespmem:s5], [sflag:$0x2], $0x1800, $0x38;
	[tilespmem:$0x2800] =	vst v63  }
0x1d6: {  	_ =	swait.ge [sflag:s4], $0x1800  }
0x1d7: {  	[sflag:s4] =	ssyncset.done $0x0  }
0x1d8: {  	[sflag:s4] =	ssyncadd.s32 $0xFFFFE800  }
0x1d9: {  	[tilespmem:s5], [sflag:$0x1] =	stream.indirect.gather [hbm4b:s3+s6], $0x30, s22, s6, $0xb8;
	[tilespmem:$0x2800] =	vst v63  }
0x1da: {  	_ =	swait.ge [sflag:s7], $0x1800  }
0x1db: {  	[sflag:s7] =	ssyncset.done $0x0  }
0x1dc: {  	s0 =	rddreg [dreg:$0x14];
	[sflag:s7] =	ssyncadd.s32 $0xFFFFE800  }
0x1dd: {  	[hbm4b:s0+s2] =	stream.linear.scatter [tilespmem:s5], [sflag:$0x2], $0x1800, $0x38;
	[tilespmem:$0x2800] =	vst v63  }
0x1de: {  	_ =	swait.ge [sflag:s4], $0x1800  }
0x1df: {  	[sflag:s4] =	ssyncset.done $0x0  }
0x1e0: {  	[sflag:s4] =	ssyncadd.s32 $0xFFFFE800  }
0x1e1: {  	[tilespmem:s5], [sflag:$0x1] =	stream.indirect.gather [hbm4b:s3+s6], $0x30, s21, s6, $0xb8;
	[tilespmem:$0x2800] =	vst v63  }
0x1e2: {  	_ =	swait.ge [sflag:s7], $0x1800  }
0x1e3: {  	[sflag:s7] =	ssyncset.done $0x0  }
0x1e4: {  	s0 =	rddreg [dreg:$0x15];
	[sflag:s7] =	ssyncadd.s32 $0xFFFFE800  }
0x1e5: {  	[hbm4b:s0+s2] =	stream.linear.scatter [tilespmem:s5], [sflag:$0x2], $0x1800, $0x38;
	[tilespmem:$0x2800] =	vst v63  }
0x1e6: {  	_ =	swait.ge [sflag:s4], $0x1800  }
0x1e7: {  	[sflag:s4] =	ssyncset.done $0x0  }
0x1e8: {  	[sflag:s4] =	ssyncadd.s32 $0xFFFFE800  }
0x1e9: {  	[tilespmem:s5], [sflag:$0x1] =	stream.indirect.gather [hbm4b:s3+s6], $0x30, s20, s6, $0xb8;
	[tilespmem:$0x2800] =	vst v63  }
0x1ea: {  	_ =	swait.ge [sflag:s7], $0x1800  }
0x1eb: {  	[sflag:s7] =	ssyncset.done $0x0  }
0x1ec: {  	s0 =	rddreg [dreg:$0x16];
	[sflag:s7] =	ssyncadd.s32 $0xFFFFE800  }
0x1ed: {  	[hbm4b:s0+s2] =	stream.linear.scatter [tilespmem:s5], [sflag:$0x2], $0x1800, $0x38;
	[tilespmem:$0x2800] =	vst v63  }
0x1ee: {  	_ =	swait.ge [sflag:s4], $0x1800  }
0x1ef: {  	[sflag:s4] =	ssyncset.done $0x0  }
0x1f0: {  	[sflag:s4] =	ssyncadd.s32 $0xFFFFE800  }
0x1f1: {  	[tilespmem:s5], [sflag:$0x1] =	stream.indirect.gather [hbm4b:s3+s6], $0x30, s19, s6, $0xb8;
	[tilespmem:$0x2800] =	vst v63  }
0x1f2: {  	_ =	swait.ge [sflag:s7], $0x1800  }
0x1f3: {  	[sflag:s7] =	ssyncset.done $0x0  }
0x1f4: {  	s0 =	rddreg [dreg:$0x17];
	[sflag:s7] =	ssyncadd.s32 $0xFFFFE800  }
0x1f5: {  	[hbm4b:s0+s2] =	stream.linear.scatter [tilespmem:s5], [sflag:$0x2], $0x1800, $0x38;
	[tilespmem:$0x2800] =	vst v63  }
0x1f6: {  	_ =	swait.ge [sflag:s4], $0x1800  }
0x1f7: {  	[sflag:s4] =	ssyncset.done $0x0  }
0x1f8: {  	[sflag:s4] =	ssyncadd.s32 $0xFFFFE800  }
0x1f9: {  	[tilespmem:s5], [sflag:$0x1] =	stream.indirect.gather [hbm4b:s3+s6], $0x30, s18, s6, $0xb8;
	[tilespmem:$0x2800] =	vst v63  }
0x1fa: {  	_ =	swait.ge [sflag:s7], $0x1800  }
0x1fb: {  	[sflag:s7] =	ssyncset.done $0x0  }
0x1fc: {  	s0 =	rddreg [dreg:$0x18];
	[sflag:s7] =	ssyncadd.s32 $0xFFFFE800  }
0x1fd: {  	[hbm4b:s0+s2] =	stream.linear.scatter [tilespmem:s5], [sflag:$0x2], $0x1800, $0x38;
	[tilespmem:$0x2800] =	vst v63  }
0x1fe: {  	_ =	swait.ge [sflag:s4], $0x1800  }
0x1ff: {  	[sflag:s4] =	ssyncset.done $0x0  }
0x200: {  	[sflag:s4] =	ssyncadd.s32 $0xFFFFE800  }
0x201: {  	[tilespmem:s5], [sflag:$0x1] =	stream.indirect.gather [hbm4b:s3+s6], $0x30, s17, s6, $0xb8;
	[tilespmem:$0x2800] =	vst v63  }
0x202: {  	_ =	swait.ge [sflag:s7], $0x1800  }
0x203: {  	[sflag:s7] =	ssyncset.done $0x0  }
0x204: {  	s0 =	rddreg [dreg:$0x19];
	[sflag:s7] =	ssyncadd.s32 $0xFFFFE800  }
0x205: {  	[hbm4b:s0+s2] =	stream.linear.scatter [tilespmem:s5], [sflag:$0x2], $0x1800, $0x38;
	[tilespmem:$0x2800] =	vst v63  }
0x206: {  	_ =	swait.ge [sflag:s4], $0x1800  }
0x207: {  	[sflag:s4] =	ssyncset.done $0x0  }
0x208: {  	[sflag:s4] =	ssyncadd.s32 $0xFFFFE800  }
0x209: {  	[tilespmem:s5], [sflag:$0x1] =	stream.indirect.gather [hbm4b:s3+s6], $0x30, s16, s6, $0xb8;
	[tilespmem:$0x2800] =	vst v63  }
0x20a: {  	_ =	swait.ge [sflag:s7], $0x1800  }
0x20b: {  	[sflag:s7] =	ssyncset.done $0x0  }
0x20c: {  	s0 =	rddreg [dreg:$0x1a];
	[sflag:s7] =	ssyncadd.s32 $0xFFFFE800  }
0x20d: {  	[hbm4b:s0+s2] =	stream.linear.scatter [tilespmem:s5], [sflag:$0x2], $0x1800, $0x38;
	[tilespmem:$0x2800] =	vst v63  }
0x20e: {  	_ =	swait.ge [sflag:s4], $0x1800  }
0x20f: {  	[sflag:s4] =	ssyncset.done $0x0  }
0x210: {  	[sflag:s4] =	ssyncadd.s32 $0xFFFFE800  }
0x211: {  	[tilespmem:s5], [sflag:$0x1] =	stream.indirect.gather [hbm4b:s3+s6], $0x30, s15, s6, $0xb8;
	[tilespmem:$0x2800] =	vst v63  }
0x212: {  	_ =	swait.ge [sflag:s7], $0x1800  }
0x213: {  	[sflag:s7] =	ssyncset.done $0x0  }
0x214: {  	s0 =	rddreg [dreg:$0x1b];
	[sflag:s7] =	ssyncadd.s32 $0xFFFFE800  }
0x215: {  	[hbm4b:s0+s2] =	stream.linear.scatter [tilespmem:s5], [sflag:$0x2], $0x1800, $0x38;
	[tilespmem:$0x2800] =	vst v63  }
0x216: {  	_ =	swait.ge [sflag:s4], $0x1800  }
0x217: {  	[sflag:s4] =	ssyncset.done $0x0  }
0x218: {  	[sflag:s4] =	ssyncadd.s32 $0xFFFFE800  }
0x219: {  	[tilespmem:s5], [sflag:$0x1] =	stream.indirect.gather [hbm4b:s3+s6], $0x30, s14, s6, $0xb8;
	[tilespmem:$0x2800] =	vst v63  }
0x21a: {  	_ =	swait.ge [sflag:s7], $0x1800  }
0x21b: {  	[sflag:s7] =	ssyncset.done $0x0  }
0x21c: {  	s0 =	rddreg [dreg:$0x1c];
	[sflag:s7] =	ssyncadd.s32 $0xFFFFE800  }
0x21d: {  	[hbm4b:s0+s2] =	stream.linear.scatter [tilespmem:s5], [sflag:$0x2], $0x1800, $0x38;
	[tilespmem:$0x2800] =	vst v63  }
0x21e: {  	_ =	swait.ge [sflag:s4], $0x1800  }
0x21f: {  	[sflag:s4] =	ssyncset.done $0x0  }
0x220: {  	[sflag:s4] =	ssyncadd.s32 $0xFFFFE800  }
0x221: {  	[tilespmem:s5], [sflag:$0x1] =	stream.indirect.gather [hbm4b:s3+s6], $0x30, s13, s6, $0xb8;
	[tilespmem:$0x2800] =	vst v63  }
0x222: {  	_ =	swait.ge [sflag:s7], $0x1800  }
0x223: {  	[sflag:s7] =	ssyncset.done $0x0  }
0x224: {  	s0 =	rddreg [dreg:$0x1d];
	[sflag:s7] =	ssyncadd.s32 $0xFFFFE800  }
0x225: {  	[hbm4b:s0+s2] =	stream.linear.scatter [tilespmem:s5], [sflag:$0x2], $0x1800, $0x38;
	[tilespmem:$0x2800] =	vst v63  }
0x226: {  	_ =	swait.ge [sflag:s4], $0x1800  }
0x227: {  	[sflag:s4] =	ssyncset.done $0x0  }
0x228: {  	[sflag:s4] =	ssyncadd.s32 $0xFFFFE800  }
0x229: {  	[tilespmem:s5], [sflag:$0x1] =	stream.indirect.gather [hbm4b:s3+s6], $0x30, s12, s6, $0xb8;
	[tilespmem:$0x2800] =	vst v63  }
0x22a: {  	_ =	swait.ge [sflag:s7], $0x1800  }
0x22b: {  	[sflag:s7] =	ssyncset.done $0x0  }
0x22c: {  	s0 =	rddreg [dreg:$0x1e];
	[sflag:s7] =	ssyncadd.s32 $0xFFFFE800  }
0x22d: {  	[hbm4b:s0+s2] =	stream.linear.scatter [tilespmem:s5], [sflag:$0x2], $0x1800, $0x38;
	[tilespmem:$0x2800] =	vst v63  }
0x22e: {  	_ =	swait.ge [sflag:s4], $0x1800  }
0x22f: {  	[sflag:s4] =	ssyncset.done $0x0  }
0x230: {  	[sflag:s4] =	ssyncadd.s32 $0xFFFFE800  }
0x231: {  	[tilespmem:s5], [sflag:$0x1] =	stream.indirect.gather [hbm4b:s3+s6], $0x30, s11, s6, $0xb8;
	[tilespmem:$0x2800] =	vst v63  }
0x232: {  	_ =	swait.ge [sflag:s7], $0x1800  }
0x233: {  	[sflag:s7] =	ssyncset.done $0x0  }
0x234: {  	s0 =	rddreg [dreg:$0x1f];
	[sflag:s7] =	ssyncadd.s32 $0xFFFFE800  }
0x235: {  	[hbm4b:s0+s2] =	stream.linear.scatter [tilespmem:s5], [sflag:$0x2], $0x1800, $0x38;
	[tilespmem:$0x2800] =	vst v63  }
0x236: {  	_ =	swait.ge [sflag:s4], $0x1800  }
0x237: {  	[sflag:s4] =	ssyncset.done $0x0  }
0x238: {  	[sflag:s4] =	ssyncadd.s32 $0xFFFFE800  }
0x239: {  	[tilespmem:s5], [sflag:$0x1] =	stream.indirect.gather [hbm4b:s3+s6], $0x30, s10, s6, $0xb8;
	[tilespmem:$0x2800] =	vst v63  }
0x23a: {  	_ =	swait.ge [sflag:s7], $0x1800  }
0x23b: {  	s0 =	sld [smem:$0x7F3]  }
0x23c: {  	[sflag:s7] =	ssyncset.done $0x0  }
0x23d: {  	[sflag:s7] =	ssyncadd.s32 $0xFFFFE800  }
0x23e: {  	[hbm4b:s0+s2] =	stream.linear.scatter [tilespmem:s5], [sflag:$0x2], $0x1800, $0x38;
	[tilespmem:$0x2800] =	vst v63  }
0x23f: {  	_ =	swait.ge [sflag:s4], $0x1800  }
0x240: {  	[sflag:s4] =	ssyncset.done $0x0  }
0x241: {  	[sflag:s4] =	ssyncadd.s32 $0xFFFFE800  }
0x242: {  	[tilespmem:s5], [sflag:$0x1] =	stream.indirect.gather [hbm4b:s3+s6], $0x30, s9, s6, $0xb8;
	[tilespmem:$0x2800] =	vst v63  }
0x243: {  	_ =	swait.ge [sflag:s7], $0x1800  }
0x244: {  	s0 =	sld [smem:$0x7F4]  }
0x245: {  	[sflag:s7] =	ssyncset.done $0x0  }
0x246: {  	[sflag:s7] =	ssyncadd.s32 $0xFFFFE800  }
0x247: {  	[hbm4b:s0+s2] =	stream.linear.scatter [tilespmem:s5], [sflag:$0x2], $0x1800, $0x38;
	[tilespmem:$0x2800] =	vst v63  }
0x248: {  	_ =	swait.ge [sflag:s4], $0x1800  }
0x249: {  	[sflag:s4] =	ssyncset.done $0x0  }
0x24a: {  	[sflag:s4] =	ssyncadd.s32 $0xFFFFE800  }
0x24b: {  	[tilespmem:s5], [sflag:$0x1] =	stream.indirect.gather [hbm4b:s3+s6], $0x30, s8, s6, $0xb8;
	[tilespmem:$0x2800] =	vst v63  }
0x24c: {  	_ =	swait.ge [sflag:s7], $0x1800  }
0x24d: {  	p1 =	sne.s32 s1, $0x1;
	s0 =	sld [smem:$0x7F5]  }
.Ltmp2:
0x24e: {  	[sflag:s7] =	ssyncset.done $0x0;
	(pc) =	sbr.rel @p1 .LBB2_2-.Ltmp2, $4  }
0x24f: {  	[sflag:s7] =	ssyncadd.s32 $0xFFFFE800  }
0x250: {  	[hbm4b:s0+s2] =	stream.linear.scatter [tilespmem:s5], [sflag:$0x2], $0x1800, $0x38;
	[tilespmem:$0x2800] =	vst v63  }
0x251: {  	_ =	swait.ge [sflag:s4], $0x1800  }
0x252: {  	s1 =	sadd.s32 $0xFFFFFFFF, s1;
	s0 =	rddreg [dreg:$0x3];
	[sflag:s4] =	ssyncset.done $0x0  }
.LBB2_3:
0x253: {  	[sflag:s4] =	ssyncadd.s32 @p0 $0xFFFFE800  }
0x254: {  	[tilespmem:s2], [sflag:$0x2] =	stream.linear.gather [hbm4b:s0+s2], $0x1000, $0x38;
	[tilespmem:$0x2800] =	vst v63  }
0x255: {  	_ =	swait.ge [sflag:s4], $0x1000  }
0x256: {  	[sflag:s4] =	ssyncset.done $0x0  }
0x257: {  	[sflag:s4] =	ssyncadd.s32 $0xFFFFF000  }
0x258: {  	[tilespmem:s5], [sflag:$0x1] =	stream.indirect.gather [hbm4b:s3+s6], $0x30, s2, s6, $0xb8;
	[tilespmem:$0x2800] =	vst v63  }
0x259: {  	_ =	swait.ge [sflag:s7], $0x1800  }
0x25a: {  	[sflag:s7] =	ssyncset.done $0x0  }
0x25b: {  	[sflag:s7] =	ssyncadd.s32 $0xFFFFE800  }
0x25c: {  	[hbm4b:s31+s2] =	stream.linear.scatter [tilespmem:s5], [sflag:$0x2], $0x1800, $0x38;
	[tilespmem:$0x2800] =	vst v63  }
0x25d: {  	_ =	swait.ge [sflag:s4], $0x1800  }
0x25e: {  	[sflag:s4] =	ssyncset.done $0x0  }
0x25f: {  	[sflag:s4] =	ssyncadd.s32 $0xFFFFE800  }
0x260: {  	[tilespmem:s5], [sflag:$0x1] =	stream.indirect.gather [hbm4b:s3+s6], $0x30, s6, s6, $0xb8;
	[tilespmem:$0x2800] =	vst v63  }
0x261: {  	_ =	swait.ge [sflag:s7], $0x1800  }
0x262: {  	[sflag:s7] =	ssyncset.done $0x0  }
0x263: {  	s31 =	rddreg [dreg:$0x4];
	[sflag:s7] =	ssyncadd.s32 $0xFFFFE800  }
0x264: {  	[hbm4b:s31+s2] =	stream.linear.scatter [tilespmem:s5], [sflag:$0x2], $0x1800, $0x38;
	[tilespmem:$0x2800] =	vst v63  }
0x265: {  	_ =	swait.ge [sflag:s4], $0x1800  }
0x266: {  	s1 =	sld [smem:$0x7F6]  }
0x267: {  	[sflag:s4] =	ssyncset.done $0x0  }
0x268: {  	[sflag:s4] =	ssyncadd.s32 $0xFFFFE800  }
0x269: {  	[tilespmem:s5], [sflag:$0x1] =	stream.indirect.gather [hbm4b:s3+s6], $0x30, s1, s6, $0xb8;
	[tilespmem:$0x2800] =	vst v63  }
0x26a: {  	_ =	swait.ge [sflag:s7], $0x1800  }
0x26b: {  	[sflag:s7] =	ssyncset.done $0x0  }
0x26c: {  	s31 =	rddreg [dreg:$0x5];
	[sflag:s7] =	ssyncadd.s32 $0xFFFFE800  }
0x26d: {  	[hbm4b:s31+s2] =	stream.linear.scatter [tilespmem:s5], [sflag:$0x2], $0x1800, $0x38;
	[tilespmem:$0x2800] =	vst v63  }
0x26e: {  	_ =	swait.ge [sflag:s4], $0x1800  }
0x26f: {  	s1 =	sld [smem:$0x7F7]  }
0x270: {  	[sflag:s4] =	ssyncset.done $0x0  }
0x271: {  	[sflag:s4] =	ssyncadd.s32 $0xFFFFE800  }
0x272: {  	[tilespmem:s5], [sflag:$0x1] =	stream.indirect.gather [hbm4b:s3+s6], $0x30, s1, s6, $0xb8;
	[tilespmem:$0x2800] =	vst v63  }
0x273: {  	_ =	swait.ge [sflag:s7], $0x1800  }
0x274: {  	[sflag:s7] =	ssyncset.done $0x0  }
0x275: {  	s31 =	rddreg [dreg:$0x6];
	[sflag:s7] =	ssyncadd.s32 $0xFFFFE800  }
0x276: {  	[hbm4b:s31+s2] =	stream.linear.scatter [tilespmem:s5], [sflag:$0x2], $0x1800, $0x38;
	[tilespmem:$0x2800] =	vst v63  }
0x277: {  	_ =	swait.ge [sflag:s4], $0x1800  }
0x278: {  	s1 =	sld [smem:$0x7F8]  }
0x279: {  	[sflag:s4] =	ssyncset.done $0x0  }
0x27a: {  	[sflag:s4] =	ssyncadd.s32 $0xFFFFE800  }
0x27b: {  	[tilespmem:s5], [sflag:$0x1] =	stream.indirect.gather [hbm4b:s3+s6], $0x30, s1, s6, $0xb8;
	[tilespmem:$0x2800] =	vst v63  }
0x27c: {  	_ =	swait.ge [sflag:s7], $0x1800  }
0x27d: {  	[sflag:s7] =	ssyncset.done $0x0  }
0x27e: {  	s31 =	rddreg [dreg:$0x7];
	[sflag:s7] =	ssyncadd.s32 $0xFFFFE800  }
0x27f: {  	[hbm4b:s31+s2] =	stream.linear.scatter [tilespmem:s5], [sflag:$0x2], $0x1800, $0x38;
	[tilespmem:$0x2800] =	vst v63  }
0x280: {  	_ =	swait.ge [sflag:s4], $0x1800  }
0x281: {  	s1 =	sld [smem:$0x7F9]  }
0x282: {  	[sflag:s4] =	ssyncset.done $0x0  }
0x283: {  	[sflag:s4] =	ssyncadd.s32 $0xFFFFE800  }
0x284: {  	[tilespmem:s5], [sflag:$0x1] =	stream.indirect.gather [hbm4b:s3+s6], $0x30, s1, s6, $0xb8;
	[tilespmem:$0x2800] =	vst v63  }
0x285: {  	_ =	swait.ge [sflag:s7], $0x1800  }
0x286: {  	[sflag:s7] =	ssyncset.done $0x0  }
0x287: {  	s31 =	rddreg [dreg:$0x8];
	[sflag:s7] =	ssyncadd.s32 $0xFFFFE800  }
0x288: {  	[hbm4b:s31+s2] =	stream.linear.scatter [tilespmem:s5], [sflag:$0x2], $0x1800, $0x38;
	[tilespmem:$0x2800] =	vst v63  }
0x289: {  	_ =	swait.ge [sflag:s4], $0x1800  }
0x28a: {  	s1 =	sld [smem:$0x7FA]  }
0x28b: {  	[sflag:s4] =	ssyncset.done $0x0  }
0x28c: {  	[sflag:s4] =	ssyncadd.s32 $0xFFFFE800  }
0x28d: {  	[tilespmem:s5], [sflag:$0x1] =	stream.indirect.gather [hbm4b:s3+s6], $0x30, s1, s6, $0xb8;
	[tilespmem:$0x2800] =	vst v63  }
0x28e: {  	_ =	swait.ge [sflag:s7], $0x1800  }
0x28f: {  	[sflag:s7] =	ssyncset.done $0x0  }
0x290: {  	s31 =	rddreg [dreg:$0x9];
	[sflag:s7] =	ssyncadd.s32 $0xFFFFE800  }
0x291: {  	[hbm4b:s31+s2] =	stream.linear.scatter [tilespmem:s5], [sflag:$0x2], $0x1800, $0x38;
	[tilespmem:$0x2800] =	vst v63  }
0x292: {  	_ =	swait.ge [sflag:s4], $0x1800  }
0x293: {  	s1 =	sld [smem:$0x7FB]  }
0x294: {  	[sflag:s4] =	ssyncset.done $0x0  }
0x295: {  	[sflag:s4] =	ssyncadd.s32 $0xFFFFE800  }
0x296: {  	[tilespmem:s5], [sflag:$0x1] =	stream.indirect.gather [hbm4b:s3+s6], $0x30, s1, s6, $0xb8;
	[tilespmem:$0x2800] =	vst v63  }
0x297: {  	_ =	swait.ge [sflag:s7], $0x1800  }
0x298: {  	[sflag:s7] =	ssyncset.done $0x0  }
0x299: {  	s31 =	rddreg [dreg:$0xa];
	[sflag:s7] =	ssyncadd.s32 $0xFFFFE800  }
0x29a: {  	[hbm4b:s31+s2] =	stream.linear.scatter [tilespmem:s5], [sflag:$0x2], $0x1800, $0x38;
	[tilespmem:$0x2800] =	vst v63  }
0x29b: {  	_ =	swait.ge [sflag:s4], $0x1800  }
0x29c: {  	s1 =	sld [smem:$0x7FC]  }
0x29d: {  	[sflag:s4] =	ssyncset.done $0x0  }
0x29e: {  	[sflag:s4] =	ssyncadd.s32 $0xFFFFE800  }
0x29f: {  	[tilespmem:s5], [sflag:$0x1] =	stream.indirect.gather [hbm4b:s3+s6], $0x30, s1, s6, $0xb8;
	[tilespmem:$0x2800] =	vst v63  }
0x2a0: {  	_ =	swait.ge [sflag:s7], $0x1800  }
0x2a1: {  	[sflag:s7] =	ssyncset.done $0x0  }
0x2a2: {  	s31 =	rddreg [dreg:$0xb];
	[sflag:s7] =	ssyncadd.s32 $0xFFFFE800  }
0x2a3: {  	[hbm4b:s31+s2] =	stream.linear.scatter [tilespmem:s5], [sflag:$0x2], $0x1800, $0x38;
	[tilespmem:$0x2800] =	vst v63  }
0x2a4: {  	_ =	swait.ge [sflag:s4], $0x1800  }
0x2a5: {  	s1 =	sld [smem:$0x7FD]  }
0x2a6: {  	[sflag:s4] =	ssyncset.done $0x0  }
0x2a7: {  	[sflag:s4] =	ssyncadd.s32 $0xFFFFE800  }
0x2a8: {  	[tilespmem:s5], [sflag:$0x1] =	stream.indirect.gather [hbm4b:s3+s6], $0x30, s1, s6, $0xb8;
	[tilespmem:$0x2800] =	vst v63  }
0x2a9: {  	_ =	swait.ge [sflag:s7], $0x1800  }
0x2aa: {  	[sflag:s7] =	ssyncset.done $0x0  }
0x2ab: {  	s31 =	rddreg [dreg:$0xc];
	[sflag:s7] =	ssyncadd.s32 $0xFFFFE800  }
0x2ac: {  	[hbm4b:s31+s2] =	stream.linear.scatter [tilespmem:s5], [sflag:$0x2], $0x1800, $0x38;
	[tilespmem:$0x2800] =	vst v63  }
0x2ad: {  	_ =	swait.ge [sflag:s4], $0x1800  }
0x2ae: {  	[sflag:s4] =	ssyncset.done $0x0  }
0x2af: {  	[sflag:s4] =	ssyncadd.s32 $0xFFFFE800  }
0x2b0: {  	[tilespmem:s5], [sflag:$0x1] =	stream.indirect.gather [hbm4b:s3+s6], $0x30, s30, s6, $0xb8;
	[tilespmem:$0x2800] =	vst v63  }
0x2b1: {  	_ =	swait.ge [sflag:s7], $0x1800  }
0x2b2: {  	[sflag:s7] =	ssyncset.done $0x0  }
0x2b3: {  	s1 =	rddreg [dreg:$0xd];
	[sflag:s7] =	ssyncadd.s32 $0xFFFFE800  }
0x2b4: {  	[hbm4b:s1+s2] =	stream.linear.scatter [tilespmem:s5], [sflag:$0x2], $0x1800, $0x38;
	[tilespmem:$0x2800] =	vst v63  }
0x2b5: {  	_ =	swait.ge [sflag:s4], $0x1800  }
0x2b6: {  	[sflag:s4] =	ssyncset.done $0x0  }
0x2b7: {  	[sflag:s4] =	ssyncadd.s32 $0xFFFFE800  }
0x2b8: {  	[tilespmem:s5], [sflag:$0x1] =	stream.indirect.gather [hbm4b:s3+s6], $0x30, s29, s6, $0xb8;
	[tilespmem:$0x2800] =	vst v63  }
0x2b9: {  	_ =	swait.ge [sflag:s7], $0x1800  }
0x2ba: {  	[sflag:s7] =	ssyncset.done $0x0  }
0x2bb: {  	s30 =	rddreg [dreg:$0xe];
	[sflag:s7] =	ssyncadd.s32 $0xFFFFE800  }
0x2bc: {  	[hbm4b:s30+s2] =	stream.linear.scatter [tilespmem:s5], [sflag:$0x2], $0x1800, $0x38;
	[tilespmem:$0x2800] =	vst v63  }
0x2bd: {  	_ =	swait.ge [sflag:s4], $0x1800  }
0x2be: {  	[sflag:s4] =	ssyncset.done $0x0  }
0x2bf: {  	[sflag:s4] =	ssyncadd.s32 $0xFFFFE800  }
0x2c0: {  	[tilespmem:s5], [sflag:$0x1] =	stream.indirect.gather [hbm4b:s3+s6], $0x30, s28, s6, $0xb8;
	[tilespmem:$0x2800] =	vst v63  }
0x2c1: {  	_ =	swait.ge [sflag:s7], $0x1800  }
0x2c2: {  	[sflag:s7] =	ssyncset.done $0x0  }
0x2c3: {  	s31 =	rddreg [dreg:$0xf];
	[sflag:s7] =	ssyncadd.s32 $0xFFFFE800  }
0x2c4: {  	[hbm4b:s31+s2] =	stream.linear.scatter [tilespmem:s5], [sflag:$0x2], $0x1800, $0x38;
	[tilespmem:$0x2800] =	vst v63  }
0x2c5: {  	_ =	swait.ge [sflag:s4], $0x1800  }
0x2c6: {  	[sflag:s4] =	ssyncset.done $0x0  }
0x2c7: {  	[sflag:s4] =	ssyncadd.s32 $0xFFFFE800  }
0x2c8: {  	[tilespmem:s5], [sflag:$0x1] =	stream.indirect.gather [hbm4b:s3+s6], $0x30, s26, s6, $0xb8;
	[tilespmem:$0x2800] =	vst v63  }
0x2c9: {  	_ =	swait.ge [sflag:s7], $0x1800  }
0x2ca: {  	[sflag:s7] =	ssyncset.done $0x0  }
0x2cb: {  	s1 =	rddreg [dreg:$0x10];
	[sflag:s7] =	ssyncadd.s32 $0xFFFFE800  }
0x2cc: {  	[hbm4b:s1+s2] =	stream.linear.scatter [tilespmem:s5], [sflag:$0x2], $0x1800, $0x38;
	[tilespmem:$0x2800] =	vst v63  }
0x2cd: {  	_ =	swait.ge [sflag:s4], $0x1800  }
0x2ce: {  	[sflag:s4] =	ssyncset.done $0x0  }
0x2cf: {  	[sflag:s4] =	ssyncadd.s32 $0xFFFFE800  }
0x2d0: {  	[tilespmem:s5], [sflag:$0x1] =	stream.indirect.gather [hbm4b:s3+s6], $0x30, s25, s6, $0xb8;
	[tilespmem:$0x2800] =	vst v63  }
0x2d1: {  	_ =	swait.ge [sflag:s7], $0x1800  }
0x2d2: {  	[sflag:s7] =	ssyncset.done $0x0  }
0x2d3: {  	s25 =	rddreg [dreg:$0x11];
	[sflag:s7] =	ssyncadd.s32 $0xFFFFE800  }
0x2d4: {  	[hbm4b:s25+s2] =	stream.linear.scatter [tilespmem:s5], [sflag:$0x2], $0x1800, $0x38;
	[tilespmem:$0x2800] =	vst v63  }
0x2d5: {  	_ =	swait.ge [sflag:s4], $0x1800  }
0x2d6: {  	[sflag:s4] =	ssyncset.done $0x0  }
0x2d7: {  	[sflag:s4] =	ssyncadd.s32 $0xFFFFE800  }
0x2d8: {  	[tilespmem:s5], [sflag:$0x1] =	stream.indirect.gather [hbm4b:s3+s6], $0x30, s24, s6, $0xb8;
	[tilespmem:$0x2800] =	vst v63  }
0x2d9: {  	_ =	swait.ge [sflag:s7], $0x1800  }
0x2da: {  	[sflag:s7] =	ssyncset.done $0x0  }
0x2db: {  	s26 =	rddreg [dreg:$0x12];
	[sflag:s7] =	ssyncadd.s32 $0xFFFFE800  }
0x2dc: {  	[hbm4b:s26+s2] =	stream.linear.scatter [tilespmem:s5], [sflag:$0x2], $0x1800, $0x38;
	[tilespmem:$0x2800] =	vst v63  }
0x2dd: {  	_ =	swait.ge [sflag:s4], $0x1800  }
0x2de: {  	[sflag:s4] =	ssyncset.done $0x0  }
0x2df: {  	[sflag:s4] =	ssyncadd.s32 $0xFFFFE800  }
0x2e0: {  	[tilespmem:s5], [sflag:$0x1] =	stream.indirect.gather [hbm4b:s3+s6], $0x30, s23, s6, $0xb8;
	[tilespmem:$0x2800] =	vst v63  }
0x2e1: {  	_ =	swait.ge [sflag:s7], $0x1800  }
0x2e2: {  	[sflag:s7] =	ssyncset.done $0x0  }
0x2e3: {  	s28 =	rddreg [dreg:$0x13];
	[sflag:s7] =	ssyncadd.s32 $0xFFFFE800  }
0x2e4: {  	[hbm4b:s28+s2] =	stream.linear.scatter [tilespmem:s5], [sflag:$0x2], $0x1800, $0x38;
	[tilespmem:$0x2800] =	vst v63  }
0x2e5: {  	_ =	swait.ge [sflag:s4], $0x1800  }
0x2e6: {  	[sflag:s4] =	ssyncset.done $0x0  }
0x2e7: {  	[sflag:s4] =	ssyncadd.s32 $0xFFFFE800  }
0x2e8: {  	[tilespmem:s5], [sflag:$0x1] =	stream.indirect.gather [hbm4b:s3+s6], $0x30, s22, s6, $0xb8;
	[tilespmem:$0x2800] =	vst v63  }
0x2e9: {  	_ =	swait.ge [sflag:s7], $0x1800  }
0x2ea: {  	[sflag:s7] =	ssyncset.done $0x0  }
0x2eb: {  	s29 =	rddreg [dreg:$0x14];
	[sflag:s7] =	ssyncadd.s32 $0xFFFFE800  }
0x2ec: {  	[hbm4b:s29+s2] =	stream.linear.scatter [tilespmem:s5], [sflag:$0x2], $0x1800, $0x38;
	[tilespmem:$0x2800] =	vst v63  }
0x2ed: {  	_ =	swait.ge [sflag:s4], $0x1800  }
0x2ee: {  	[sflag:s4] =	ssyncset.done $0x0  }
0x2ef: {  	[sflag:s4] =	ssyncadd.s32 $0xFFFFE800  }
0x2f0: {  	[tilespmem:s5], [sflag:$0x1] =	stream.indirect.gather [hbm4b:s3+s6], $0x30, s21, s6, $0xb8;
	[tilespmem:$0x2800] =	vst v63  }
0x2f1: {  	_ =	swait.ge [sflag:s7], $0x1800  }
0x2f2: {  	[sflag:s7] =	ssyncset.done $0x0  }
0x2f3: {  	s30 =	rddreg [dreg:$0x15];
	[sflag:s7] =	ssyncadd.s32 $0xFFFFE800  }
0x2f4: {  	[hbm4b:s30+s2] =	stream.linear.scatter [tilespmem:s5], [sflag:$0x2], $0x1800, $0x38;
	[tilespmem:$0x2800] =	vst v63  }
0x2f5: {  	_ =	swait.ge [sflag:s4], $0x1800  }
0x2f6: {  	[sflag:s4] =	ssyncset.done $0x0  }
0x2f7: {  	[sflag:s4] =	ssyncadd.s32 $0xFFFFE800  }
0x2f8: {  	[tilespmem:s5], [sflag:$0x1] =	stream.indirect.gather [hbm4b:s3+s6], $0x30, s20, s6, $0xb8;
	[tilespmem:$0x2800] =	vst v63  }
0x2f9: {  	_ =	swait.ge [sflag:s7], $0x1800  }
0x2fa: {  	[sflag:s7] =	ssyncset.done $0x0  }
0x2fb: {  	s31 =	rddreg [dreg:$0x16];
	[sflag:s7] =	ssyncadd.s32 $0xFFFFE800  }
0x2fc: {  	[hbm4b:s31+s2] =	stream.linear.scatter [tilespmem:s5], [sflag:$0x2], $0x1800, $0x38;
	[tilespmem:$0x2800] =	vst v63  }
0x2fd: {  	_ =	swait.ge [sflag:s4], $0x1800  }
0x2fe: {  	[sflag:s4] =	ssyncset.done $0x0  }
0x2ff: {  	[sflag:s4] =	ssyncadd.s32 $0xFFFFE800  }
0x300: {  	[tilespmem:s5], [sflag:$0x1] =	stream.indirect.gather [hbm4b:s3+s6], $0x30, s19, s6, $0xb8;
	[tilespmem:$0x2800] =	vst v63  }
0x301: {  	_ =	swait.ge [sflag:s7], $0x1800  }
0x302: {  	[sflag:s7] =	ssyncset.done $0x0  }
0x303: {  	s1 =	rddreg [dreg:$0x17];
	[sflag:s7] =	ssyncadd.s32 $0xFFFFE800  }
0x304: {  	[hbm4b:s1+s2] =	stream.linear.scatter [tilespmem:s5], [sflag:$0x2], $0x1800, $0x38;
	[tilespmem:$0x2800] =	vst v63  }
0x305: {  	_ =	swait.ge [sflag:s4], $0x1800  }
0x306: {  	[sflag:s4] =	ssyncset.done $0x0  }
0x307: {  	[sflag:s4] =	ssyncadd.s32 $0xFFFFE800  }
0x308: {  	[tilespmem:s5], [sflag:$0x1] =	stream.indirect.gather [hbm4b:s3+s6], $0x30, s18, s6, $0xb8;
	[tilespmem:$0x2800] =	vst v63  }
0x309: {  	_ =	swait.ge [sflag:s7], $0x1800  }
0x30a: {  	[sflag:s7] =	ssyncset.done $0x0  }
0x30b: {  	s19 =	rddreg [dreg:$0x18];
	[sflag:s7] =	ssyncadd.s32 $0xFFFFE800  }
0x30c: {  	[hbm4b:s19+s2] =	stream.linear.scatter [tilespmem:s5], [sflag:$0x2], $0x1800, $0x38;
	[tilespmem:$0x2800] =	vst v63  }
0x30d: {  	_ =	swait.ge [sflag:s4], $0x1800  }
0x30e: {  	[sflag:s4] =	ssyncset.done $0x0  }
0x30f: {  	[sflag:s4] =	ssyncadd.s32 $0xFFFFE800  }
0x310: {  	[tilespmem:s5], [sflag:$0x1] =	stream.indirect.gather [hbm4b:s3+s6], $0x30, s17, s6, $0xb8;
	[tilespmem:$0x2800] =	vst v63  }
0x311: {  	_ =	swait.ge [sflag:s7], $0x1800  }
0x312: {  	[sflag:s7] =	ssyncset.done $0x0  }
0x313: {  	s20 =	rddreg [dreg:$0x19];
	[sflag:s7] =	ssyncadd.s32 $0xFFFFE800  }
0x314: {  	[hbm4b:s20+s2] =	stream.linear.scatter [tilespmem:s5], [sflag:$0x2], $0x1800, $0x38;
	[tilespmem:$0x2800] =	vst v63  }
0x315: {  	_ =	swait.ge [sflag:s4], $0x1800  }
0x316: {  	[sflag:s4] =	ssyncset.done $0x0  }
0x317: {  	[sflag:s4] =	ssyncadd.s32 $0xFFFFE800  }
0x318: {  	[tilespmem:s5], [sflag:$0x1] =	stream.indirect.gather [hbm4b:s3+s6], $0x30, s16, s6, $0xb8;
	[tilespmem:$0x2800] =	vst v63  }
0x319: {  	_ =	swait.ge [sflag:s7], $0x1800  }
0x31a: {  	[sflag:s7] =	ssyncset.done $0x0  }
0x31b: {  	s21 =	rddreg [dreg:$0x1a];
	[sflag:s7] =	ssyncadd.s32 $0xFFFFE800  }
0x31c: {  	[hbm4b:s21+s2] =	stream.linear.scatter [tilespmem:s5], [sflag:$0x2], $0x1800, $0x38;
	[tilespmem:$0x2800] =	vst v63  }
0x31d: {  	_ =	swait.ge [sflag:s4], $0x1800  }
0x31e: {  	[sflag:s4] =	ssyncset.done $0x0  }
0x31f: {  	[sflag:s4] =	ssyncadd.s32 $0xFFFFE800  }
0x320: {  	[tilespmem:s5], [sflag:$0x1] =	stream.indirect.gather [hbm4b:s3+s6], $0x30, s15, s6, $0xb8;
	[tilespmem:$0x2800] =	vst v63  }
0x321: {  	_ =	swait.ge [sflag:s7], $0x1800  }
0x322: {  	[sflag:s7] =	ssyncset.done $0x0  }
0x323: {  	s22 =	rddreg [dreg:$0x1b];
	[sflag:s7] =	ssyncadd.s32 $0xFFFFE800  }
0x324: {  	[hbm4b:s22+s2] =	stream.linear.scatter [tilespmem:s5], [sflag:$0x2], $0x1800, $0x38;
	[tilespmem:$0x2800] =	vst v63  }
0x325: {  	_ =	swait.ge [sflag:s4], $0x1800  }
0x326: {  	[sflag:s4] =	ssyncset.done $0x0  }
0x327: {  	[sflag:s4] =	ssyncadd.s32 $0xFFFFE800  }
0x328: {  	[tilespmem:s5], [sflag:$0x1] =	stream.indirect.gather [hbm4b:s3+s6], $0x30, s14, s6, $0xb8;
	[tilespmem:$0x2800] =	vst v63  }
0x329: {  	_ =	swait.ge [sflag:s7], $0x1800  }
0x32a: {  	[sflag:s7] =	ssyncset.done $0x0  }
0x32b: {  	s23 =	rddreg [dreg:$0x1c];
	[sflag:s7] =	ssyncadd.s32 $0xFFFFE800  }
0x32c: {  	[hbm4b:s23+s2] =	stream.linear.scatter [tilespmem:s5], [sflag:$0x2], $0x1800, $0x38;
	[tilespmem:$0x2800] =	vst v63  }
0x32d: {  	_ =	swait.ge [sflag:s4], $0x1800  }
0x32e: {  	[sflag:s4] =	ssyncset.done $0x0  }
0x32f: {  	[sflag:s4] =	ssyncadd.s32 $0xFFFFE800  }
0x330: {  	[tilespmem:s5], [sflag:$0x1] =	stream.indirect.gather [hbm4b:s3+s6], $0x30, s13, s6, $0xb8;
	[tilespmem:$0x2800] =	vst v63  }
0x331: {  	_ =	swait.ge [sflag:s7], $0x1800  }
0x332: {  	[sflag:s7] =	ssyncset.done $0x0  }
0x333: {  	s24 =	rddreg [dreg:$0x1d];
	[sflag:s7] =	ssyncadd.s32 $0xFFFFE800  }
0x334: {  	[hbm4b:s24+s2] =	stream.linear.scatter [tilespmem:s5], [sflag:$0x2], $0x1800, $0x38;
	[tilespmem:$0x2800] =	vst v63  }
0x335: {  	_ =	swait.ge [sflag:s4], $0x1800  }
0x336: {  	[sflag:s4] =	ssyncset.done $0x0  }
0x337: {  	[sflag:s4] =	ssyncadd.s32 $0xFFFFE800  }
0x338: {  	[tilespmem:s5], [sflag:$0x1] =	stream.indirect.gather [hbm4b:s3+s6], $0x30, s12, s6, $0xb8;
	[tilespmem:$0x2800] =	vst v63  }
0x339: {  	_ =	swait.ge [sflag:s7], $0x1800  }
0x33a: {  	[sflag:s7] =	ssyncset.done $0x0  }
0x33b: {  	s25 =	rddreg [dreg:$0x1e];
	[sflag:s7] =	ssyncadd.s32 $0xFFFFE800  }
0x33c: {  	[hbm4b:s25+s2] =	stream.linear.scatter [tilespmem:s5], [sflag:$0x2], $0x1800, $0x38;
	[tilespmem:$0x2800] =	vst v63  }
0x33d: {  	_ =	swait.ge [sflag:s4], $0x1800  }
0x33e: {  	[sflag:s4] =	ssyncset.done $0x0  }
0x33f: {  	[sflag:s4] =	ssyncadd.s32 $0xFFFFE800  }
0x340: {  	[tilespmem:s5], [sflag:$0x1] =	stream.indirect.gather [hbm4b:s3+s6], $0x30, s11, s6, $0xb8;
	[tilespmem:$0x2800] =	vst v63  }
0x341: {  	_ =	swait.ge [sflag:s7], $0x1800  }
0x342: {  	[sflag:s7] =	ssyncset.done $0x0  }
0x343: {  	s26 =	rddreg [dreg:$0x1f];
	[sflag:s7] =	ssyncadd.s32 $0xFFFFE800  }
0x344: {  	[hbm4b:s26+s2] =	stream.linear.scatter [tilespmem:s5], [sflag:$0x2], $0x1800, $0x38;
	[tilespmem:$0x2800] =	vst v63  }
0x345: {  	_ =	swait.ge [sflag:s4], $0x1800  }
0x346: {  	[sflag:s4] =	ssyncset.done $0x0  }
0x347: {  	[sflag:s4] =	ssyncadd.s32 $0xFFFFE800  }
0x348: {  	[tilespmem:s5], [sflag:$0x1] =	stream.indirect.gather [hbm4b:s3+s6], $0x30, s10, s6, $0xb8;
	[tilespmem:$0x2800] =	vst v63  }
0x349: {  	_ =	swait.ge [sflag:s7], $0x1800  }
0x34a: {  	s28 =	sld [smem:$0x7F3]  }
0x34b: {  	[sflag:s7] =	ssyncset.done $0x0  }
0x34c: {  	[sflag:s7] =	ssyncadd.s32 $0xFFFFE800  }
0x34d: {  	[hbm4b:s28+s2] =	stream.linear.scatter [tilespmem:s5], [sflag:$0x2], $0x1800, $0x38;
	[tilespmem:$0x2800] =	vst v63  }
0x34e: {  	_ =	swait.ge [sflag:s4], $0x1800  }
0x34f: {  	[sflag:s4] =	ssyncset.done $0x0  }
0x350: {  	[sflag:s4] =	ssyncadd.s32 $0xFFFFE800  }
0x351: {  	[tilespmem:s5], [sflag:$0x1] =	stream.indirect.gather [hbm4b:s3+s6], $0x30, s9, s6, $0xb8;
	[tilespmem:$0x2800] =	vst v63  }
0x352: {  	_ =	swait.ge [sflag:s7], $0x1800  }
0x353: {  	s29 =	sld [smem:$0x7F4]  }
0x354: {  	[sflag:s7] =	ssyncset.done $0x0  }
0x355: {  	[sflag:s7] =	ssyncadd.s32 $0xFFFFE800  }
0x356: {  	[hbm4b:s29+s2] =	stream.linear.scatter [tilespmem:s5], [sflag:$0x2], $0x1800, $0x38;
	[tilespmem:$0x2800] =	vst v63  }
0x357: {  	_ =	swait.ge [sflag:s4], $0x1800  }
0x358: {  	[sflag:s4] =	ssyncset.done $0x0  }
0x359: {  	[sflag:s4] =	ssyncadd.s32 $0xFFFFE800  }
0x35a: {  	[tilespmem:s5], [sflag:$0x1] =	stream.indirect.gather [hbm4b:s3+s6], $0x30, s8, s6, $0xb8;
	[tilespmem:$0x2800] =	vst v63  }
0x35b: {  	_ =	swait.ge [sflag:s7], $0x1800  }
0x35c: {  	s30 =	sld [smem:$0x7F5]  }
0x35d: {  	[sflag:s7] =	ssyncset.done $0x0  }
0x35e: {  	[sflag:s7] =	ssyncadd.s32 $0xFFFFE800  }
0x35f: {  	[hbm4b:s30+s2] =	stream.linear.scatter [tilespmem:s5], [sflag:$0x2], $0x1800, $0x38;
	[tilespmem:$0x2800] =	vst v63  }
0x360: {  	_ =	swait.ge [sflag:s4], $0x1800  }
0x361: {  	[sflag:s4] =	ssyncset.done $0x0  }
0x362: {  	[sflag:s4] =	ssyncadd.s32 $0xFFFFE800  }
0x363: {  	_ =	sfence.sel $0x180000  }
0x364: {  	[bflag:$0x0] =	sbarrier.arrive $0xFFFF  }
0x365: {  	_ =	strace $0x90000047  }
0x366: {  	s31 =	stileid.u32;
	[bflag:$0x2] =	sbarrier.arrive $0xFFFF  }
0x367: {  	p0 =	sne.s32 s31, $0x0;
	s0 =	rddreg [dreg:$0x2]  }
0x368: {  	s0 =	sadd.s32 @!p0 $0x100000, s0  }
0x369: {  	[sflag:s0] =	ssyncadd.tile.s32 @!p0 $0x1;
	_ =	shalt  }
.Lfunc_end2:
_tile_overlayer_lowered:
.L_overlay_start_2:
0x36a: {  	(tag) =	ssettag $0x2  }
0x36b: {  	s0 =	rddreg [dreg:$0x0];
	s2 =	stileid.u32  }
0x36c: {  	s1 =	rddreg [dreg:$0x1];
	p0 =	sne.s32 s2, $0x0  }
0x36d: {  	s3 =	rddreg [dreg:$0x2];
	[bflag:$0x3] =	sbarrier.arrive $0xFFFF;
	s2 =	simm.s32 @!p0 $0x1C02  }
0x36e: {  	[timem:s3], [sflag:s2] =	dma.local @!p0 [hbm:s0], s1  }
0x36f: {  	s0 =	simm.s32 @!p0 $0x2  }
0x370: {  	_ =	swait.ge @!p0 [sflag:s0], s1  }
0x371: {  	s1 =	ssub.s32 @!p0 $0x0, s1;
	[sflag:s0] =	ssyncset.done @!p0 $0x0  }
0x372: {  	[sflag:s0] =	ssyncadd.s32 @!p0 s1  }
0x373: {  	[bflag:$0x3] =	sbarrier.arrive $0xFFFF  }
0x374: {  	_ =	shalt  }

</sc_bundles>
